<compile_context>
chip_gen: v7x
topology: tpu7x:2x2x1
jax: 0.10.2.dev20260603
libtpu: 0.0.44.dev20260713+nightly
codegen_flags: <defaults>
</compile_context>

<pallas_src>
import jax
import jax.numpy as jnp
from jax import lax
from jax.experimental import pallas as pl
from jax.experimental.pallas import tpu as pltpu
from jax.experimental.pallas import tpu_sc as plsc

N = 10000
E = 320000
D = 128

NC = 2
NS = 16
NW = NC * NS
NPAD = 10240
STRIPE = NPAD // NS

KA = 128
NBUF = 2
CRA = 20
RSLOW = 4
RFAST = 4
SLOW_CID = 0
TOTR = NS * (RSLOW + RFAST)
EPAD = TOTR * CRA * KA

KD = 128
RD = 4
CD = ((E + NW * KD - 1) // (NW * KD) + RD - 1) // RD * RD
CRD = CD // RD

BLK = 1000
GRID = N // BLK



def _tc_pre_body(x_ref, wl_ref, wr_ref, b_ref, z_ref, r_ref):
    xb = x_ref[...]
    z_ref[...] = jnp.dot(xb, wl_ref[...], preferred_element_type=jnp.float32)
    r_ref[...] = (jnp.dot(xb, wr_ref[...], preferred_element_type=jnp.float32)
                  + b_ref[...])


def _tc_pre(x, wl, wr, b):
    return pl.pallas_call(
        _tc_pre_body,
        grid=(GRID,),
        in_specs=[
            pl.BlockSpec((BLK, D), lambda i: (i, 0)),
            pl.BlockSpec((D, D), lambda i: (0, 0)),
            pl.BlockSpec((D, D), lambda i: (0, 0)),
            pl.BlockSpec((1, D), lambda i: (0, 0)),
        ],
        out_specs=[
            pl.BlockSpec((BLK, D), lambda i: (i, 0)),
            pl.BlockSpec((BLK, D), lambda i: (i, 0)),
        ],
        out_shape=[
            jax.ShapeDtypeStruct((N, D), jnp.float32),
            jax.ShapeDtypeStruct((N, D), jnp.float32),
        ],
    )(x, wl, wr, b)


def _tc_mid_body(agg_ref, degp_ref, r1_ref, wl_ref, wr_ref, b_ref,
                 z2_ref, r2_ref):
    deg = (degp_ref[0] + degp_ref[1])[:, 0:1]
    rdeg = 1.0 / jnp.maximum(deg, 1.0)
    mean = (agg_ref[0] + agg_ref[1]) * rdeg
    h = jnp.maximum(mean + r1_ref[...], 0.0)
    z2_ref[...] = jnp.dot(h, wl_ref[...], preferred_element_type=jnp.float32)
    r2_ref[...] = (jnp.dot(h, wr_ref[...], preferred_element_type=jnp.float32)
                   + b_ref[...])


def _tc_mid(agg, degp, r1, wl, wr, b):
    return pl.pallas_call(
        _tc_mid_body,
        grid=(GRID,),
        in_specs=[
            pl.BlockSpec((NC, BLK, D), lambda i: (0, i, 0)),
            pl.BlockSpec((NC, BLK, D), lambda i: (0, i, 0)),
            pl.BlockSpec((BLK, D), lambda i: (i, 0)),
            pl.BlockSpec((D, D), lambda i: (0, 0)),
            pl.BlockSpec((D, D), lambda i: (0, 0)),
            pl.BlockSpec((1, D), lambda i: (0, 0)),
        ],
        out_specs=[
            pl.BlockSpec((BLK, D), lambda i: (i, 0)),
            pl.BlockSpec((BLK, D), lambda i: (i, 0)),
        ],
        out_shape=[
            jax.ShapeDtypeStruct((N, D), jnp.float32),
            jax.ShapeDtypeStruct((N, D), jnp.float32),
        ],
    )(agg, degp, r1, wl, wr, b)


def _tc_post_body(agg_ref, degp_ref, r2_ref, out_ref):
    deg = (degp_ref[0] + degp_ref[1])[:, 0:1]
    rdeg = 1.0 / jnp.maximum(deg, 1.0)
    o = (agg_ref[0] + agg_ref[1]) * rdeg + r2_ref[...]
    m = jnp.max(o, axis=-1, keepdims=True)
    lse = jnp.log(jnp.sum(jnp.exp(o - m), axis=-1, keepdims=True)) + m
    out_ref[...] = o - lse


def _tc_post(agg, degp, r2):
    return pl.pallas_call(
        _tc_post_body,
        grid=(GRID,),
        in_specs=[
            pl.BlockSpec((NC, BLK, D), lambda i: (0, i, 0)),
            pl.BlockSpec((NC, BLK, D), lambda i: (0, i, 0)),
            pl.BlockSpec((BLK, D), lambda i: (i, 0)),
        ],
        out_specs=pl.BlockSpec((BLK, D), lambda i: (i, 0)),
        out_shape=jax.ShapeDtypeStruct((N, D), jnp.float32),
    )(agg, degp, r2)



def _sc_agg(z, srcw, dstw, zrow):
    mesh = plsc.VectorSubcoreMesh(core_axis_name="c", subcore_axis_name="s")

    def body(z_hbm, srcw_hbm, dstw_hbm, zrow_hbm, agg_out, *rest):
        src_all, dst_all = rest[0], rest[1]
        rows = rest[2:2 + NBUF]
        sems = rest[2 + NBUF:2 + 2 * NBUF]
        agg_sp = rest[2 + 2 * NBUF]
        cid = lax.axis_index("c")
        sid = lax.axis_index("s")
        on_slow = cid == SLOW_CID
        nr = lax.select(on_slow, RSLOW, RFAST)
        base = lax.select(on_slow, sid * RSLOW,
                          NS * RSLOW + sid * RFAST)

        stripe = pl.ds(sid * STRIPE, STRIPE)
        pltpu.sync_copy(zrow_hbm, agg_sp.at[stripe])
        plsc.subcore_barrier()

        def fire(j, b):
            pltpu.async_copy(z_hbm.at[src_all.at[j]], rows[b], sems[b])

        def fire_dyn(j, b):
            @pl.when(j < CRA)
            def _():
                fire(j, b)

        def drain(j, b):
            pltpu.make_async_copy(z_hbm.at[src_all.at[j]],
                                  rows[b], sems[b]).wait()
            pltpu.sync_copy(rows[b], agg_sp.at[dst_all.at[j]], add=True)

        def rnd(r, carry):
            pltpu.sync_copy(srcw_hbm.at[base + r], src_all)
            pltpu.sync_copy(dstw_hbm.at[base + r], dst_all)
            for b in range(NBUF - 1):
                fire(b, b)

            def grp(jj, c2):
                j0 = jj * NBUF
                for b in range(NBUF):
                    fire_dyn(j0 + b + NBUF - 1, (b + NBUF - 1) % NBUF)
                    drain(j0 + b, b)
                return c2
            return lax.fori_loop(0, CRA // NBUF, grp, carry)
        lax.fori_loop(0, nr, rnd, 0)

        plsc.subcore_barrier()
        pltpu.sync_copy(agg_sp.at[stripe], agg_out.at[cid].at[stripe])

    run = pl.kernel(
        body,
        out_type=jax.ShapeDtypeStruct((NC, NPAD, D), jnp.float32),
        mesh=mesh,
        scratch_types=(
            pltpu.VMEM((CRA, KA), jnp.int32),
            pltpu.VMEM((CRA, KA), jnp.int32),
        ) + tuple(pltpu.VMEM((KA, D), jnp.float32) for _ in range(NBUF))
          + tuple(pltpu.SemaphoreType.DMA for _ in range(NBUF)) + (
            pltpu.VMEM_SHARED((NPAD, D), jnp.float32),
        ),
    )
    return run(z, srcw, dstw, zrow)


def _sc_deg(dstw, zrow, ones_in):
    mesh = plsc.VectorSubcoreMesh(core_axis_name="c", subcore_axis_name="s")

    def body(dstw_hbm, zrow_hbm, ones_hbm, deg_out,
             dst_all, ones_v, deg_sp):
        cid = lax.axis_index("c")
        sid = lax.axis_index("s")
        wid = cid * NS + sid

        stripe = pl.ds(sid * STRIPE, STRIPE)
        pltpu.sync_copy(zrow_hbm, deg_sp.at[stripe])
        pltpu.sync_copy(ones_hbm, ones_v)
        plsc.subcore_barrier()

        def rnd(r, carry):
            pltpu.sync_copy(dstw_hbm.at[wid].at[r], dst_all)

            def chunk(j, c2):
                pltpu.sync_copy(ones_v, deg_sp.at[dst_all.at[j]], add=True)
                return c2
            return lax.fori_loop(0, CRD, chunk, carry)
        lax.fori_loop(0, RD, rnd, 0)

        plsc.subcore_barrier()
        pltpu.sync_copy(deg_sp.at[stripe], deg_out.at[cid].at[stripe])

    run = pl.kernel(
        body,
        out_type=jax.ShapeDtypeStruct((NC, NPAD, D), jnp.float32),
        mesh=mesh,
        scratch_types=(
            pltpu.VMEM((CRD, KD), jnp.int32),
            pltpu.VMEM((KD, D), jnp.float32),
            pltpu.VMEM_SHARED((NPAD, D), jnp.float32),
        ),
    )
    return run(dstw, zrow, ones_in)



def kernel(x, edge_index, W1l, b1l, W1r, W2l, b2l, W2r):
    src = edge_index[0].astype(jnp.int32)
    dst = edge_index[1].astype(jnp.int32)
    src = jnp.concatenate([src, jnp.zeros((EPAD - E,), jnp.int32)])
    dst = jnp.concatenate([dst, jnp.full((EPAD - E,), N, jnp.int32)])
    srcw = src.reshape(TOTR, CRA, KA)
    dstw = dst.reshape(TOTR, CRA, KA)
    dstd = dst.reshape(NW, RD, CRD, KD)
    zrow = jnp.zeros((STRIPE, D), jnp.float32)
    ones_in = jnp.ones((KD, D), jnp.float32)

    b1 = b1l.reshape(1, D)
    b2 = b2l.reshape(1, D)

    degp = _sc_deg(dstd, zrow, ones_in)
    z1, r1 = _tc_pre(x, W1l, W1r, b1)
    agg1 = _sc_agg(z1, srcw, dstw, zrow)
    z2, r2 = _tc_mid(agg1, degp, r1, W2l, W2r, b2)
    agg2 = _sc_agg(z2, srcw, dstw, zrow)
    return _tc_post(agg2, degp, r2)

# --- scband reference (transcript-rebuilt; emitter-appended) ---
"""Pipeline reference for scband-gnn-37709812859001 (READ-ONLY COPY).

The authoritative reference and input builder live on the scoring server;
editing this copy changes nothing except your own understanding.
"""

import jax, jax.numpy as jnp
import numpy as np

N_NODES = 10000
N_EDGES = 320000
D_FEAT = 128
HIDDEN = 128
OUT = 128


def setup_inputs(seed: int = 0) -> dict:
    key = jax.random.key(seed)
    k1, k2, k3, k4, k5, k6, k7, k8 = jax.random.split(key, 8)
    x = jax.random.normal(k1, (N_NODES, D_FEAT), dtype=jnp.float32)
    edge_index = jax.random.randint(k2, (2, N_EDGES), 0, N_NODES, dtype=jnp.int64)
    s1 = 1.0 / np.sqrt(D_FEAT)
    s2 = 1.0 / np.sqrt(HIDDEN)
    W1l = jax.random.uniform(k3, (D_FEAT, HIDDEN), jnp.float32, -s1, s1)
    b1l = jax.random.uniform(k4, (HIDDEN,), jnp.float32, -s1, s1)
    W1r = jax.random.uniform(k5, (D_FEAT, HIDDEN), jnp.float32, -s1, s1)
    W2l = jax.random.uniform(k6, (HIDDEN, OUT), jnp.float32, -s2, s2)
    b2l = jax.random.uniform(k7, (OUT,), jnp.float32, -s2, s2)
    W2r = jax.random.uniform(k8, (HIDDEN, OUT), jnp.float32, -s2, s2)
    return {"x": x, "edge_index": edge_index, "W1l": W1l, "b1l": b1l, "W1r": W1r, "W2l": W2l, "b2l": b2l, "W2r": W2r}


def _sage_conv(x, edge_index, Wl, bl, Wr):
    # PyG SAGEConv with mean aggregation:
    # out = lin_l(mean_{j in N(i)} x_j) + lin_r(x_i)
    src = edge_index[0]
    dst = edge_index[1]
    n = x.shape[0]
    msg = jnp.take(x, src, axis=0)                     # gather
    agg = jax.ops.segment_sum(msg, dst, num_segments=n)  # scatter-add
    deg = jax.ops.segment_sum(jnp.ones((src.shape[0],), dtype=x.dtype), dst, num_segments=n)
    mean = agg / jnp.clip(deg, 1.0, None)[:, None]
    return mean @ Wl + bl + x @ Wr


def reference(x, edge_index, W1l, b1l, W1r, W2l, b2l, W2r):
    h = jax.nn.relu(_sage_conv(x, edge_index, W1l, b1l, W1r))
    # dropout is identity in eval mode
    out = _sage_conv(h, edge_index, W2l, b2l, W2r)
    return jax.nn.log_softmax(out, axis=-1)

if __name__ == "__main__":
    import jax
    _d = setup_inputs()
    print(jax.jit(kernel)(*tuple(_d.values())))

</pallas_src>

<mosaic_0001>
#map = affine_map<(d0, d1) -> (0, 0, 0, 0)>
#map1 = affine_map<(d0, d1) -> (0, 0)>
#map2 = affine_map<(d0, d1) -> (0, 0, 0)>
module attributes {stable_mosaic.version = 14 : i64} {
  func.func @body(%arg0: i32, %arg1: i32, %arg2: memref<32x4x20x128xi32, #tpu.memory_space<hbm>>, %arg3: memref<640x128xf32, #tpu.memory_space<hbm>>, %arg4: memref<128x128xf32, #tpu.memory_space<hbm>>, %arg5: memref<2x10240x128xf32, #tpu.memory_space<hbm>>, %arg6: memref<20x128xi32, #tpu.memory_space<vmem>>, %arg7: memref<128x128xf32, #tpu.memory_space<vmem>>, %arg8: memref<10240x128xf32, #tpu.memory_space<vmem_shared>>) attributes {dimension_semantics = [#tpu.dimension_semantics<core_parallel>, #tpu.dimension_semantics<subcore_parallel>], iteration_bounds = array<i64: 2, 16>, scalar_prefetch = 0 : i64, scratch_operands = 3 : i64, tpu.core_type = #tpu.core_type<sc_vector_subcore>, window_params = [{transform_indices = #map}, {transform_indices = #map1}, {transform_indices = #map1}, {transform_indices = #map2}]} {
    %mul3A = arith.constant 16 : i32
    %mul3A_0 = arith.muli %arg0, %mul3A : i32
    %add3A = arith.addi %mul3A_0, %arg1 : i32
    %mul3A_1 = arith.constant 640 : i32
    %mul3A_2 = arith.muli %arg1, %mul3A_1 : i32
    "tpu.region"() ({
      %run_scoped3A = tpu.sem_alloc : memref<!tpu.dma_semaphore, #tpu.memory_space<semaphore_mem>>
      %dma_start3A = arith.constant 0 : i32
      %dma_start3A_9 = tpu.memref_slice %arg8[%mul3A_2, %dma_start3A] : memref<10240x128xf32, #tpu.memory_space<vmem_shared>> -> memref<640x128xf32, #tpu.memory_space<vmem_shared>>
      tpu.enqueue_dma source(%arg3 : memref<640x128xf32, #tpu.memory_space<hbm>>) target(%dma_start3A_9 : memref<640x128xf32, #tpu.memory_space<vmem_shared>>) target_semaphore(%run_scoped3A : memref<!tpu.dma_semaphore, #tpu.memory_space<semaphore_mem>>)
      %dma_wait3A = arith.constant 0 : i32
      %dma_wait3A_10 = tpu.memref_slice %arg8[%mul3A_2, %dma_wait3A] : memref<10240x128xf32, #tpu.memory_space<vmem_shared>> -> memref<640x128xf32, #tpu.memory_space<vmem_shared>>
      tpu.wait_dma2 semaphore(%run_scoped3A : memref<!tpu.dma_semaphore, #tpu.memory_space<semaphore_mem>>) src(%arg3 : memref<640x128xf32, #tpu.memory_space<hbm>>) dst(%dma_wait3A_10 : memref<640x128xf32, #tpu.memory_space<vmem_shared>>)
      tpu.yield
    }) : () -> ()
    "tpu.region"() ({
      %run_scoped3A = tpu.sem_alloc : memref<!tpu.dma_semaphore, #tpu.memory_space<semaphore_mem>>
      tpu.enqueue_dma source(%arg4 : memref<128x128xf32, #tpu.memory_space<hbm>>) target(%arg7 : memref<128x128xf32, #tpu.memory_space<vmem>>) target_semaphore(%run_scoped3A : memref<!tpu.dma_semaphore, #tpu.memory_space<semaphore_mem>>)
      tpu.wait_dma2 semaphore(%run_scoped3A : memref<!tpu.dma_semaphore, #tpu.memory_space<semaphore_mem>>) src(%arg4 : memref<128x128xf32, #tpu.memory_space<hbm>>) dst(%arg7 : memref<128x128xf32, #tpu.memory_space<vmem>>)
      tpu.yield
    }) : () -> ()
    %barrier3A = arith.constant 0 : index
    tpu.barrier barrier_id(%barrier3A)
    %scan3A = arith.constant 0 : i32
    %scan3A_3 = arith.constant 0 : i32
    %scan3A_4 = arith.constant 4 : i32
    %scan3A_5 = arith.addi %scan3A_3, %scan3A_4 : i32
    %scan3A_6 = arith.constant 1 : i32
    scf.for %scan3A_9 = %scan3A_3 to %scan3A_5 step %scan3A_6  : i32 {
      "tpu.region"() ({
        %run_scoped3A = tpu.sem_alloc : memref<!tpu.dma_semaphore, #tpu.memory_space<semaphore_mem>>
        %dma_start3A = arith.constant 0 : i32
        %dma_start3A_15 = arith.constant 0 : i32
        %dma_start3A_16 = arith.constant 0 : i32
        %dma_start3A_17 = tpu.memref_slice %arg2[%add3A, %dma_start3A, %dma_start3A_15, %dma_start3A_16] : memref<32x4x20x128xi32, #tpu.memory_space<hbm>> -> memref<1x4x20x128xi32, #tpu.memory_space<hbm>>
        %dma_start3A_18 = tpu.memref_squeeze %dma_start3A_17 : memref<1x4x20x128xi32, #tpu.memory_space<hbm>> -> memref<4x20x128xi32, #tpu.memory_space<hbm>>
        %dma_start3A_19 = arith.constant 0 : i32
        %dma_start3A_20 = arith.constant 0 : i32
        %dma_start3A_21 = tpu.memref_slice %dma_start3A_18[%scan3A_9, %dma_start3A_19, %dma_start3A_20] : memref<4x20x128xi32, #tpu.memory_space<hbm>> -> memref<1x20x128xi32, #tpu.memory_space<hbm>>
        %dma_start3A_22 = tpu.memref_squeeze %dma_start3A_21 : memref<1x20x128xi32, #tpu.memory_space<hbm>> -> memref<20x128xi32, #tpu.memory_space<hbm>>
        %dma_start3A_23 = arith.constant 0 : i32
        %dma_start3A_24 = arith.constant 0 : i32
        %dma_start3A_25 = arith.constant 0 : i32
        %dma_start3A_26 = tpu.memref_slice %arg2[%add3A, %dma_start3A_23, %dma_start3A_24, %dma_start3A_25] : memref<32x4x20x128xi32, #tpu.memory_space<hbm>> -> memref<1x4x20x128xi32, #tpu.memory_space<hbm>>
        %dma_start3A_27 = tpu.memref_squeeze %dma_start3A_26 : memref<1x4x20x128xi32, #tpu.memory_space<hbm>> -> memref<4x20x128xi32, #tpu.memory_space<hbm>>
        %dma_start3A_28 = arith.constant 0 : i32
        %dma_start3A_29 = arith.constant 0 : i32
        %dma_start3A_30 = tpu.memref_slice %dma_start3A_27[%scan3A_9, %dma_start3A_28, %dma_start3A_29] : memref<4x20x128xi32, #tpu.memory_space<hbm>> -> memref<1x20x128xi32, #tpu.memory_space<hbm>>
        %dma_start3A_31 = tpu.memref_squeeze %dma_start3A_30 : memref<1x20x128xi32, #tpu.memory_space<hbm>> -> memref<20x128xi32, #tpu.memory_space<hbm>>
        tpu.enqueue_dma source(%dma_start3A_31 : memref<20x128xi32, #tpu.memory_space<hbm>>) target(%arg6 : memref<20x128xi32, #tpu.memory_space<vmem>>) target_semaphore(%run_scoped3A : memref<!tpu.dma_semaphore, #tpu.memory_space<semaphore_mem>>)
        %dma_wait3A = arith.constant 0 : i32
        %dma_wait3A_32 = arith.constant 0 : i32
        %dma_wait3A_33 = arith.constant 0 : i32
        %dma_wait3A_34 = tpu.memref_slice %arg2[%add3A, %dma_wait3A, %dma_wait3A_32, %dma_wait3A_33] : memref<32x4x20x128xi32, #tpu.memory_space<hbm>> -> memref<1x4x20x128xi32, #tpu.memory_space<hbm>>
        %dma_wait3A_35 = tpu.memref_squeeze %dma_wait3A_34 : memref<1x4x20x128xi32, #tpu.memory_space<hbm>> -> memref<4x20x128xi32, #tpu.memory_space<hbm>>
        %dma_wait3A_36 = arith.constant 0 : i32
        %dma_wait3A_37 = arith.constant 0 : i32
        %dma_wait3A_38 = tpu.memref_slice %dma_wait3A_35[%scan3A_9, %dma_wait3A_36, %dma_wait3A_37] : memref<4x20x128xi32, #tpu.memory_space<hbm>> -> memref<1x20x128xi32, #tpu.memory_space<hbm>>
        %dma_wait3A_39 = tpu.memref_squeeze %dma_wait3A_38 : memref<1x20x128xi32, #tpu.memory_space<hbm>> -> memref<20x128xi32, #tpu.memory_space<hbm>>
        %dma_wait3A_40 = arith.constant 0 : i32
        %dma_wait3A_41 = arith.constant 0 : i32
        %dma_wait3A_42 = arith.constant 0 : i32
        %dma_wait3A_43 = tpu.memref_slice %arg2[%add3A, %dma_wait3A_40, %dma_wait3A_41, %dma_wait3A_42] : memref<32x4x20x128xi32, #tpu.memory_space<hbm>> -> memref<1x4x20x128xi32, #tpu.memory_space<hbm>>
        %dma_wait3A_44 = tpu.memref_squeeze %dma_wait3A_43 : memref<1x4x20x128xi32, #tpu.memory_space<hbm>> -> memref<4x20x128xi32, #tpu.memory_space<hbm>>
        %dma_wait3A_45 = arith.constant 0 : i32
        %dma_wait3A_46 = arith.constant 0 : i32
        %dma_wait3A_47 = tpu.memref_slice %dma_wait3A_44[%scan3A_9, %dma_wait3A_45, %dma_wait3A_46] : memref<4x20x128xi32, #tpu.memory_space<hbm>> -> memref<1x20x128xi32, #tpu.memory_space<hbm>>
        %dma_wait3A_48 = tpu.memref_squeeze %dma_wait3A_47 : memref<1x20x128xi32, #tpu.memory_space<hbm>> -> memref<20x128xi32, #tpu.memory_space<hbm>>
        tpu.wait_dma2 semaphore(%run_scoped3A : memref<!tpu.dma_semaphore, #tpu.memory_space<semaphore_mem>>) src(%dma_wait3A_48 : memref<20x128xi32, #tpu.memory_space<hbm>>) dst(%arg6 : memref<20x128xi32, #tpu.memory_space<vmem>>)
        tpu.yield
      }) : () -> ()
      %scan3A_10 = arith.constant 0 : i32
      %scan3A_11 = arith.constant 20 : i32
      %scan3A_12 = arith.addi %scan3A_10, %scan3A_11 : i32
      %scan3A_13 = arith.constant 1 : i32
      scf.for %scan3A_15 = %scan3A_10 to %scan3A_12 step %scan3A_13  : i32 {
        "tpu.region"() ({
          %run_scoped3A = tpu.sem_alloc : memref<!tpu.dma_semaphore, #tpu.memory_space<semaphore_mem>>
          %dma_start3A = arith.constant 0 : i32
          %dma_start3A_16 = tpu.memref_slice %arg6[%scan3A_15, %dma_start3A] : memref<20x128xi32, #tpu.memory_space<vmem>> -> memref<1x128xi32, #tpu.memory_space<vmem>>
          %dma_start3A_17 = tpu.memref_squeeze %dma_start3A_16 : memref<1x128xi32, #tpu.memory_space<vmem>> -> memref<128xi32, #tpu.memory_space<vmem>>
          %dma_start3A_18 = arith.constant 0 : i32
          %dma_start3A_19 = arith.constant 0 : i32
          %dma_start3A_20 = tpu.memref_slice %arg8[%dma_start3A_18, %dma_start3A_19] : memref<10240x128xf32, #tpu.memory_space<vmem_shared>> -> memref<10240x128xf32, #tpu.memory_space<vmem_shared>>
          tpu.enqueue_indirect_dma source(%arg7 : memref<128x128xf32, #tpu.memory_space<vmem>>) target(%dma_start3A_20 : memref<10240x128xf32, #tpu.memory_space<vmem_shared>>) offsets(%dma_start3A_17 : memref<128xi32, #tpu.memory_space<vmem>>) semaphore(%run_scoped3A : memref<!tpu.dma_semaphore, #tpu.memory_space<semaphore_mem>>) {add = true}
          %dma_wait3A = arith.constant 0 : i32
          %dma_wait3A_21 = tpu.memref_slice %arg6[%scan3A_15, %dma_wait3A] : memref<20x128xi32, #tpu.memory_space<vmem>> -> memref<1x128xi32, #tpu.memory_space<vmem>>
          %dma_wait3A_22 = tpu.memref_squeeze %dma_wait3A_21 : memref<1x128xi32, #tpu.memory_space<vmem>> -> memref<128xi32, #tpu.memory_space<vmem>>
          %dma_wait3A_23 = arith.constant 0 : i32
          %dma_wait3A_24 = arith.constant 0 : i32
          %dma_wait3A_25 = tpu.memref_slice %arg8[%dma_wait3A_23, %dma_wait3A_24] : memref<10240x128xf32, #tpu.memory_space<vmem_shared>> -> memref<10240x128xf32, #tpu.memory_space<vmem_shared>>
          tpu.wait_indirect_dma semaphore(%run_scoped3A : memref<!tpu.dma_semaphore, #tpu.memory_space<semaphore_mem>>) src(%arg7 : memref<128x128xf32, #tpu.memory_space<vmem>>) dst(%dma_wait3A_25 : memref<10240x128xf32, #tpu.memory_space<vmem_shared>>)
          tpu.yield
        }) : () -> ()
      }
      %scan3A_14 = arith.constant 20 : i32
    }
    %scan3A_7 = arith.constant 4 : i32
    %barrier3A_8 = arith.constant 0 : index
    tpu.barrier barrier_id(%barrier3A_8)
    "tpu.region"() ({
      %run_scoped3A = tpu.sem_alloc : memref<!tpu.dma_semaphore, #tpu.memory_space<semaphore_mem>>
      %dma_start3A = arith.constant 0 : i32
      %dma_start3A_9 = arith.constant 0 : i32
      %dma_start3A_10 = tpu.memref_slice %arg5[%arg0, %dma_start3A, %dma_start3A_9] : memref<2x10240x128xf32, #tpu.memory_space<hbm>> -> memref<1x10240x128xf32, #tpu.memory_space<hbm>>
      %dma_start3A_11 = tpu.memref_squeeze %dma_start3A_10 : memref<1x10240x128xf32, #tpu.memory_space<hbm>> -> memref<10240x128xf32, #tpu.memory_space<hbm>>
      %dma_start3A_12 = arith.constant 0 : i32
      %dma_start3A_13 = tpu.memref_slice %dma_start3A_11[%mul3A_2, %dma_start3A_12] : memref<10240x128xf32, #tpu.memory_space<hbm>> -> memref<640x128xf32, #tpu.memory_space<hbm>>
      %dma_start3A_14 = arith.constant 0 : i32
      %dma_start3A_15 = tpu.memref_slice %arg8[%mul3A_2, %dma_start3A_14] : memref<10240x128xf32, #tpu.memory_space<vmem_shared>> -> memref<640x128xf32, #tpu.memory_space<vmem_shared>>
      tpu.enqueue_dma source(%dma_start3A_15 : memref<640x128xf32, #tpu.memory_space<vmem_shared>>) target(%dma_start3A_13 : memref<640x128xf32, #tpu.memory_space<hbm>>) target_semaphore(%run_scoped3A : memref<!tpu.dma_semaphore, #tpu.memory_space<semaphore_mem>>)
      %dma_wait3A = arith.constant 0 : i32
      %dma_wait3A_16 = arith.constant 0 : i32
      %dma_wait3A_17 = tpu.memref_slice %arg5[%arg0, %dma_wait3A, %dma_wait3A_16] : memref<2x10240x128xf32, #tpu.memory_space<hbm>> -> memref<1x10240x128xf32, #tpu.memory_space<hbm>>
      %dma_wait3A_18 = tpu.memref_squeeze %dma_wait3A_17 : memref<1x10240x128xf32, #tpu.memory_space<hbm>> -> memref<10240x128xf32, #tpu.memory_space<hbm>>
      %dma_wait3A_19 = arith.constant 0 : i32
      %dma_wait3A_20 = tpu.memref_slice %dma_wait3A_18[%mul3A_2, %dma_wait3A_19] : memref<10240x128xf32, #tpu.memory_space<hbm>> -> memref<640x128xf32, #tpu.memory_space<hbm>>
      %dma_wait3A_21 = arith.constant 0 : i32
      %dma_wait3A_22 = tpu.memref_slice %arg8[%mul3A_2, %dma_wait3A_21] : memref<10240x128xf32, #tpu.memory_space<vmem_shared>> -> memref<640x128xf32, #tpu.memory_space<vmem_shared>>
      tpu.wait_dma2 semaphore(%run_scoped3A : memref<!tpu.dma_semaphore, #tpu.memory_space<semaphore_mem>>) src(%dma_wait3A_22 : memref<640x128xf32, #tpu.memory_space<vmem_shared>>) dst(%dma_wait3A_20 : memref<640x128xf32, #tpu.memory_space<hbm>>)
      tpu.yield
    }) : () -> ()
    return
  }
}

#map = affine_map<(d0, d1) -> (0, 0)>
#map1 = affine_map<(d0, d1) -> (0, 0, 0)>
module attributes {stable_mosaic.version = 14 : i64} {
  func.func @body(%arg0: i32, %arg1: i32, %arg2: memref<10000x128xf32, #tpu.memory_space<hbm>>, %arg3: memref<128x20x128xi32, #tpu.memory_space<hbm>>, %arg4: memref<128x20x128xi32, #tpu.memory_space<hbm>>, %arg5: memref<640x128xf32, #tpu.memory_space<hbm>>, %arg6: memref<2x10240x128xf32, #tpu.memory_space<hbm>>, %arg7: memref<20x128xi32, #tpu.memory_space<vmem>>, %arg8: memref<20x128xi32, #tpu.memory_space<vmem>>, %arg9: memref<128x128xf32, #tpu.memory_space<vmem>>, %arg10: memref<128x128xf32, #tpu.memory_space<vmem>>, %arg11: memref<!tpu.dma_semaphore, #tpu.memory_space<semaphore_mem>>, %arg12: memref<!tpu.dma_semaphore, #tpu.memory_space<semaphore_mem>>, %arg13: memref<10240x128xf32, #tpu.memory_space<vmem_shared>>) attributes {dimension_semantics = [#tpu.dimension_semantics<core_parallel>, #tpu.dimension_semantics<subcore_parallel>], iteration_bounds = array<i64: 2, 16>, scalar_prefetch = 0 : i64, scratch_operands = 7 : i64, tpu.core_type = #tpu.core_type<sc_vector_subcore>, window_params = [{transform_indices = #map}, {transform_indices = #map1}, {transform_indices = #map1}, {transform_indices = #map}, {transform_indices = #map1}]} {
    %eq3A = arith.constant 0 : i32
    %eq3A_0 = arith.cmpi eq, %arg0, %eq3A : i32
    %select_n3A = arith.constant 4 : i32
    %select_n3A_1 = arith.constant 4 : i32
    %select_n3A_2 = arith.select %eq3A_0, %select_n3A_1, %select_n3A : i32
    %mul3A = arith.constant 4 : i32
    %mul3A_3 = arith.muli %arg1, %mul3A : i32
    %mul3A_4 = arith.constant 4 : i32
    %mul3A_5 = arith.muli %arg1, %mul3A_4 : i32
    %add3A = arith.constant 64 : i32
    %add3A_6 = arith.addi %add3A, %mul3A_5 : i32
    %select_n3A_7 = arith.select %eq3A_0, %mul3A_3, %add3A_6 : i32
    %mul3A_8 = arith.constant 640 : i32
    %mul3A_9 = arith.muli %arg1, %mul3A_8 : i32
    "tpu.region"() ({
      %run_scoped3A = tpu.sem_alloc : memref<!tpu.dma_semaphore, #tpu.memory_space<semaphore_mem>>
      %dma_start3A = arith.constant 0 : i32
      %dma_start3A_20 = tpu.memref_slice %arg13[%mul3A_9, %dma_start3A] : memref<10240x128xf32, #tpu.memory_space<vmem_shared>> -> memref<640x128xf32, #tpu.memory_space<vmem_shared>>
      tpu.enqueue_dma source(%arg5 : memref<640x128xf32, #tpu.memory_space<hbm>>) target(%dma_start3A_20 : memref<640x128xf32, #tpu.memory_space<vmem_shared>>) target_semaphore(%run_scoped3A : memref<!tpu.dma_semaphore, #tpu.memory_space<semaphore_mem>>)
      %dma_wait3A = arith.constant 0 : i32
      %dma_wait3A_21 = tpu.memref_slice %arg13[%mul3A_9, %dma_wait3A] : memref<10240x128xf32, #tpu.memory_space<vmem_shared>> -> memref<640x128xf32, #tpu.memory_space<vmem_shared>>
      tpu.wait_dma2 semaphore(%run_scoped3A : memref<!tpu.dma_semaphore, #tpu.memory_space<semaphore_mem>>) src(%arg5 : memref<640x128xf32, #tpu.memory_space<hbm>>) dst(%dma_wait3A_21 : memref<640x128xf32, #tpu.memory_space<vmem_shared>>)
      tpu.yield
    }) : () -> ()
    %barrier3A = arith.constant 0 : index
    tpu.barrier barrier_id(%barrier3A)
    %while3A = arith.constant 0 : i32
    %while3A_10 = arith.constant 0 : i32
    %while3A_11 = arith.subi %select_n3A_2, %while3A_10 : i32
    %while3A_12 = arith.addi %while3A_10, %while3A_11 : i32
    %while3A_13 = arith.constant 1 : i32
    %while3A_14 = arith.divsi %while3A_11, %while3A_13 : i32
    %while3A_15 = arith.muli %while3A_14, %while3A_13 : i32
    %while3A_16 = arith.addi %while3A_10, %while3A_15 : i32
    %while3A_17 = arith.constant 1 : i32
    scf.for %while3A_20 = %while3A_10 to %while3A_16 step %while3A_17  : i32 {
      %add3A_21 = arith.addi %select_n3A_7, %while3A_20 : i32
      "tpu.region"() ({
        %run_scoped3A = tpu.sem_alloc : memref<!tpu.dma_semaphore, #tpu.memory_space<semaphore_mem>>
        %dma_start3A_33 = arith.constant 0 : i32
        %dma_start3A_34 = arith.constant 0 : i32
        %dma_start3A_35 = tpu.memref_slice %arg3[%add3A_21, %dma_start3A_33, %dma_start3A_34] : memref<128x20x128xi32, #tpu.memory_space<hbm>> -> memref<1x20x128xi32, #tpu.memory_space<hbm>>
        %dma_start3A_36 = tpu.memref_squeeze %dma_start3A_35 : memref<1x20x128xi32, #tpu.memory_space<hbm>> -> memref<20x128xi32, #tpu.memory_space<hbm>>
        %dma_start3A_37 = arith.constant 0 : i32
        %dma_start3A_38 = arith.constant 0 : i32
        %dma_start3A_39 = tpu.memref_slice %arg3[%add3A_21, %dma_start3A_37, %dma_start3A_38] : memref<128x20x128xi32, #tpu.memory_space<hbm>> -> memref<1x20x128xi32, #tpu.memory_space<hbm>>
        %dma_start3A_40 = tpu.memref_squeeze %dma_start3A_39 : memref<1x20x128xi32, #tpu.memory_space<hbm>> -> memref<20x128xi32, #tpu.memory_space<hbm>>
        tpu.enqueue_dma source(%dma_start3A_40 : memref<20x128xi32, #tpu.memory_space<hbm>>) target(%arg7 : memref<20x128xi32, #tpu.memory_space<vmem>>) target_semaphore(%run_scoped3A : memref<!tpu.dma_semaphore, #tpu.memory_space<semaphore_mem>>)
        %dma_wait3A = arith.constant 0 : i32
        %dma_wait3A_41 = arith.constant 0 : i32
        %dma_wait3A_42 = tpu.memref_slice %arg3[%add3A_21, %dma_wait3A, %dma_wait3A_41] : memref<128x20x128xi32, #tpu.memory_space<hbm>> -> memref<1x20x128xi32, #tpu.memory_space<hbm>>
        %dma_wait3A_43 = tpu.memref_squeeze %dma_wait3A_42 : memref<1x20x128xi32, #tpu.memory_space<hbm>> -> memref<20x128xi32, #tpu.memory_space<hbm>>
        %dma_wait3A_44 = arith.constant 0 : i32
        %dma_wait3A_45 = arith.constant 0 : i32
        %dma_wait3A_46 = tpu.memref_slice %arg3[%add3A_21, %dma_wait3A_44, %dma_wait3A_45] : memref<128x20x128xi32, #tpu.memory_space<hbm>> -> memref<1x20x128xi32, #tpu.memory_space<hbm>>
        %dma_wait3A_47 = tpu.memref_squeeze %dma_wait3A_46 : memref<1x20x128xi32, #tpu.memory_space<hbm>> -> memref<20x128xi32, #tpu.memory_space<hbm>>
        tpu.wait_dma2 semaphore(%run_scoped3A : memref<!tpu.dma_semaphore, #tpu.memory_space<semaphore_mem>>) src(%dma_wait3A_47 : memref<20x128xi32, #tpu.memory_space<hbm>>) dst(%arg7 : memref<20x128xi32, #tpu.memory_space<vmem>>)
        tpu.yield
      }) : () -> ()
      %add3A_22 = arith.addi %select_n3A_7, %while3A_20 : i32
      "tpu.region"() ({
        %run_scoped3A = tpu.sem_alloc : memref<!tpu.dma_semaphore, #tpu.memory_space<semaphore_mem>>
        %dma_start3A_33 = arith.constant 0 : i32
        %dma_start3A_34 = arith.constant 0 : i32
        %dma_start3A_35 = tpu.memref_slice %arg4[%add3A_22, %dma_start3A_33, %dma_start3A_34] : memref<128x20x128xi32, #tpu.memory_space<hbm>> -> memref<1x20x128xi32, #tpu.memory_space<hbm>>
        %dma_start3A_36 = tpu.memref_squeeze %dma_start3A_35 : memref<1x20x128xi32, #tpu.memory_space<hbm>> -> memref<20x128xi32, #tpu.memory_space<hbm>>
        %dma_start3A_37 = arith.constant 0 : i32
        %dma_start3A_38 = arith.constant 0 : i32
        %dma_start3A_39 = tpu.memref_slice %arg4[%add3A_22, %dma_start3A_37, %dma_start3A_38] : memref<128x20x128xi32, #tpu.memory_space<hbm>> -> memref<1x20x128xi32, #tpu.memory_space<hbm>>
        %dma_start3A_40 = tpu.memref_squeeze %dma_start3A_39 : memref<1x20x128xi32, #tpu.memory_space<hbm>> -> memref<20x128xi32, #tpu.memory_space<hbm>>
        tpu.enqueue_dma source(%dma_start3A_40 : memref<20x128xi32, #tpu.memory_space<hbm>>) target(%arg8 : memref<20x128xi32, #tpu.memory_space<vmem>>) target_semaphore(%run_scoped3A : memref<!tpu.dma_semaphore, #tpu.memory_space<semaphore_mem>>)
        %dma_wait3A = arith.constant 0 : i32
        %dma_wait3A_41 = arith.constant 0 : i32
        %dma_wait3A_42 = tpu.memref_slice %arg4[%add3A_22, %dma_wait3A, %dma_wait3A_41] : memref<128x20x128xi32, #tpu.memory_space<hbm>> -> memref<1x20x128xi32, #tpu.memory_space<hbm>>
        %dma_wait3A_43 = tpu.memref_squeeze %dma_wait3A_42 : memref<1x20x128xi32, #tpu.memory_space<hbm>> -> memref<20x128xi32, #tpu.memory_space<hbm>>
        %dma_wait3A_44 = arith.constant 0 : i32
        %dma_wait3A_45 = arith.constant 0 : i32
        %dma_wait3A_46 = tpu.memref_slice %arg4[%add3A_22, %dma_wait3A_44, %dma_wait3A_45] : memref<128x20x128xi32, #tpu.memory_space<hbm>> -> memref<1x20x128xi32, #tpu.memory_space<hbm>>
        %dma_wait3A_47 = tpu.memref_squeeze %dma_wait3A_46 : memref<1x20x128xi32, #tpu.memory_space<hbm>> -> memref<20x128xi32, #tpu.memory_space<hbm>>
        tpu.wait_dma2 semaphore(%run_scoped3A : memref<!tpu.dma_semaphore, #tpu.memory_space<semaphore_mem>>) src(%dma_wait3A_47 : memref<20x128xi32, #tpu.memory_space<hbm>>) dst(%arg8 : memref<20x128xi32, #tpu.memory_space<vmem>>)
        tpu.yield
      }) : () -> ()
      %dma_start3A = arith.constant 0 : i32
      %dma_start3A_23 = arith.constant 0 : i32
      %dma_start3A_24 = tpu.memref_slice %arg7[%dma_start3A, %dma_start3A_23] : memref<20x128xi32, #tpu.memory_space<vmem>> -> memref<1x128xi32, #tpu.memory_space<vmem>>
      %dma_start3A_25 = tpu.memref_squeeze %dma_start3A_24 : memref<1x128xi32, #tpu.memory_space<vmem>> -> memref<128xi32, #tpu.memory_space<vmem>>
      %dma_start3A_26 = arith.constant 0 : i32
      %dma_start3A_27 = arith.constant 0 : i32
      %dma_start3A_28 = tpu.memref_slice %arg2[%dma_start3A_26, %dma_start3A_27] : memref<10000x128xf32, #tpu.memory_space<hbm>> -> memref<10000x128xf32, #tpu.memory_space<hbm>>
      tpu.enqueue_indirect_dma source(%dma_start3A_28 : memref<10000x128xf32, #tpu.memory_space<hbm>>) target(%arg9 : memref<128x128xf32, #tpu.memory_space<vmem>>) offsets(%dma_start3A_25 : memref<128xi32, #tpu.memory_space<vmem>>) semaphore(%arg11 : memref<!tpu.dma_semaphore, #tpu.memory_space<semaphore_mem>>)
      %scan3A = arith.constant 0 : i32
      %scan3A_29 = arith.constant 10 : i32
      %scan3A_30 = arith.addi %scan3A, %scan3A_29 : i32
      %scan3A_31 = arith.constant 1 : i32
      scf.for %scan3A_33 = %scan3A to %scan3A_30 step %scan3A_31  : i32 {
        %mul3A_34 = arith.constant 2 : i32
        %mul3A_35 = arith.muli %scan3A_33, %mul3A_34 : i32
        %add3A_36 = arith.constant 0 : i32
        %add3A_37 = arith.addi %mul3A_35, %add3A_36 : i32
        %add3A_38 = arith.constant 2 : i32
        %add3A_39 = arith.addi %add3A_37, %add3A_38 : i32
        %sub3A = arith.constant 1 : i32
        %sub3A_40 = arith.subi %add3A_39, %sub3A : i32
        %lt3A = arith.constant 20 : i32
        %lt3A_41 = arith.cmpi slt, %sub3A_40, %lt3A : i32
        %convert_element_type3A = arith.extui %lt3A_41 : i1 to i32
        %cond3A = arith.constant 0 : i32
        %cond3A_42 = arith.cmpi ne, %convert_element_type3A, %cond3A : i32
        scf.if %cond3A_42 {
          %dma_start3A_69 = arith.constant 0 : i32
          %dma_start3A_70 = tpu.memref_slice %arg7[%sub3A_40, %dma_start3A_69] : memref<20x128xi32, #tpu.memory_space<vmem>> -> memref<1x128xi32, #tpu.memory_space<vmem>>
          %dma_start3A_71 = tpu.memref_squeeze %dma_start3A_70 : memref<1x128xi32, #tpu.memory_space<vmem>> -> memref<128xi32, #tpu.memory_space<vmem>>
          %dma_start3A_72 = arith.constant 0 : i32
          %dma_start3A_73 = arith.constant 0 : i32
          %dma_start3A_74 = tpu.memref_slice %arg2[%dma_start3A_72, %dma_start3A_73] : memref<10000x128xf32, #tpu.memory_space<hbm>> -> memref<10000x128xf32, #tpu.memory_space<hbm>>
          tpu.enqueue_indirect_dma source(%dma_start3A_74 : memref<10000x128xf32, #tpu.memory_space<hbm>>) target(%arg10 : memref<128x128xf32, #tpu.memory_space<vmem>>) offsets(%dma_start3A_71 : memref<128xi32, #tpu.memory_space<vmem>>) semaphore(%arg12 : memref<!tpu.dma_semaphore, #tpu.memory_space<semaphore_mem>>)
        } else {
        }
        %add3A_43 = arith.constant 0 : i32
        %add3A_44 = arith.addi %mul3A_35, %add3A_43 : i32
        %dma_wait3A = arith.constant 0 : i32
        %dma_wait3A_45 = tpu.memref_slice %arg7[%add3A_44, %dma_wait3A] : memref<20x128xi32, #tpu.memory_space<vmem>> -> memref<1x128xi32, #tpu.memory_space<vmem>>
        %dma_wait3A_46 = tpu.memref_squeeze %dma_wait3A_45 : memref<1x128xi32, #tpu.memory_space<vmem>> -> memref<128xi32, #tpu.memory_space<vmem>>
        %dma_wait3A_47 = arith.constant 0 : i32
        %dma_wait3A_48 = arith.constant 0 : i32
        %dma_wait3A_49 = tpu.memref_slice %arg2[%dma_wait3A_47, %dma_wait3A_48] : memref<10000x128xf32, #tpu.memory_space<hbm>> -> memref<10000x128xf32, #tpu.memory_space<hbm>>
        tpu.wait_indirect_dma semaphore(%arg11 : memref<!tpu.dma_semaphore, #tpu.memory_space<semaphore_mem>>) src(%dma_wait3A_49 : memref<10000x128xf32, #tpu.memory_space<hbm>>) dst(%arg9 : memref<128x128xf32, #tpu.memory_space<vmem>>)
        "tpu.region"() ({
          %run_scoped3A = tpu.sem_alloc : memref<!tpu.dma_semaphore, #tpu.memory_space<semaphore_mem>>
          %dma_start3A_69 = arith.constant 0 : i32
          %dma_start3A_70 = tpu.memref_slice %arg8[%add3A_44, %dma_start3A_69] : memref<20x128xi32, #tpu.memory_space<vmem>> -> memref<1x128xi32, #tpu.memory_space<vmem>>
          %dma_start3A_71 = tpu.memref_squeeze %dma_start3A_70 : memref<1x128xi32, #tpu.memory_space<vmem>> -> memref<128xi32, #tpu.memory_space<vmem>>
          %dma_start3A_72 = arith.constant 0 : i32
          %dma_start3A_73 = arith.constant 0 : i32
          %dma_start3A_74 = tpu.memref_slice %arg13[%dma_start3A_72, %dma_start3A_73] : memref<10240x128xf32, #tpu.memory_space<vmem_shared>> -> memref<10240x128xf32, #tpu.memory_space<vmem_shared>>
          tpu.enqueue_indirect_dma source(%arg9 : memref<128x128xf32, #tpu.memory_space<vmem>>) target(%dma_start3A_74 : memref<10240x128xf32, #tpu.memory_space<vmem_shared>>) offsets(%dma_start3A_71 : memref<128xi32, #tpu.memory_space<vmem>>) semaphore(%run_scoped3A : memref<!tpu.dma_semaphore, #tpu.memory_space<semaphore_mem>>) {add = true}
          %dma_wait3A_75 = arith.constant 0 : i32
          %dma_wait3A_76 = tpu.memref_slice %arg8[%add3A_44, %dma_wait3A_75] : memref<20x128xi32, #tpu.memory_space<vmem>> -> memref<1x128xi32, #tpu.memory_space<vmem>>
          %dma_wait3A_77 = tpu.memref_squeeze %dma_wait3A_76 : memref<1x128xi32, #tpu.memory_space<vmem>> -> memref<128xi32, #tpu.memory_space<vmem>>
          %dma_wait3A_78 = arith.constant 0 : i32
          %dma_wait3A_79 = arith.constant 0 : i32
          %dma_wait3A_80 = tpu.memref_slice %arg13[%dma_wait3A_78, %dma_wait3A_79] : memref<10240x128xf32, #tpu.memory_space<vmem_shared>> -> memref<10240x128xf32, #tpu.memory_space<vmem_shared>>
          tpu.wait_indirect_dma semaphore(%run_scoped3A : memref<!tpu.dma_semaphore, #tpu.memory_space<semaphore_mem>>) src(%arg9 : memref<128x128xf32, #tpu.memory_space<vmem>>) dst(%dma_wait3A_80 : memref<10240x128xf32, #tpu.memory_space<vmem_shared>>)
          tpu.yield
        }) : () -> ()
        %add3A_50 = arith.constant 1 : i32
        %add3A_51 = arith.addi %mul3A_35, %add3A_50 : i32
        %add3A_52 = arith.constant 2 : i32
        %add3A_53 = arith.addi %add3A_51, %add3A_52 : i32
        %sub3A_54 = arith.constant 1 : i32
        %sub3A_55 = arith.subi %add3A_53, %sub3A_54 : i32
        %lt3A_56 = arith.constant 20 : i32
        %lt3A_57 = arith.cmpi slt, %sub3A_55, %lt3A_56 : i32
        %convert_element_type3A_58 = arith.extui %lt3A_57 : i1 to i32
        %cond3A_59 = arith.constant 0 : i32
        %cond3A_60 = arith.cmpi ne, %convert_element_type3A_58, %cond3A_59 : i32
        scf.if %cond3A_60 {
          %dma_start3A_69 = arith.constant 0 : i32
          %dma_start3A_70 = tpu.memref_slice %arg7[%sub3A_55, %dma_start3A_69] : memref<20x128xi32, #tpu.memory_space<vmem>> -> memref<1x128xi32, #tpu.memory_space<vmem>>
          %dma_start3A_71 = tpu.memref_squeeze %dma_start3A_70 : memref<1x128xi32, #tpu.memory_space<vmem>> -> memref<128xi32, #tpu.memory_space<vmem>>
          %dma_start3A_72 = arith.constant 0 : i32
          %dma_start3A_73 = arith.constant 0 : i32
          %dma_start3A_74 = tpu.memref_slice %arg2[%dma_start3A_72, %dma_start3A_73] : memref<10000x128xf32, #tpu.memory_space<hbm>> -> memref<10000x128xf32, #tpu.memory_space<hbm>>
          tpu.enqueue_indirect_dma source(%dma_start3A_74 : memref<10000x128xf32, #tpu.memory_space<hbm>>) target(%arg9 : memref<128x128xf32, #tpu.memory_space<vmem>>) offsets(%dma_start3A_71 : memref<128xi32, #tpu.memory_space<vmem>>) semaphore(%arg11 : memref<!tpu.dma_semaphore, #tpu.memory_space<semaphore_mem>>)
        } else {
        }
        %add3A_61 = arith.constant 1 : i32
        %add3A_62 = arith.addi %mul3A_35, %add3A_61 : i32
        %dma_wait3A_63 = arith.constant 0 : i32
        %dma_wait3A_64 = tpu.memref_slice %arg7[%add3A_62, %dma_wait3A_63] : memref<20x128xi32, #tpu.memory_space<vmem>> -> memref<1x128xi32, #tpu.memory_space<vmem>>
        %dma_wait3A_65 = tpu.memref_squeeze %dma_wait3A_64 : memref<1x128xi32, #tpu.memory_space<vmem>> -> memref<128xi32, #tpu.memory_space<vmem>>
        %dma_wait3A_66 = arith.constant 0 : i32
        %dma_wait3A_67 = arith.constant 0 : i32
        %dma_wait3A_68 = tpu.memref_slice %arg2[%dma_wait3A_66, %dma_wait3A_67] : memref<10000x128xf32, #tpu.memory_space<hbm>> -> memref<10000x128xf32, #tpu.memory_space<hbm>>
        tpu.wait_indirect_dma semaphore(%arg12 : memref<!tpu.dma_semaphore, #tpu.memory_space<semaphore_mem>>) src(%dma_wait3A_68 : memref<10000x128xf32, #tpu.memory_space<hbm>>) dst(%arg10 : memref<128x128xf32, #tpu.memory_space<vmem>>)
        "tpu.region"() ({
          %run_scoped3A = tpu.sem_alloc : memref<!tpu.dma_semaphore, #tpu.memory_space<semaphore_mem>>
          %dma_start3A_69 = arith.constant 0 : i32
          %dma_start3A_70 = tpu.memref_slice %arg8[%add3A_62, %dma_start3A_69] : memref<20x128xi32, #tpu.memory_space<vmem>> -> memref<1x128xi32, #tpu.memory_space<vmem>>
          %dma_start3A_71 = tpu.memref_squeeze %dma_start3A_70 : memref<1x128xi32, #tpu.memory_space<vmem>> -> memref<128xi32, #tpu.memory_space<vmem>>
          %dma_start3A_72 = arith.constant 0 : i32
          %dma_start3A_73 = arith.constant 0 : i32
          %dma_start3A_74 = tpu.memref_slice %arg13[%dma_start3A_72, %dma_start3A_73] : memref<10240x128xf32, #tpu.memory_space<vmem_shared>> -> memref<10240x128xf32, #tpu.memory_space<vmem_shared>>
          tpu.enqueue_indirect_dma source(%arg10 : memref<128x128xf32, #tpu.memory_space<vmem>>) target(%dma_start3A_74 : memref<10240x128xf32, #tpu.memory_space<vmem_shared>>) offsets(%dma_start3A_71 : memref<128xi32, #tpu.memory_space<vmem>>) semaphore(%run_scoped3A : memref<!tpu.dma_semaphore, #tpu.memory_space<semaphore_mem>>) {add = true}
          %dma_wait3A_75 = arith.constant 0 : i32
          %dma_wait3A_76 = tpu.memref_slice %arg8[%add3A_62, %dma_wait3A_75] : memref<20x128xi32, #tpu.memory_space<vmem>> -> memref<1x128xi32, #tpu.memory_space<vmem>>
          %dma_wait3A_77 = tpu.memref_squeeze %dma_wait3A_76 : memref<1x128xi32, #tpu.memory_space<vmem>> -> memref<128xi32, #tpu.memory_space<vmem>>
          %dma_wait3A_78 = arith.constant 0 : i32
          %dma_wait3A_79 = arith.constant 0 : i32
          %dma_wait3A_80 = tpu.memref_slice %arg13[%dma_wait3A_78, %dma_wait3A_79] : memref<10240x128xf32, #tpu.memory_space<vmem_shared>> -> memref<10240x128xf32, #tpu.memory_space<vmem_shared>>
          tpu.wait_indirect_dma semaphore(%run_scoped3A : memref<!tpu.dma_semaphore, #tpu.memory_space<semaphore_mem>>) src(%arg10 : memref<128x128xf32, #tpu.memory_space<vmem>>) dst(%dma_wait3A_80 : memref<10240x128xf32, #tpu.memory_space<vmem_shared>>)
          tpu.yield
        }) : () -> ()
      }
      %scan3A_32 = arith.constant 10 : i32
    }
    %while3A_18 = arith.constant 1 : i32
    scf.for %while3A_20 = %while3A_16 to %while3A_12 step %while3A_18  : i32 {
      %add3A_21 = arith.addi %select_n3A_7, %while3A_20 : i32
      "tpu.region"() ({
        %run_scoped3A = tpu.sem_alloc : memref<!tpu.dma_semaphore, #tpu.memory_space<semaphore_mem>>
        %dma_start3A_33 = arith.constant 0 : i32
        %dma_start3A_34 = arith.constant 0 : i32
        %dma_start3A_35 = tpu.memref_slice %arg3[%add3A_21, %dma_start3A_33, %dma_start3A_34] : memref<128x20x128xi32, #tpu.memory_space<hbm>> -> memref<1x20x128xi32, #tpu.memory_space<hbm>>
        %dma_start3A_36 = tpu.memref_squeeze %dma_start3A_35 : memref<1x20x128xi32, #tpu.memory_space<hbm>> -> memref<20x128xi32, #tpu.memory_space<hbm>>
        %dma_start3A_37 = arith.constant 0 : i32
        %dma_start3A_38 = arith.constant 0 : i32
        %dma_start3A_39 = tpu.memref_slice %arg3[%add3A_21, %dma_start3A_37, %dma_start3A_38] : memref<128x20x128xi32, #tpu.memory_space<hbm>> -> memref<1x20x128xi32, #tpu.memory_space<hbm>>
        %dma_start3A_40 = tpu.memref_squeeze %dma_start3A_39 : memref<1x20x128xi32, #tpu.memory_space<hbm>> -> memref<20x128xi32, #tpu.memory_space<hbm>>
        tpu.enqueue_dma source(%dma_start3A_40 : memref<20x128xi32, #tpu.memory_space<hbm>>) target(%arg7 : memref<20x128xi32, #tpu.memory_space<vmem>>) target_semaphore(%run_scoped3A : memref<!tpu.dma_semaphore, #tpu.memory_space<semaphore_mem>>)
        %dma_wait3A = arith.constant 0 : i32
        %dma_wait3A_41 = arith.constant 0 : i32
        %dma_wait3A_42 = tpu.memref_slice %arg3[%add3A_21, %dma_wait3A, %dma_wait3A_41] : memref<128x20x128xi32, #tpu.memory_space<hbm>> -> memref<1x20x128xi32, #tpu.memory_space<hbm>>
        %dma_wait3A_43 = tpu.memref_squeeze %dma_wait3A_42 : memref<1x20x128xi32, #tpu.memory_space<hbm>> -> memref<20x128xi32, #tpu.memory_space<hbm>>
        %dma_wait3A_44 = arith.constant 0 : i32
        %dma_wait3A_45 = arith.constant 0 : i32
        %dma_wait3A_46 = tpu.memref_slice %arg3[%add3A_21, %dma_wait3A_44, %dma_wait3A_45] : memref<128x20x128xi32, #tpu.memory_space<hbm>> -> memref<1x20x128xi32, #tpu.memory_space<hbm>>
        %dma_wait3A_47 = tpu.memref_squeeze %dma_wait3A_46 : memref<1x20x128xi32, #tpu.memory_space<hbm>> -> memref<20x128xi32, #tpu.memory_space<hbm>>
        tpu.wait_dma2 semaphore(%run_scoped3A : memref<!tpu.dma_semaphore, #tpu.memory_space<semaphore_mem>>) src(%dma_wait3A_47 : memref<20x128xi32, #tpu.memory_space<hbm>>) dst(%arg7 : memref<20x128xi32, #tpu.memory_space<vmem>>)
        tpu.yield
      }) : () -> ()
      %add3A_22 = arith.addi %select_n3A_7, %while3A_20 : i32
      "tpu.region"() ({
        %run_scoped3A = tpu.sem_alloc : memref<!tpu.dma_semaphore, #tpu.memory_space<semaphore_mem>>
        %dma_start3A_33 = arith.constant 0 : i32
        %dma_start3A_34 = arith.constant 0 : i32
        %dma_start3A_35 = tpu.memref_slice %arg4[%add3A_22, %dma_start3A_33, %dma_start3A_34] : memref<128x20x128xi32, #tpu.memory_space<hbm>> -> memref<1x20x128xi32, #tpu.memory_space<hbm>>
        %dma_start3A_36 = tpu.memref_squeeze %dma_start3A_35 : memref<1x20x128xi32, #tpu.memory_space<hbm>> -> memref<20x128xi32, #tpu.memory_space<hbm>>
        %dma_start3A_37 = arith.constant 0 : i32
        %dma_start3A_38 = arith.constant 0 : i32
        %dma_start3A_39 = tpu.memref_slice %arg4[%add3A_22, %dma_start3A_37, %dma_start3A_38] : memref<128x20x128xi32, #tpu.memory_space<hbm>> -> memref<1x20x128xi32, #tpu.memory_space<hbm>>
        %dma_start3A_40 = tpu.memref_squeeze %dma_start3A_39 : memref<1x20x128xi32, #tpu.memory_space<hbm>> -> memref<20x128xi32, #tpu.memory_space<hbm>>
        tpu.enqueue_dma source(%dma_start3A_40 : memref<20x128xi32, #tpu.memory_space<hbm>>) target(%arg8 : memref<20x128xi32, #tpu.memory_space<vmem>>) target_semaphore(%run_scoped3A : memref<!tpu.dma_semaphore, #tpu.memory_space<semaphore_mem>>)
        %dma_wait3A = arith.constant 0 : i32
        %dma_wait3A_41 = arith.constant 0 : i32
        %dma_wait3A_42 = tpu.memref_slice %arg4[%add3A_22, %dma_wait3A, %dma_wait3A_41] : memref<128x20x128xi32, #tpu.memory_space<hbm>> -> memref<1x20x128xi32, #tpu.memory_space<hbm>>
        %dma_wait3A_43 = tpu.memref_squeeze %dma_wait3A_42 : memref<1x20x128xi32, #tpu.memory_space<hbm>> -> memref<20x128xi32, #tpu.memory_space<hbm>>
        %dma_wait3A_44 = arith.constant 0 : i32
        %dma_wait3A_45 = arith.constant 0 : i32
        %dma_wait3A_46 = tpu.memref_slice %arg4[%add3A_22, %dma_wait3A_44, %dma_wait3A_45] : memref<128x20x128xi32, #tpu.memory_space<hbm>> -> memref<1x20x128xi32, #tpu.memory_space<hbm>>
        %dma_wait3A_47 = tpu.memref_squeeze %dma_wait3A_46 : memref<1x20x128xi32, #tpu.memory_space<hbm>> -> memref<20x128xi32, #tpu.memory_space<hbm>>
        tpu.wait_dma2 semaphore(%run_scoped3A : memref<!tpu.dma_semaphore, #tpu.memory_space<semaphore_mem>>) src(%dma_wait3A_47 : memref<20x128xi32, #tpu.memory_space<hbm>>) dst(%arg8 : memref<20x128xi32, #tpu.memory_space<vmem>>)
        tpu.yield
      }) : () -> ()
      %dma_start3A = arith.constant 0 : i32
      %dma_start3A_23 = arith.constant 0 : i32
      %dma_start3A_24 = tpu.memref_slice %arg7[%dma_start3A, %dma_start3A_23] : memref<20x128xi32, #tpu.memory_space<vmem>> -> memref<1x128xi32, #tpu.memory_space<vmem>>
      %dma_start3A_25 = tpu.memref_squeeze %dma_start3A_24 : memref<1x128xi32, #tpu.memory_space<vmem>> -> memref<128xi32, #tpu.memory_space<vmem>>
      %dma_start3A_26 = arith.constant 0 : i32
      %dma_start3A_27 = arith.constant 0 : i32
      %dma_start3A_28 = tpu.memref_slice %arg2[%dma_start3A_26, %dma_start3A_27] : memref<10000x128xf32, #tpu.memory_space<hbm>> -> memref<10000x128xf32, #tpu.memory_space<hbm>>
      tpu.enqueue_indirect_dma source(%dma_start3A_28 : memref<10000x128xf32, #tpu.memory_space<hbm>>) target(%arg9 : memref<128x128xf32, #tpu.memory_space<vmem>>) offsets(%dma_start3A_25 : memref<128xi32, #tpu.memory_space<vmem>>) semaphore(%arg11 : memref<!tpu.dma_semaphore, #tpu.memory_space<semaphore_mem>>)
      %scan3A = arith.constant 0 : i32
      %scan3A_29 = arith.constant 10 : i32
      %scan3A_30 = arith.addi %scan3A, %scan3A_29 : i32
      %scan3A_31 = arith.constant 1 : i32
      scf.for %scan3A_33 = %scan3A to %scan3A_30 step %scan3A_31  : i32 {
        %mul3A_34 = arith.constant 2 : i32
        %mul3A_35 = arith.muli %scan3A_33, %mul3A_34 : i32
        %add3A_36 = arith.constant 0 : i32
        %add3A_37 = arith.addi %mul3A_35, %add3A_36 : i32
        %add3A_38 = arith.constant 2 : i32
        %add3A_39 = arith.addi %add3A_37, %add3A_38 : i32
        %sub3A = arith.constant 1 : i32
        %sub3A_40 = arith.subi %add3A_39, %sub3A : i32
        %lt3A = arith.constant 20 : i32
        %lt3A_41 = arith.cmpi slt, %sub3A_40, %lt3A : i32
        %convert_element_type3A = arith.extui %lt3A_41 : i1 to i32
        %cond3A = arith.constant 0 : i32
        %cond3A_42 = arith.cmpi ne, %convert_element_type3A, %cond3A : i32
        scf.if %cond3A_42 {
          %dma_start3A_69 = arith.constant 0 : i32
          %dma_start3A_70 = tpu.memref_slice %arg7[%sub3A_40, %dma_start3A_69] : memref<20x128xi32, #tpu.memory_space<vmem>> -> memref<1x128xi32, #tpu.memory_space<vmem>>
          %dma_start3A_71 = tpu.memref_squeeze %dma_start3A_70 : memref<1x128xi32, #tpu.memory_space<vmem>> -> memref<128xi32, #tpu.memory_space<vmem>>
          %dma_start3A_72 = arith.constant 0 : i32
          %dma_start3A_73 = arith.constant 0 : i32
          %dma_start3A_74 = tpu.memref_slice %arg2[%dma_start3A_72, %dma_start3A_73] : memref<10000x128xf32, #tpu.memory_space<hbm>> -> memref<10000x128xf32, #tpu.memory_space<hbm>>
          tpu.enqueue_indirect_dma source(%dma_start3A_74 : memref<10000x128xf32, #tpu.memory_space<hbm>>) target(%arg10 : memref<128x128xf32, #tpu.memory_space<vmem>>) offsets(%dma_start3A_71 : memref<128xi32, #tpu.memory_space<vmem>>) semaphore(%arg12 : memref<!tpu.dma_semaphore, #tpu.memory_space<semaphore_mem>>)
        } else {
        }
        %add3A_43 = arith.constant 0 : i32
        %add3A_44 = arith.addi %mul3A_35, %add3A_43 : i32
        %dma_wait3A = arith.constant 0 : i32
        %dma_wait3A_45 = tpu.memref_slice %arg7[%add3A_44, %dma_wait3A] : memref<20x128xi32, #tpu.memory_space<vmem>> -> memref<1x128xi32, #tpu.memory_space<vmem>>
        %dma_wait3A_46 = tpu.memref_squeeze %dma_wait3A_45 : memref<1x128xi32, #tpu.memory_space<vmem>> -> memref<128xi32, #tpu.memory_space<vmem>>
        %dma_wait3A_47 = arith.constant 0 : i32
        %dma_wait3A_48 = arith.constant 0 : i32
        %dma_wait3A_49 = tpu.memref_slice %arg2[%dma_wait3A_47, %dma_wait3A_48] : memref<10000x128xf32, #tpu.memory_space<hbm>> -> memref<10000x128xf32, #tpu.memory_space<hbm>>
        tpu.wait_indirect_dma semaphore(%arg11 : memref<!tpu.dma_semaphore, #tpu.memory_space<semaphore_mem>>) src(%dma_wait3A_49 : memref<10000x128xf32, #tpu.memory_space<hbm>>) dst(%arg9 : memref<128x128xf32, #tpu.memory_space<vmem>>)
        "tpu.region"() ({
          %run_scoped3A = tpu.sem_alloc : memref<!tpu.dma_semaphore, #tpu.memory_space<semaphore_mem>>
          %dma_start3A_69 = arith.constant 0 : i32
          %dma_start3A_70 = tpu.memref_slice %arg8[%add3A_44, %dma_start3A_69] : memref<20x128xi32, #tpu.memory_space<vmem>> -> memref<1x128xi32, #tpu.memory_space<vmem>>
          %dma_start3A_71 = tpu.memref_squeeze %dma_start3A_70 : memref<1x128xi32, #tpu.memory_space<vmem>> -> memref<128xi32, #tpu.memory_space<vmem>>
          %dma_start3A_72 = arith.constant 0 : i32
          %dma_start3A_73 = arith.constant 0 : i32
          %dma_start3A_74 = tpu.memref_slice %arg13[%dma_start3A_72, %dma_start3A_73] : memref<10240x128xf32, #tpu.memory_space<vmem_shared>> -> memref<10240x128xf32, #tpu.memory_space<vmem_shared>>
          tpu.enqueue_indirect_dma source(%arg9 : memref<128x128xf32, #tpu.memory_space<vmem>>) target(%dma_start3A_74 : memref<10240x128xf32, #tpu.memory_space<vmem_shared>>) offsets(%dma_start3A_71 : memref<128xi32, #tpu.memory_space<vmem>>) semaphore(%run_scoped3A : memref<!tpu.dma_semaphore, #tpu.memory_space<semaphore_mem>>) {add = true}
          %dma_wait3A_75 = arith.constant 0 : i32
          %dma_wait3A_76 = tpu.memref_slice %arg8[%add3A_44, %dma_wait3A_75] : memref<20x128xi32, #tpu.memory_space<vmem>> -> memref<1x128xi32, #tpu.memory_space<vmem>>
          %dma_wait3A_77 = tpu.memref_squeeze %dma_wait3A_76 : memref<1x128xi32, #tpu.memory_space<vmem>> -> memref<128xi32, #tpu.memory_space<vmem>>
          %dma_wait3A_78 = arith.constant 0 : i32
          %dma_wait3A_79 = arith.constant 0 : i32
          %dma_wait3A_80 = tpu.memref_slice %arg13[%dma_wait3A_78, %dma_wait3A_79] : memref<10240x128xf32, #tpu.memory_space<vmem_shared>> -> memref<10240x128xf32, #tpu.memory_space<vmem_shared>>
          tpu.wait_indirect_dma semaphore(%run_scoped3A : memref<!tpu.dma_semaphore, #tpu.memory_space<semaphore_mem>>) src(%arg9 : memref<128x128xf32, #tpu.memory_space<vmem>>) dst(%dma_wait3A_80 : memref<10240x128xf32, #tpu.memory_space<vmem_shared>>)
          tpu.yield
        }) : () -> ()
        %add3A_50 = arith.constant 1 : i32
        %add3A_51 = arith.addi %mul3A_35, %add3A_50 : i32
        %add3A_52 = arith.constant 2 : i32
        %add3A_53 = arith.addi %add3A_51, %add3A_52 : i32
        %sub3A_54 = arith.constant 1 : i32
        %sub3A_55 = arith.subi %add3A_53, %sub3A_54 : i32
        %lt3A_56 = arith.constant 20 : i32
        %lt3A_57 = arith.cmpi slt, %sub3A_55, %lt3A_56 : i32
        %convert_element_type3A_58 = arith.extui %lt3A_57 : i1 to i32
        %cond3A_59 = arith.constant 0 : i32
        %cond3A_60 = arith.cmpi ne, %convert_element_type3A_58, %cond3A_59 : i32
        scf.if %cond3A_60 {
          %dma_start3A_69 = arith.constant 0 : i32
          %dma_start3A_70 = tpu.memref_slice %arg7[%sub3A_55, %dma_start3A_69] : memref<20x128xi32, #tpu.memory_space<vmem>> -> memref<1x128xi32, #tpu.memory_space<vmem>>
          %dma_start3A_71 = tpu.memref_squeeze %dma_start3A_70 : memref<1x128xi32, #tpu.memory_space<vmem>> -> memref<128xi32, #tpu.memory_space<vmem>>
          %dma_start3A_72 = arith.constant 0 : i32
          %dma_start3A_73 = arith.constant 0 : i32
          %dma_start3A_74 = tpu.memref_slice %arg2[%dma_start3A_72, %dma_start3A_73] : memref<10000x128xf32, #tpu.memory_space<hbm>> -> memref<10000x128xf32, #tpu.memory_space<hbm>>
          tpu.enqueue_indirect_dma source(%dma_start3A_74 : memref<10000x128xf32, #tpu.memory_space<hbm>>) target(%arg9 : memref<128x128xf32, #tpu.memory_space<vmem>>) offsets(%dma_start3A_71 : memref<128xi32, #tpu.memory_space<vmem>>) semaphore(%arg11 : memref<!tpu.dma_semaphore, #tpu.memory_space<semaphore_mem>>)
        } else {
        }
        %add3A_61 = arith.constant 1 : i32
        %add3A_62 = arith.addi %mul3A_35, %add3A_61 : i32
        %dma_wait3A_63 = arith.constant 0 : i32
        %dma_wait3A_64 = tpu.memref_slice %arg7[%add3A_62, %dma_wait3A_63] : memref<20x128xi32, #tpu.memory_space<vmem>> -> memref<1x128xi32, #tpu.memory_space<vmem>>
        %dma_wait3A_65 = tpu.memref_squeeze %dma_wait3A_64 : memref<1x128xi32, #tpu.memory_space<vmem>> -> memref<128xi32, #tpu.memory_space<vmem>>
        %dma_wait3A_66 = arith.constant 0 : i32
        %dma_wait3A_67 = arith.constant 0 : i32
        %dma_wait3A_68 = tpu.memref_slice %arg2[%dma_wait3A_66, %dma_wait3A_67] : memref<10000x128xf32, #tpu.memory_space<hbm>> -> memref<10000x128xf32, #tpu.memory_space<hbm>>
        tpu.wait_indirect_dma semaphore(%arg12 : memref<!tpu.dma_semaphore, #tpu.memory_space<semaphore_mem>>) src(%dma_wait3A_68 : memref<10000x128xf32, #tpu.memory_space<hbm>>) dst(%arg10 : memref<128x128xf32, #tpu.memory_space<vmem>>)
        "tpu.region"() ({
          %run_scoped3A = tpu.sem_alloc : memref<!tpu.dma_semaphore, #tpu.memory_space<semaphore_mem>>
          %dma_start3A_69 = arith.constant 0 : i32
          %dma_start3A_70 = tpu.memref_slice %arg8[%add3A_62, %dma_start3A_69] : memref<20x128xi32, #tpu.memory_space<vmem>> -> memref<1x128xi32, #tpu.memory_space<vmem>>
          %dma_start3A_71 = tpu.memref_squeeze %dma_start3A_70 : memref<1x128xi32, #tpu.memory_space<vmem>> -> memref<128xi32, #tpu.memory_space<vmem>>
          %dma_start3A_72 = arith.constant 0 : i32
          %dma_start3A_73 = arith.constant 0 : i32
          %dma_start3A_74 = tpu.memref_slice %arg13[%dma_start3A_72, %dma_start3A_73] : memref<10240x128xf32, #tpu.memory_space<vmem_shared>> -> memref<10240x128xf32, #tpu.memory_space<vmem_shared>>
          tpu.enqueue_indirect_dma source(%arg10 : memref<128x128xf32, #tpu.memory_space<vmem>>) target(%dma_start3A_74 : memref<10240x128xf32, #tpu.memory_space<vmem_shared>>) offsets(%dma_start3A_71 : memref<128xi32, #tpu.memory_space<vmem>>) semaphore(%run_scoped3A : memref<!tpu.dma_semaphore, #tpu.memory_space<semaphore_mem>>) {add = true}
          %dma_wait3A_75 = arith.constant 0 : i32
          %dma_wait3A_76 = tpu.memref_slice %arg8[%add3A_62, %dma_wait3A_75] : memref<20x128xi32, #tpu.memory_space<vmem>> -> memref<1x128xi32, #tpu.memory_space<vmem>>
          %dma_wait3A_77 = tpu.memref_squeeze %dma_wait3A_76 : memref<1x128xi32, #tpu.memory_space<vmem>> -> memref<128xi32, #tpu.memory_space<vmem>>
          %dma_wait3A_78 = arith.constant 0 : i32
          %dma_wait3A_79 = arith.constant 0 : i32
          %dma_wait3A_80 = tpu.memref_slice %arg13[%dma_wait3A_78, %dma_wait3A_79] : memref<10240x128xf32, #tpu.memory_space<vmem_shared>> -> memref<10240x128xf32, #tpu.memory_space<vmem_shared>>
          tpu.wait_indirect_dma semaphore(%run_scoped3A : memref<!tpu.dma_semaphore, #tpu.memory_space<semaphore_mem>>) src(%arg10 : memref<128x128xf32, #tpu.memory_space<vmem>>) dst(%dma_wait3A_80 : memref<10240x128xf32, #tpu.memory_space<vmem_shared>>)
          tpu.yield
        }) : () -> ()
      }
      %scan3A_32 = arith.constant 10 : i32
    }
    %barrier3A_19 = arith.constant 0 : index
    tpu.barrier barrier_id(%barrier3A_19)
    "tpu.region"() ({
      %run_scoped3A = tpu.sem_alloc : memref<!tpu.dma_semaphore, #tpu.memory_space<semaphore_mem>>
      %dma_start3A = arith.constant 0 : i32
      %dma_start3A_20 = arith.constant 0 : i32
      %dma_start3A_21 = tpu.memref_slice %arg6[%arg0, %dma_start3A, %dma_start3A_20] : memref<2x10240x128xf32, #tpu.memory_space<hbm>> -> memref<1x10240x128xf32, #tpu.memory_space<hbm>>
      %dma_start3A_22 = tpu.memref_squeeze %dma_start3A_21 : memref<1x10240x128xf32, #tpu.memory_space<hbm>> -> memref<10240x128xf32, #tpu.memory_space<hbm>>
      %dma_start3A_23 = arith.constant 0 : i32
      %dma_start3A_24 = tpu.memref_slice %dma_start3A_22[%mul3A_9, %dma_start3A_23] : memref<10240x128xf32, #tpu.memory_space<hbm>> -> memref<640x128xf32, #tpu.memory_space<hbm>>
      %dma_start3A_25 = arith.constant 0 : i32
      %dma_start3A_26 = tpu.memref_slice %arg13[%mul3A_9, %dma_start3A_25] : memref<10240x128xf32, #tpu.memory_space<vmem_shared>> -> memref<640x128xf32, #tpu.memory_space<vmem_shared>>
      tpu.enqueue_dma source(%dma_start3A_26 : memref<640x128xf32, #tpu.memory_space<vmem_shared>>) target(%dma_start3A_24 : memref<640x128xf32, #tpu.memory_space<hbm>>) target_semaphore(%run_scoped3A : memref<!tpu.dma_semaphore, #tpu.memory_space<semaphore_mem>>)
      %dma_wait3A = arith.constant 0 : i32
      %dma_wait3A_27 = arith.constant 0 : i32
      %dma_wait3A_28 = tpu.memref_slice %arg6[%arg0, %dma_wait3A, %dma_wait3A_27] : memref<2x10240x128xf32, #tpu.memory_space<hbm>> -> memref<1x10240x128xf32, #tpu.memory_space<hbm>>
      %dma_wait3A_29 = tpu.memref_squeeze %dma_wait3A_28 : memref<1x10240x128xf32, #tpu.memory_space<hbm>> -> memref<10240x128xf32, #tpu.memory_space<hbm>>
      %dma_wait3A_30 = arith.constant 0 : i32
      %dma_wait3A_31 = tpu.memref_slice %dma_wait3A_29[%mul3A_9, %dma_wait3A_30] : memref<10240x128xf32, #tpu.memory_space<hbm>> -> memref<640x128xf32, #tpu.memory_space<hbm>>
      %dma_wait3A_32 = arith.constant 0 : i32
      %dma_wait3A_33 = tpu.memref_slice %arg13[%mul3A_9, %dma_wait3A_32] : memref<10240x128xf32, #tpu.memory_space<vmem_shared>> -> memref<640x128xf32, #tpu.memory_space<vmem_shared>>
      tpu.wait_dma2 semaphore(%run_scoped3A : memref<!tpu.dma_semaphore, #tpu.memory_space<semaphore_mem>>) src(%dma_wait3A_33 : memref<640x128xf32, #tpu.memory_space<vmem_shared>>) dst(%dma_wait3A_31 : memref<640x128xf32, #tpu.memory_space<hbm>>)
      tpu.yield
    }) : () -> ()
    return
  }
}

#map = affine_map<(d0, d1) -> (0, 0)>
#map1 = affine_map<(d0, d1) -> (0, 0, 0)>
module attributes {stable_mosaic.version = 14 : i64} {
  func.func @body(%arg0: i32, %arg1: i32, %arg2: memref<10000x128xf32, #tpu.memory_space<hbm>>, %arg3: memref<128x20x128xi32, #tpu.memory_space<hbm>>, %arg4: memref<128x20x128xi32, #tpu.memory_space<hbm>>, %arg5: memref<640x128xf32, #tpu.memory_space<hbm>>, %arg6: memref<2x10240x128xf32, #tpu.memory_space<hbm>>, %arg7: memref<20x128xi32, #tpu.memory_space<vmem>>, %arg8: memref<20x128xi32, #tpu.memory_space<vmem>>, %arg9: memref<128x128xf32, #tpu.memory_space<vmem>>, %arg10: memref<128x128xf32, #tpu.memory_space<vmem>>, %arg11: memref<!tpu.dma_semaphore, #tpu.memory_space<semaphore_mem>>, %arg12: memref<!tpu.dma_semaphore, #tpu.memory_space<semaphore_mem>>, %arg13: memref<10240x128xf32, #tpu.memory_space<vmem_shared>>) attributes {dimension_semantics = [#tpu.dimension_semantics<core_parallel>, #tpu.dimension_semantics<subcore_parallel>], iteration_bounds = array<i64: 2, 16>, scalar_prefetch = 0 : i64, scratch_operands = 7 : i64, tpu.core_type = #tpu.core_type<sc_vector_subcore>, window_params = [{transform_indices = #map}, {transform_indices = #map1}, {transform_indices = #map1}, {transform_indices = #map}, {transform_indices = #map1}]} {
    %eq3A = arith.constant 0 : i32
    %eq3A_0 = arith.cmpi eq, %arg0, %eq3A : i32
    %select_n3A = arith.constant 4 : i32
    %select_n3A_1 = arith.constant 4 : i32
    %select_n3A_2 = arith.select %eq3A_0, %select_n3A_1, %select_n3A : i32
    %mul3A = arith.constant 4 : i32
    %mul3A_3 = arith.muli %arg1, %mul3A : i32
    %mul3A_4 = arith.constant 4 : i32
    %mul3A_5 = arith.muli %arg1, %mul3A_4 : i32
    %add3A = arith.constant 64 : i32
    %add3A_6 = arith.addi %add3A, %mul3A_5 : i32
    %select_n3A_7 = arith.select %eq3A_0, %mul3A_3, %add3A_6 : i32
    %mul3A_8 = arith.constant 640 : i32
    %mul3A_9 = arith.muli %arg1, %mul3A_8 : i32
    "tpu.region"() ({
      %run_scoped3A = tpu.sem_alloc : memref<!tpu.dma_semaphore, #tpu.memory_space<semaphore_mem>>
      %dma_start3A = arith.constant 0 : i32
      %dma_start3A_20 = tpu.memref_slice %arg13[%mul3A_9, %dma_start3A] : memref<10240x128xf32, #tpu.memory_space<vmem_shared>> -> memref<640x128xf32, #tpu.memory_space<vmem_shared>>
      tpu.enqueue_dma source(%arg5 : memref<640x128xf32, #tpu.memory_space<hbm>>) target(%dma_start3A_20 : memref<640x128xf32, #tpu.memory_space<vmem_shared>>) target_semaphore(%run_scoped3A : memref<!tpu.dma_semaphore, #tpu.memory_space<semaphore_mem>>)
      %dma_wait3A = arith.constant 0 : i32
      %dma_wait3A_21 = tpu.memref_slice %arg13[%mul3A_9, %dma_wait3A] : memref<10240x128xf32, #tpu.memory_space<vmem_shared>> -> memref<640x128xf32, #tpu.memory_space<vmem_shared>>
      tpu.wait_dma2 semaphore(%run_scoped3A : memref<!tpu.dma_semaphore, #tpu.memory_space<semaphore_mem>>) src(%arg5 : memref<640x128xf32, #tpu.memory_space<hbm>>) dst(%dma_wait3A_21 : memref<640x128xf32, #tpu.memory_space<vmem_shared>>)
      tpu.yield
    }) : () -> ()
    %barrier3A = arith.constant 0 : index
    tpu.barrier barrier_id(%barrier3A)
    %while3A = arith.constant 0 : i32
    %while3A_10 = arith.constant 0 : i32
    %while3A_11 = arith.subi %select_n3A_2, %while3A_10 : i32
    %while3A_12 = arith.addi %while3A_10, %while3A_11 : i32
    %while3A_13 = arith.constant 1 : i32
    %while3A_14 = arith.divsi %while3A_11, %while3A_13 : i32
    %while3A_15 = arith.muli %while3A_14, %while3A_13 : i32
    %while3A_16 = arith.addi %while3A_10, %while3A_15 : i32
    %while3A_17 = arith.constant 1 : i32
    scf.for %while3A_20 = %while3A_10 to %while3A_16 step %while3A_17  : i32 {
      %add3A_21 = arith.addi %select_n3A_7, %while3A_20 : i32
      "tpu.region"() ({
        %run_scoped3A = tpu.sem_alloc : memref<!tpu.dma_semaphore, #tpu.memory_space<semaphore_mem>>
        %dma_start3A_33 = arith.constant 0 : i32
        %dma_start3A_34 = arith.constant 0 : i32
        %dma_start3A_35 = tpu.memref_slice %arg3[%add3A_21, %dma_start3A_33, %dma_start3A_34] : memref<128x20x128xi32, #tpu.memory_space<hbm>> -> memref<1x20x128xi32, #tpu.memory_space<hbm>>
        %dma_start3A_36 = tpu.memref_squeeze %dma_start3A_35 : memref<1x20x128xi32, #tpu.memory_space<hbm>> -> memref<20x128xi32, #tpu.memory_space<hbm>>
        %dma_start3A_37 = arith.constant 0 : i32
        %dma_start3A_38 = arith.constant 0 : i32
        %dma_start3A_39 = tpu.memref_slice %arg3[%add3A_21, %dma_start3A_37, %dma_start3A_38] : memref<128x20x128xi32, #tpu.memory_space<hbm>> -> memref<1x20x128xi32, #tpu.memory_space<hbm>>
        %dma_start3A_40 = tpu.memref_squeeze %dma_start3A_39 : memref<1x20x128xi32, #tpu.memory_space<hbm>> -> memref<20x128xi32, #tpu.memory_space<hbm>>
        tpu.enqueue_dma source(%dma_start3A_40 : memref<20x128xi32, #tpu.memory_space<hbm>>) target(%arg7 : memref<20x128xi32, #tpu.memory_space<vmem>>) target_semaphore(%run_scoped3A : memref<!tpu.dma_semaphore, #tpu.memory_space<semaphore_mem>>)
        %dma_wait3A = arith.constant 0 : i32
        %dma_wait3A_41 = arith.constant 0 : i32
        %dma_wait3A_42 = tpu.memref_slice %arg3[%add3A_21, %dma_wait3A, %dma_wait3A_41] : memref<128x20x128xi32, #tpu.memory_space<hbm>> -> memref<1x20x128xi32, #tpu.memory_space<hbm>>
        %dma_wait3A_43 = tpu.memref_squeeze %dma_wait3A_42 : memref<1x20x128xi32, #tpu.memory_space<hbm>> -> memref<20x128xi32, #tpu.memory_space<hbm>>
        %dma_wait3A_44 = arith.constant 0 : i32
        %dma_wait3A_45 = arith.constant 0 : i32
        %dma_wait3A_46 = tpu.memref_slice %arg3[%add3A_21, %dma_wait3A_44, %dma_wait3A_45] : memref<128x20x128xi32, #tpu.memory_space<hbm>> -> memref<1x20x128xi32, #tpu.memory_space<hbm>>
        %dma_wait3A_47 = tpu.memref_squeeze %dma_wait3A_46 : memref<1x20x128xi32, #tpu.memory_space<hbm>> -> memref<20x128xi32, #tpu.memory_space<hbm>>
        tpu.wait_dma2 semaphore(%run_scoped3A : memref<!tpu.dma_semaphore, #tpu.memory_space<semaphore_mem>>) src(%dma_wait3A_47 : memref<20x128xi32, #tpu.memory_space<hbm>>) dst(%arg7 : memref<20x128xi32, #tpu.memory_space<vmem>>)
        tpu.yield
      }) : () -> ()
      %add3A_22 = arith.addi %select_n3A_7, %while3A_20 : i32
      "tpu.region"() ({
        %run_scoped3A = tpu.sem_alloc : memref<!tpu.dma_semaphore, #tpu.memory_space<semaphore_mem>>
        %dma_start3A_33 = arith.constant 0 : i32
        %dma_start3A_34 = arith.constant 0 : i32
        %dma_start3A_35 = tpu.memref_slice %arg4[%add3A_22, %dma_start3A_33, %dma_start3A_34] : memref<128x20x128xi32, #tpu.memory_space<hbm>> -> memref<1x20x128xi32, #tpu.memory_space<hbm>>
        %dma_start3A_36 = tpu.memref_squeeze %dma_start3A_35 : memref<1x20x128xi32, #tpu.memory_space<hbm>> -> memref<20x128xi32, #tpu.memory_space<hbm>>
        %dma_start3A_37 = arith.constant 0 : i32
        %dma_start3A_38 = arith.constant 0 : i32
        %dma_start3A_39 = tpu.memref_slice %arg4[%add3A_22, %dma_start3A_37, %dma_start3A_38] : memref<128x20x128xi32, #tpu.memory_space<hbm>> -> memref<1x20x128xi32, #tpu.memory_space<hbm>>
        %dma_start3A_40 = tpu.memref_squeeze %dma_start3A_39 : memref<1x20x128xi32, #tpu.memory_space<hbm>> -> memref<20x128xi32, #tpu.memory_space<hbm>>
        tpu.enqueue_dma source(%dma_start3A_40 : memref<20x128xi32, #tpu.memory_space<hbm>>) target(%arg8 : memref<20x128xi32, #tpu.memory_space<vmem>>) target_semaphore(%run_scoped3A : memref<!tpu.dma_semaphore, #tpu.memory_space<semaphore_mem>>)
        %dma_wait3A = arith.constant 0 : i32
        %dma_wait3A_41 = arith.constant 0 : i32
        %dma_wait3A_42 = tpu.memref_slice %arg4[%add3A_22, %dma_wait3A, %dma_wait3A_41] : memref<128x20x128xi32, #tpu.memory_space<hbm>> -> memref<1x20x128xi32, #tpu.memory_space<hbm>>
        %dma_wait3A_43 = tpu.memref_squeeze %dma_wait3A_42 : memref<1x20x128xi32, #tpu.memory_space<hbm>> -> memref<20x128xi32, #tpu.memory_space<hbm>>
        %dma_wait3A_44 = arith.constant 0 : i32
        %dma_wait3A_45 = arith.constant 0 : i32
        %dma_wait3A_46 = tpu.memref_slice %arg4[%add3A_22, %dma_wait3A_44, %dma_wait3A_45] : memref<128x20x128xi32, #tpu.memory_space<hbm>> -> memref<1x20x128xi32, #tpu.memory_space<hbm>>
        %dma_wait3A_47 = tpu.memref_squeeze %dma_wait3A_46 : memref<1x20x128xi32, #tpu.memory_space<hbm>> -> memref<20x128xi32, #tpu.memory_space<hbm>>
        tpu.wait_dma2 semaphore(%run_scoped3A : memref<!tpu.dma_semaphore, #tpu.memory_space<semaphore_mem>>) src(%dma_wait3A_47 : memref<20x128xi32, #tpu.memory_space<hbm>>) dst(%arg8 : memref<20x128xi32, #tpu.memory_space<vmem>>)
        tpu.yield
      }) : () -> ()
      %dma_start3A = arith.constant 0 : i32
      %dma_start3A_23 = arith.constant 0 : i32
      %dma_start3A_24 = tpu.memref_slice %arg7[%dma_start3A, %dma_start3A_23] : memref<20x128xi32, #tpu.memory_space<vmem>> -> memref<1x128xi32, #tpu.memory_space<vmem>>
      %dma_start3A_25 = tpu.memref_squeeze %dma_start3A_24 : memref<1x128xi32, #tpu.memory_space<vmem>> -> memref<128xi32, #tpu.memory_space<vmem>>
      %dma_start3A_26 = arith.constant 0 : i32
      %dma_start3A_27 = arith.constant 0 : i32
      %dma_start3A_28 = tpu.memref_slice %arg2[%dma_start3A_26, %dma_start3A_27] : memref<10000x128xf32, #tpu.memory_space<hbm>> -> memref<10000x128xf32, #tpu.memory_space<hbm>>
      tpu.enqueue_indirect_dma source(%dma_start3A_28 : memref<10000x128xf32, #tpu.memory_space<hbm>>) target(%arg9 : memref<128x128xf32, #tpu.memory_space<vmem>>) offsets(%dma_start3A_25 : memref<128xi32, #tpu.memory_space<vmem>>) semaphore(%arg11 : memref<!tpu.dma_semaphore, #tpu.memory_space<semaphore_mem>>)
      %scan3A = arith.constant 0 : i32
      %scan3A_29 = arith.constant 10 : i32
      %scan3A_30 = arith.addi %scan3A, %scan3A_29 : i32
      %scan3A_31 = arith.constant 1 : i32
      scf.for %scan3A_33 = %scan3A to %scan3A_30 step %scan3A_31  : i32 {
        %mul3A_34 = arith.constant 2 : i32
        %mul3A_35 = arith.muli %scan3A_33, %mul3A_34 : i32
        %add3A_36 = arith.constant 0 : i32
        %add3A_37 = arith.addi %mul3A_35, %add3A_36 : i32
        %add3A_38 = arith.constant 2 : i32
        %add3A_39 = arith.addi %add3A_37, %add3A_38 : i32
        %sub3A = arith.constant 1 : i32
        %sub3A_40 = arith.subi %add3A_39, %sub3A : i32
        %lt3A = arith.constant 20 : i32
        %lt3A_41 = arith.cmpi slt, %sub3A_40, %lt3A : i32
        %convert_element_type3A = arith.extui %lt3A_41 : i1 to i32
        %cond3A = arith.constant 0 : i32
        %cond3A_42 = arith.cmpi ne, %convert_element_type3A, %cond3A : i32
        scf.if %cond3A_42 {
          %dma_start3A_69 = arith.constant 0 : i32
          %dma_start3A_70 = tpu.memref_slice %arg7[%sub3A_40, %dma_start3A_69] : memref<20x128xi32, #tpu.memory_space<vmem>> -> memref<1x128xi32, #tpu.memory_space<vmem>>
          %dma_start3A_71 = tpu.memref_squeeze %dma_start3A_70 : memref<1x128xi32, #tpu.memory_space<vmem>> -> memref<128xi32, #tpu.memory_space<vmem>>
          %dma_start3A_72 = arith.constant 0 : i32
          %dma_start3A_73 = arith.constant 0 : i32
          %dma_start3A_74 = tpu.memref_slice %arg2[%dma_start3A_72, %dma_start3A_73] : memref<10000x128xf32, #tpu.memory_space<hbm>> -> memref<10000x128xf32, #tpu.memory_space<hbm>>
          tpu.enqueue_indirect_dma source(%dma_start3A_74 : memref<10000x128xf32, #tpu.memory_space<hbm>>) target(%arg10 : memref<128x128xf32, #tpu.memory_space<vmem>>) offsets(%dma_start3A_71 : memref<128xi32, #tpu.memory_space<vmem>>) semaphore(%arg12 : memref<!tpu.dma_semaphore, #tpu.memory_space<semaphore_mem>>)
        } else {
        }
        %add3A_43 = arith.constant 0 : i32
        %add3A_44 = arith.addi %mul3A_35, %add3A_43 : i32
        %dma_wait3A = arith.constant 0 : i32
        %dma_wait3A_45 = tpu.memref_slice %arg7[%add3A_44, %dma_wait3A] : memref<20x128xi32, #tpu.memory_space<vmem>> -> memref<1x128xi32, #tpu.memory_space<vmem>>
        %dma_wait3A_46 = tpu.memref_squeeze %dma_wait3A_45 : memref<1x128xi32, #tpu.memory_space<vmem>> -> memref<128xi32, #tpu.memory_space<vmem>>
        %dma_wait3A_47 = arith.constant 0 : i32
        %dma_wait3A_48 = arith.constant 0 : i32
        %dma_wait3A_49 = tpu.memref_slice %arg2[%dma_wait3A_47, %dma_wait3A_48] : memref<10000x128xf32, #tpu.memory_space<hbm>> -> memref<10000x128xf32, #tpu.memory_space<hbm>>
        tpu.wait_indirect_dma semaphore(%arg11 : memref<!tpu.dma_semaphore, #tpu.memory_space<semaphore_mem>>) src(%dma_wait3A_49 : memref<10000x128xf32, #tpu.memory_space<hbm>>) dst(%arg9 : memref<128x128xf32, #tpu.memory_space<vmem>>)
        "tpu.region"() ({
          %run_scoped3A = tpu.sem_alloc : memref<!tpu.dma_semaphore, #tpu.memory_space<semaphore_mem>>
          %dma_start3A_69 = arith.constant 0 : i32
          %dma_start3A_70 = tpu.memref_slice %arg8[%add3A_44, %dma_start3A_69] : memref<20x128xi32, #tpu.memory_space<vmem>> -> memref<1x128xi32, #tpu.memory_space<vmem>>
          %dma_start3A_71 = tpu.memref_squeeze %dma_start3A_70 : memref<1x128xi32, #tpu.memory_space<vmem>> -> memref<128xi32, #tpu.memory_space<vmem>>
          %dma_start3A_72 = arith.constant 0 : i32
          %dma_start3A_73 = arith.constant 0 : i32
          %dma_start3A_74 = tpu.memref_slice %arg13[%dma_start3A_72, %dma_start3A_73] : memref<10240x128xf32, #tpu.memory_space<vmem_shared>> -> memref<10240x128xf32, #tpu.memory_space<vmem_shared>>
          tpu.enqueue_indirect_dma source(%arg9 : memref<128x128xf32, #tpu.memory_space<vmem>>) target(%dma_start3A_74 : memref<10240x128xf32, #tpu.memory_space<vmem_shared>>) offsets(%dma_start3A_71 : memref<128xi32, #tpu.memory_space<vmem>>) semaphore(%run_scoped3A : memref<!tpu.dma_semaphore, #tpu.memory_space<semaphore_mem>>) {add = true}
          %dma_wait3A_75 = arith.constant 0 : i32
          %dma_wait3A_76 = tpu.memref_slice %arg8[%add3A_44, %dma_wait3A_75] : memref<20x128xi32, #tpu.memory_space<vmem>> -> memref<1x128xi32, #tpu.memory_space<vmem>>
          %dma_wait3A_77 = tpu.memref_squeeze %dma_wait3A_76 : memref<1x128xi32, #tpu.memory_space<vmem>> -> memref<128xi32, #tpu.memory_space<vmem>>
          %dma_wait3A_78 = arith.constant 0 : i32
          %dma_wait3A_79 = arith.constant 0 : i32
          %dma_wait3A_80 = tpu.memref_slice %arg13[%dma_wait3A_78, %dma_wait3A_79] : memref<10240x128xf32, #tpu.memory_space<vmem_shared>> -> memref<10240x128xf32, #tpu.memory_space<vmem_shared>>
          tpu.wait_indirect_dma semaphore(%run_scoped3A : memref<!tpu.dma_semaphore, #tpu.memory_space<semaphore_mem>>) src(%arg9 : memref<128x128xf32, #tpu.memory_space<vmem>>) dst(%dma_wait3A_80 : memref<10240x128xf32, #tpu.memory_space<vmem_shared>>)
          tpu.yield
        }) : () -> ()
        %add3A_50 = arith.constant 1 : i32
        %add3A_51 = arith.addi %mul3A_35, %add3A_50 : i32
        %add3A_52 = arith.constant 2 : i32
        %add3A_53 = arith.addi %add3A_51, %add3A_52 : i32
        %sub3A_54 = arith.constant 1 : i32
        %sub3A_55 = arith.subi %add3A_53, %sub3A_54 : i32
        %lt3A_56 = arith.constant 20 : i32
        %lt3A_57 = arith.cmpi slt, %sub3A_55, %lt3A_56 : i32
        %convert_element_type3A_58 = arith.extui %lt3A_57 : i1 to i32
        %cond3A_59 = arith.constant 0 : i32
        %cond3A_60 = arith.cmpi ne, %convert_element_type3A_58, %cond3A_59 : i32
        scf.if %cond3A_60 {
          %dma_start3A_69 = arith.constant 0 : i32
          %dma_start3A_70 = tpu.memref_slice %arg7[%sub3A_55, %dma_start3A_69] : memref<20x128xi32, #tpu.memory_space<vmem>> -> memref<1x128xi32, #tpu.memory_space<vmem>>
          %dma_start3A_71 = tpu.memref_squeeze %dma_start3A_70 : memref<1x128xi32, #tpu.memory_space<vmem>> -> memref<128xi32, #tpu.memory_space<vmem>>
          %dma_start3A_72 = arith.constant 0 : i32
          %dma_start3A_73 = arith.constant 0 : i32
          %dma_start3A_74 = tpu.memref_slice %arg2[%dma_start3A_72, %dma_start3A_73] : memref<10000x128xf32, #tpu.memory_space<hbm>> -> memref<10000x128xf32, #tpu.memory_space<hbm>>
          tpu.enqueue_indirect_dma source(%dma_start3A_74 : memref<10000x128xf32, #tpu.memory_space<hbm>>) target(%arg9 : memref<128x128xf32, #tpu.memory_space<vmem>>) offsets(%dma_start3A_71 : memref<128xi32, #tpu.memory_space<vmem>>) semaphore(%arg11 : memref<!tpu.dma_semaphore, #tpu.memory_space<semaphore_mem>>)
        } else {
        }
        %add3A_61 = arith.constant 1 : i32
        %add3A_62 = arith.addi %mul3A_35, %add3A_61 : i32
        %dma_wait3A_63 = arith.constant 0 : i32
        %dma_wait3A_64 = tpu.memref_slice %arg7[%add3A_62, %dma_wait3A_63] : memref<20x128xi32, #tpu.memory_space<vmem>> -> memref<1x128xi32, #tpu.memory_space<vmem>>
        %dma_wait3A_65 = tpu.memref_squeeze %dma_wait3A_64 : memref<1x128xi32, #tpu.memory_space<vmem>> -> memref<128xi32, #tpu.memory_space<vmem>>
        %dma_wait3A_66 = arith.constant 0 : i32
        %dma_wait3A_67 = arith.constant 0 : i32
        %dma_wait3A_68 = tpu.memref_slice %arg2[%dma_wait3A_66, %dma_wait3A_67] : memref<10000x128xf32, #tpu.memory_space<hbm>> -> memref<10000x128xf32, #tpu.memory_space<hbm>>
        tpu.wait_indirect_dma semaphore(%arg12 : memref<!tpu.dma_semaphore, #tpu.memory_space<semaphore_mem>>) src(%dma_wait3A_68 : memref<10000x128xf32, #tpu.memory_space<hbm>>) dst(%arg10 : memref<128x128xf32, #tpu.memory_space<vmem>>)
        "tpu.region"() ({
          %run_scoped3A = tpu.sem_alloc : memref<!tpu.dma_semaphore, #tpu.memory_space<semaphore_mem>>
          %dma_start3A_69 = arith.constant 0 : i32
          %dma_start3A_70 = tpu.memref_slice %arg8[%add3A_62, %dma_start3A_69] : memref<20x128xi32, #tpu.memory_space<vmem>> -> memref<1x128xi32, #tpu.memory_space<vmem>>
          %dma_start3A_71 = tpu.memref_squeeze %dma_start3A_70 : memref<1x128xi32, #tpu.memory_space<vmem>> -> memref<128xi32, #tpu.memory_space<vmem>>
          %dma_start3A_72 = arith.constant 0 : i32
          %dma_start3A_73 = arith.constant 0 : i32
          %dma_start3A_74 = tpu.memref_slice %arg13[%dma_start3A_72, %dma_start3A_73] : memref<10240x128xf32, #tpu.memory_space<vmem_shared>> -> memref<10240x128xf32, #tpu.memory_space<vmem_shared>>
          tpu.enqueue_indirect_dma source(%arg10 : memref<128x128xf32, #tpu.memory_space<vmem>>) target(%dma_start3A_74 : memref<10240x128xf32, #tpu.memory_space<vmem_shared>>) offsets(%dma_start3A_71 : memref<128xi32, #tpu.memory_space<vmem>>) semaphore(%run_scoped3A : memref<!tpu.dma_semaphore, #tpu.memory_space<semaphore_mem>>) {add = true}
          %dma_wait3A_75 = arith.constant 0 : i32
          %dma_wait3A_76 = tpu.memref_slice %arg8[%add3A_62, %dma_wait3A_75] : memref<20x128xi32, #tpu.memory_space<vmem>> -> memref<1x128xi32, #tpu.memory_space<vmem>>
          %dma_wait3A_77 = tpu.memref_squeeze %dma_wait3A_76 : memref<1x128xi32, #tpu.memory_space<vmem>> -> memref<128xi32, #tpu.memory_space<vmem>>
          %dma_wait3A_78 = arith.constant 0 : i32
          %dma_wait3A_79 = arith.constant 0 : i32
          %dma_wait3A_80 = tpu.memref_slice %arg13[%dma_wait3A_78, %dma_wait3A_79] : memref<10240x128xf32, #tpu.memory_space<vmem_shared>> -> memref<10240x128xf32, #tpu.memory_space<vmem_shared>>
          tpu.wait_indirect_dma semaphore(%run_scoped3A : memref<!tpu.dma_semaphore, #tpu.memory_space<semaphore_mem>>) src(%arg10 : memref<128x128xf32, #tpu.memory_space<vmem>>) dst(%dma_wait3A_80 : memref<10240x128xf32, #tpu.memory_space<vmem_shared>>)
          tpu.yield
        }) : () -> ()
      }
      %scan3A_32 = arith.constant 10 : i32
    }
    %while3A_18 = arith.constant 1 : i32
    scf.for %while3A_20 = %while3A_16 to %while3A_12 step %while3A_18  : i32 {
      %add3A_21 = arith.addi %select_n3A_7, %while3A_20 : i32
      "tpu.region"() ({
        %run_scoped3A = tpu.sem_alloc : memref<!tpu.dma_semaphore, #tpu.memory_space<semaphore_mem>>
        %dma_start3A_33 = arith.constant 0 : i32
        %dma_start3A_34 = arith.constant 0 : i32
        %dma_start3A_35 = tpu.memref_slice %arg3[%add3A_21, %dma_start3A_33, %dma_start3A_34] : memref<128x20x128xi32, #tpu.memory_space<hbm>> -> memref<1x20x128xi32, #tpu.memory_space<hbm>>
        %dma_start3A_36 = tpu.memref_squeeze %dma_start3A_35 : memref<1x20x128xi32, #tpu.memory_space<hbm>> -> memref<20x128xi32, #tpu.memory_space<hbm>>
        %dma_start3A_37 = arith.constant 0 : i32
        %dma_start3A_38 = arith.constant 0 : i32
        %dma_start3A_39 = tpu.memref_slice %arg3[%add3A_21, %dma_start3A_37, %dma_start3A_38] : memref<128x20x128xi32, #tpu.memory_space<hbm>> -> memref<1x20x128xi32, #tpu.memory_space<hbm>>
        %dma_start3A_40 = tpu.memref_squeeze %dma_start3A_39 : memref<1x20x128xi32, #tpu.memory_space<hbm>> -> memref<20x128xi32, #tpu.memory_space<hbm>>
        tpu.enqueue_dma source(%dma_start3A_40 : memref<20x128xi32, #tpu.memory_space<hbm>>) target(%arg7 : memref<20x128xi32, #tpu.memory_space<vmem>>) target_semaphore(%run_scoped3A : memref<!tpu.dma_semaphore, #tpu.memory_space<semaphore_mem>>)
        %dma_wait3A = arith.constant 0 : i32
        %dma_wait3A_41 = arith.constant 0 : i32
        %dma_wait3A_42 = tpu.memref_slice %arg3[%add3A_21, %dma_wait3A, %dma_wait3A_41] : memref<128x20x128xi32, #tpu.memory_space<hbm>> -> memref<1x20x128xi32, #tpu.memory_space<hbm>>
        %dma_wait3A_43 = tpu.memref_squeeze %dma_wait3A_42 : memref<1x20x128xi32, #tpu.memory_space<hbm>> -> memref<20x128xi32, #tpu.memory_space<hbm>>
        %dma_wait3A_44 = arith.constant 0 : i32
        %dma_wait3A_45 = arith.constant 0 : i32
        %dma_wait3A_46 = tpu.memref_slice %arg3[%add3A_21, %dma_wait3A_44, %dma_wait3A_45] : memref<128x20x128xi32, #tpu.memory_space<hbm>> -> memref<1x20x128xi32, #tpu.memory_space<hbm>>
        %dma_wait3A_47 = tpu.memref_squeeze %dma_wait3A_46 : memref<1x20x128xi32, #tpu.memory_space<hbm>> -> memref<20x128xi32, #tpu.memory_space<hbm>>
        tpu.wait_dma2 semaphore(%run_scoped3A : memref<!tpu.dma_semaphore, #tpu.memory_space<semaphore_mem>>) src(%dma_wait3A_47 : memref<20x128xi32, #tpu.memory_space<hbm>>) dst(%arg7 : memref<20x128xi32, #tpu.memory_space<vmem>>)
        tpu.yield
      }) : () -> ()
      %add3A_22 = arith.addi %select_n3A_7, %while3A_20 : i32
      "tpu.region"() ({
        %run_scoped3A = tpu.sem_alloc : memref<!tpu.dma_semaphore, #tpu.memory_space<semaphore_mem>>
        %dma_start3A_33 = arith.constant 0 : i32
        %dma_start3A_34 = arith.constant 0 : i32
        %dma_start3A_35 = tpu.memref_slice %arg4[%add3A_22, %dma_start3A_33, %dma_start3A_34] : memref<128x20x128xi32, #tpu.memory_space<hbm>> -> memref<1x20x128xi32, #tpu.memory_space<hbm>>
        %dma_start3A_36 = tpu.memref_squeeze %dma_start3A_35 : memref<1x20x128xi32, #tpu.memory_space<hbm>> -> memref<20x128xi32, #tpu.memory_space<hbm>>
        %dma_start3A_37 = arith.constant 0 : i32
        %dma_start3A_38 = arith.constant 0 : i32
        %dma_start3A_39 = tpu.memref_slice %arg4[%add3A_22, %dma_start3A_37, %dma_start3A_38] : memref<128x20x128xi32, #tpu.memory_space<hbm>> -> memref<1x20x128xi32, #tpu.memory_space<hbm>>
        %dma_start3A_40 = tpu.memref_squeeze %dma_start3A_39 : memref<1x20x128xi32, #tpu.memory_space<hbm>> -> memref<20x128xi32, #tpu.memory_space<hbm>>
        tpu.enqueue_dma source(%dma_start3A_40 : memref<20x128xi32, #tpu.memory_space<hbm>>) target(%arg8 : memref<20x128xi32, #tpu.memory_space<vmem>>) target_semaphore(%run_scoped3A : memref<!tpu.dma_semaphore, #tpu.memory_space<semaphore_mem>>)
        %dma_wait3A = arith.constant 0 : i32
        %dma_wait3A_41 = arith.constant 0 : i32
        %dma_wait3A_42 = tpu.memref_slice %arg4[%add3A_22, %dma_wait3A, %dma_wait3A_41] : memref<128x20x128xi32, #tpu.memory_space<hbm>> -> memref<1x20x128xi32, #tpu.memory_space<hbm>>
        %dma_wait3A_43 = tpu.memref_squeeze %dma_wait3A_42 : memref<1x20x128xi32, #tpu.memory_space<hbm>> -> memref<20x128xi32, #tpu.memory_space<hbm>>
        %dma_wait3A_44 = arith.constant 0 : i32
        %dma_wait3A_45 = arith.constant 0 : i32
        %dma_wait3A_46 = tpu.memref_slice %arg4[%add3A_22, %dma_wait3A_44, %dma_wait3A_45] : memref<128x20x128xi32, #tpu.memory_space<hbm>> -> memref<1x20x128xi32, #tpu.memory_space<hbm>>
        %dma_wait3A_47 = tpu.memref_squeeze %dma_wait3A_46 : memref<1x20x128xi32, #tpu.memory_space<hbm>> -> memref<20x128xi32, #tpu.memory_space<hbm>>
        tpu.wait_dma2 semaphore(%run_scoped3A : memref<!tpu.dma_semaphore, #tpu.memory_space<semaphore_mem>>) src(%dma_wait3A_47 : memref<20x128xi32, #tpu.memory_space<hbm>>) dst(%arg8 : memref<20x128xi32, #tpu.memory_space<vmem>>)
        tpu.yield
      }) : () -> ()
      %dma_start3A = arith.constant 0 : i32
      %dma_start3A_23 = arith.constant 0 : i32
      %dma_start3A_24 = tpu.memref_slice %arg7[%dma_start3A, %dma_start3A_23] : memref<20x128xi32, #tpu.memory_space<vmem>> -> memref<1x128xi32, #tpu.memory_space<vmem>>
      %dma_start3A_25 = tpu.memref_squeeze %dma_start3A_24 : memref<1x128xi32, #tpu.memory_space<vmem>> -> memref<128xi32, #tpu.memory_space<vmem>>
      %dma_start3A_26 = arith.constant 0 : i32
      %dma_start3A_27 = arith.constant 0 : i32
      %dma_start3A_28 = tpu.memref_slice %arg2[%dma_start3A_26, %dma_start3A_27] : memref<10000x128xf32, #tpu.memory_space<hbm>> -> memref<10000x128xf32, #tpu.memory_space<hbm>>
      tpu.enqueue_indirect_dma source(%dma_start3A_28 : memref<10000x128xf32, #tpu.memory_space<hbm>>) target(%arg9 : memref<128x128xf32, #tpu.memory_space<vmem>>) offsets(%dma_start3A_25 : memref<128xi32, #tpu.memory_space<vmem>>) semaphore(%arg11 : memref<!tpu.dma_semaphore, #tpu.memory_space<semaphore_mem>>)
      %scan3A = arith.constant 0 : i32
      %scan3A_29 = arith.constant 10 : i32
      %scan3A_30 = arith.addi %scan3A, %scan3A_29 : i32
      %scan3A_31 = arith.constant 1 : i32
      scf.for %scan3A_33 = %scan3A to %scan3A_30 step %scan3A_31  : i32 {
        %mul3A_34 = arith.constant 2 : i32
        %mul3A_35 = arith.muli %scan3A_33, %mul3A_34 : i32
        %add3A_36 = arith.constant 0 : i32
        %add3A_37 = arith.addi %mul3A_35, %add3A_36 : i32
        %add3A_38 = arith.constant 2 : i32
        %add3A_39 = arith.addi %add3A_37, %add3A_38 : i32
        %sub3A = arith.constant 1 : i32
        %sub3A_40 = arith.subi %add3A_39, %sub3A : i32
        %lt3A = arith.constant 20 : i32
        %lt3A_41 = arith.cmpi slt, %sub3A_40, %lt3A : i32
        %convert_element_type3A = arith.extui %lt3A_41 : i1 to i32
        %cond3A = arith.constant 0 : i32
        %cond3A_42 = arith.cmpi ne, %convert_element_type3A, %cond3A : i32
        scf.if %cond3A_42 {
          %dma_start3A_69 = arith.constant 0 : i32
          %dma_start3A_70 = tpu.memref_slice %arg7[%sub3A_40, %dma_start3A_69] : memref<20x128xi32, #tpu.memory_space<vmem>> -> memref<1x128xi32, #tpu.memory_space<vmem>>
          %dma_start3A_71 = tpu.memref_squeeze %dma_start3A_70 : memref<1x128xi32, #tpu.memory_space<vmem>> -> memref<128xi32, #tpu.memory_space<vmem>>
          %dma_start3A_72 = arith.constant 0 : i32
          %dma_start3A_73 = arith.constant 0 : i32
          %dma_start3A_74 = tpu.memref_slice %arg2[%dma_start3A_72, %dma_start3A_73] : memref<10000x128xf32, #tpu.memory_space<hbm>> -> memref<10000x128xf32, #tpu.memory_space<hbm>>
          tpu.enqueue_indirect_dma source(%dma_start3A_74 : memref<10000x128xf32, #tpu.memory_space<hbm>>) target(%arg10 : memref<128x128xf32, #tpu.memory_space<vmem>>) offsets(%dma_start3A_71 : memref<128xi32, #tpu.memory_space<vmem>>) semaphore(%arg12 : memref<!tpu.dma_semaphore, #tpu.memory_space<semaphore_mem>>)
        } else {
        }
        %add3A_43 = arith.constant 0 : i32
        %add3A_44 = arith.addi %mul3A_35, %add3A_43 : i32
        %dma_wait3A = arith.constant 0 : i32
        %dma_wait3A_45 = tpu.memref_slice %arg7[%add3A_44, %dma_wait3A] : memref<20x128xi32, #tpu.memory_space<vmem>> -> memref<1x128xi32, #tpu.memory_space<vmem>>
        %dma_wait3A_46 = tpu.memref_squeeze %dma_wait3A_45 : memref<1x128xi32, #tpu.memory_space<vmem>> -> memref<128xi32, #tpu.memory_space<vmem>>
        %dma_wait3A_47 = arith.constant 0 : i32
        %dma_wait3A_48 = arith.constant 0 : i32
        %dma_wait3A_49 = tpu.memref_slice %arg2[%dma_wait3A_47, %dma_wait3A_48] : memref<10000x128xf32, #tpu.memory_space<hbm>> -> memref<10000x128xf32, #tpu.memory_space<hbm>>
        tpu.wait_indirect_dma semaphore(%arg11 : memref<!tpu.dma_semaphore, #tpu.memory_space<semaphore_mem>>) src(%dma_wait3A_49 : memref<10000x128xf32, #tpu.memory_space<hbm>>) dst(%arg9 : memref<128x128xf32, #tpu.memory_space<vmem>>)
        "tpu.region"() ({
          %run_scoped3A = tpu.sem_alloc : memref<!tpu.dma_semaphore, #tpu.memory_space<semaphore_mem>>
          %dma_start3A_69 = arith.constant 0 : i32
          %dma_start3A_70 = tpu.memref_slice %arg8[%add3A_44, %dma_start3A_69] : memref<20x128xi32, #tpu.memory_space<vmem>> -> memref<1x128xi32, #tpu.memory_space<vmem>>
          %dma_start3A_71 = tpu.memref_squeeze %dma_start3A_70 : memref<1x128xi32, #tpu.memory_space<vmem>> -> memref<128xi32, #tpu.memory_space<vmem>>
          %dma_start3A_72 = arith.constant 0 : i32
          %dma_start3A_73 = arith.constant 0 : i32
          %dma_start3A_74 = tpu.memref_slice %arg13[%dma_start3A_72, %dma_start3A_73] : memref<10240x128xf32, #tpu.memory_space<vmem_shared>> -> memref<10240x128xf32, #tpu.memory_space<vmem_shared>>
          tpu.enqueue_indirect_dma source(%arg9 : memref<128x128xf32, #tpu.memory_space<vmem>>) target(%dma_start3A_74 : memref<10240x128xf32, #tpu.memory_space<vmem_shared>>) offsets(%dma_start3A_71 : memref<128xi32, #tpu.memory_space<vmem>>) semaphore(%run_scoped3A : memref<!tpu.dma_semaphore, #tpu.memory_space<semaphore_mem>>) {add = true}
          %dma_wait3A_75 = arith.constant 0 : i32
          %dma_wait3A_76 = tpu.memref_slice %arg8[%add3A_44, %dma_wait3A_75] : memref<20x128xi32, #tpu.memory_space<vmem>> -> memref<1x128xi32, #tpu.memory_space<vmem>>
          %dma_wait3A_77 = tpu.memref_squeeze %dma_wait3A_76 : memref<1x128xi32, #tpu.memory_space<vmem>> -> memref<128xi32, #tpu.memory_space<vmem>>
          %dma_wait3A_78 = arith.constant 0 : i32
          %dma_wait3A_79 = arith.constant 0 : i32
          %dma_wait3A_80 = tpu.memref_slice %arg13[%dma_wait3A_78, %dma_wait3A_79] : memref<10240x128xf32, #tpu.memory_space<vmem_shared>> -> memref<10240x128xf32, #tpu.memory_space<vmem_shared>>
          tpu.wait_indirect_dma semaphore(%run_scoped3A : memref<!tpu.dma_semaphore, #tpu.memory_space<semaphore_mem>>) src(%arg9 : memref<128x128xf32, #tpu.memory_space<vmem>>) dst(%dma_wait3A_80 : memref<10240x128xf32, #tpu.memory_space<vmem_shared>>)
          tpu.yield
        }) : () -> ()
        %add3A_50 = arith.constant 1 : i32
        %add3A_51 = arith.addi %mul3A_35, %add3A_50 : i32
        %add3A_52 = arith.constant 2 : i32
        %add3A_53 = arith.addi %add3A_51, %add3A_52 : i32
        %sub3A_54 = arith.constant 1 : i32
        %sub3A_55 = arith.subi %add3A_53, %sub3A_54 : i32
        %lt3A_56 = arith.constant 20 : i32
        %lt3A_57 = arith.cmpi slt, %sub3A_55, %lt3A_56 : i32
        %convert_element_type3A_58 = arith.extui %lt3A_57 : i1 to i32
        %cond3A_59 = arith.constant 0 : i32
        %cond3A_60 = arith.cmpi ne, %convert_element_type3A_58, %cond3A_59 : i32
        scf.if %cond3A_60 {
          %dma_start3A_69 = arith.constant 0 : i32
          %dma_start3A_70 = tpu.memref_slice %arg7[%sub3A_55, %dma_start3A_69] : memref<20x128xi32, #tpu.memory_space<vmem>> -> memref<1x128xi32, #tpu.memory_space<vmem>>
          %dma_start3A_71 = tpu.memref_squeeze %dma_start3A_70 : memref<1x128xi32, #tpu.memory_space<vmem>> -> memref<128xi32, #tpu.memory_space<vmem>>
          %dma_start3A_72 = arith.constant 0 : i32
          %dma_start3A_73 = arith.constant 0 : i32
          %dma_start3A_74 = tpu.memref_slice %arg2[%dma_start3A_72, %dma_start3A_73] : memref<10000x128xf32, #tpu.memory_space<hbm>> -> memref<10000x128xf32, #tpu.memory_space<hbm>>
          tpu.enqueue_indirect_dma source(%dma_start3A_74 : memref<10000x128xf32, #tpu.memory_space<hbm>>) target(%arg9 : memref<128x128xf32, #tpu.memory_space<vmem>>) offsets(%dma_start3A_71 : memref<128xi32, #tpu.memory_space<vmem>>) semaphore(%arg11 : memref<!tpu.dma_semaphore, #tpu.memory_space<semaphore_mem>>)
        } else {
        }
        %add3A_61 = arith.constant 1 : i32
        %add3A_62 = arith.addi %mul3A_35, %add3A_61 : i32
        %dma_wait3A_63 = arith.constant 0 : i32
        %dma_wait3A_64 = tpu.memref_slice %arg7[%add3A_62, %dma_wait3A_63] : memref<20x128xi32, #tpu.memory_space<vmem>> -> memref<1x128xi32, #tpu.memory_space<vmem>>
        %dma_wait3A_65 = tpu.memref_squeeze %dma_wait3A_64 : memref<1x128xi32, #tpu.memory_space<vmem>> -> memref<128xi32, #tpu.memory_space<vmem>>
        %dma_wait3A_66 = arith.constant 0 : i32
        %dma_wait3A_67 = arith.constant 0 : i32
        %dma_wait3A_68 = tpu.memref_slice %arg2[%dma_wait3A_66, %dma_wait3A_67] : memref<10000x128xf32, #tpu.memory_space<hbm>> -> memref<10000x128xf32, #tpu.memory_space<hbm>>
        tpu.wait_indirect_dma semaphore(%arg12 : memref<!tpu.dma_semaphore, #tpu.memory_space<semaphore_mem>>) src(%dma_wait3A_68 : memref<10000x128xf32, #tpu.memory_space<hbm>>) dst(%arg10 : memref<128x128xf32, #tpu.memory_space<vmem>>)
        "tpu.region"() ({
          %run_scoped3A = tpu.sem_alloc : memref<!tpu.dma_semaphore, #tpu.memory_space<semaphore_mem>>
          %dma_start3A_69 = arith.constant 0 : i32
          %dma_start3A_70 = tpu.memref_slice %arg8[%add3A_62, %dma_start3A_69] : memref<20x128xi32, #tpu.memory_space<vmem>> -> memref<1x128xi32, #tpu.memory_space<vmem>>
          %dma_start3A_71 = tpu.memref_squeeze %dma_start3A_70 : memref<1x128xi32, #tpu.memory_space<vmem>> -> memref<128xi32, #tpu.memory_space<vmem>>
          %dma_start3A_72 = arith.constant 0 : i32
          %dma_start3A_73 = arith.constant 0 : i32
          %dma_start3A_74 = tpu.memref_slice %arg13[%dma_start3A_72, %dma_start3A_73] : memref<10240x128xf32, #tpu.memory_space<vmem_shared>> -> memref<10240x128xf32, #tpu.memory_space<vmem_shared>>
          tpu.enqueue_indirect_dma source(%arg10 : memref<128x128xf32, #tpu.memory_space<vmem>>) target(%dma_start3A_74 : memref<10240x128xf32, #tpu.memory_space<vmem_shared>>) offsets(%dma_start3A_71 : memref<128xi32, #tpu.memory_space<vmem>>) semaphore(%run_scoped3A : memref<!tpu.dma_semaphore, #tpu.memory_space<semaphore_mem>>) {add = true}
          %dma_wait3A_75 = arith.constant 0 : i32
          %dma_wait3A_76 = tpu.memref_slice %arg8[%add3A_62, %dma_wait3A_75] : memref<20x128xi32, #tpu.memory_space<vmem>> -> memref<1x128xi32, #tpu.memory_space<vmem>>
          %dma_wait3A_77 = tpu.memref_squeeze %dma_wait3A_76 : memref<1x128xi32, #tpu.memory_space<vmem>> -> memref<128xi32, #tpu.memory_space<vmem>>
          %dma_wait3A_78 = arith.constant 0 : i32
          %dma_wait3A_79 = arith.constant 0 : i32
          %dma_wait3A_80 = tpu.memref_slice %arg13[%dma_wait3A_78, %dma_wait3A_79] : memref<10240x128xf32, #tpu.memory_space<vmem_shared>> -> memref<10240x128xf32, #tpu.memory_space<vmem_shared>>
          tpu.wait_indirect_dma semaphore(%run_scoped3A : memref<!tpu.dma_semaphore, #tpu.memory_space<semaphore_mem>>) src(%arg10 : memref<128x128xf32, #tpu.memory_space<vmem>>) dst(%dma_wait3A_80 : memref<10240x128xf32, #tpu.memory_space<vmem_shared>>)
          tpu.yield
        }) : () -> ()
      }
      %scan3A_32 = arith.constant 10 : i32
    }
    %barrier3A_19 = arith.constant 0 : index
    tpu.barrier barrier_id(%barrier3A_19)
    "tpu.region"() ({
      %run_scoped3A = tpu.sem_alloc : memref<!tpu.dma_semaphore, #tpu.memory_space<semaphore_mem>>
      %dma_start3A = arith.constant 0 : i32
      %dma_start3A_20 = arith.constant 0 : i32
      %dma_start3A_21 = tpu.memref_slice %arg6[%arg0, %dma_start3A, %dma_start3A_20] : memref<2x10240x128xf32, #tpu.memory_space<hbm>> -> memref<1x10240x128xf32, #tpu.memory_space<hbm>>
      %dma_start3A_22 = tpu.memref_squeeze %dma_start3A_21 : memref<1x10240x128xf32, #tpu.memory_space<hbm>> -> memref<10240x128xf32, #tpu.memory_space<hbm>>
      %dma_start3A_23 = arith.constant 0 : i32
      %dma_start3A_24 = tpu.memref_slice %dma_start3A_22[%mul3A_9, %dma_start3A_23] : memref<10240x128xf32, #tpu.memory_space<hbm>> -> memref<640x128xf32, #tpu.memory_space<hbm>>
      %dma_start3A_25 = arith.constant 0 : i32
      %dma_start3A_26 = tpu.memref_slice %arg13[%mul3A_9, %dma_start3A_25] : memref<10240x128xf32, #tpu.memory_space<vmem_shared>> -> memref<640x128xf32, #tpu.memory_space<vmem_shared>>
      tpu.enqueue_dma source(%dma_start3A_26 : memref<640x128xf32, #tpu.memory_space<vmem_shared>>) target(%dma_start3A_24 : memref<640x128xf32, #tpu.memory_space<hbm>>) target_semaphore(%run_scoped3A : memref<!tpu.dma_semaphore, #tpu.memory_space<semaphore_mem>>)
      %dma_wait3A = arith.constant 0 : i32
      %dma_wait3A_27 = arith.constant 0 : i32
      %dma_wait3A_28 = tpu.memref_slice %arg6[%arg0, %dma_wait3A, %dma_wait3A_27] : memref<2x10240x128xf32, #tpu.memory_space<hbm>> -> memref<1x10240x128xf32, #tpu.memory_space<hbm>>
      %dma_wait3A_29 = tpu.memref_squeeze %dma_wait3A_28 : memref<1x10240x128xf32, #tpu.memory_space<hbm>> -> memref<10240x128xf32, #tpu.memory_space<hbm>>
      %dma_wait3A_30 = arith.constant 0 : i32
      %dma_wait3A_31 = tpu.memref_slice %dma_wait3A_29[%mul3A_9, %dma_wait3A_30] : memref<10240x128xf32, #tpu.memory_space<hbm>> -> memref<640x128xf32, #tpu.memory_space<hbm>>
      %dma_wait3A_32 = arith.constant 0 : i32
      %dma_wait3A_33 = tpu.memref_slice %arg13[%mul3A_9, %dma_wait3A_32] : memref<10240x128xf32, #tpu.memory_space<vmem_shared>> -> memref<640x128xf32, #tpu.memory_space<vmem_shared>>
      tpu.wait_dma2 semaphore(%run_scoped3A : memref<!tpu.dma_semaphore, #tpu.memory_space<semaphore_mem>>) src(%dma_wait3A_33 : memref<640x128xf32, #tpu.memory_space<vmem_shared>>) dst(%dma_wait3A_31 : memref<640x128xf32, #tpu.memory_space<hbm>>)
      tpu.yield
    }) : () -> ()
    return
  }
}

module attributes {stable_mosaic.version = 14 : i64} {
  func.func @_tc_pre_body(%arg0: i32, %arg1: memref<1000x128xf32, #tpu.memory_space<vmem>>, %arg2: memref<128x128xf32, #tpu.memory_space<vmem>>, %arg3: memref<128x128xf32, #tpu.memory_space<vmem>>, %arg4: memref<1x128xf32, #tpu.memory_space<vmem>>, %arg5: memref<1000x128xf32, #tpu.memory_space<vmem>>, %arg6: memref<1000x128xf32, #tpu.memory_space<vmem>>) attributes {dimension_semantics = [#tpu.dimension_semantics<arbitrary>], iteration_bounds = array<i64: 10>, scalar_prefetch = 0 : i64, scratch_operands = 0 : i64, tpu.core_type = #tpu.core_type<tc>, window_params = [{transform_indices = @transform_0, window_bounds = array<i64: 1000, 128>}, {pipeline_mode = #tpu.pipeline_mode<synchronous>, transform_indices = @transform_1, window_bounds = array<i64: 128, 128>}, {pipeline_mode = #tpu.pipeline_mode<synchronous>, transform_indices = @transform_2, window_bounds = array<i64: 128, 128>}, {pipeline_mode = #tpu.pipeline_mode<synchronous>, transform_indices = @transform_3, window_bounds = array<i64: 1, 128>}, {transform_indices = @transform_4, window_bounds = array<i64: 1000, 128>}, {transform_indices = @transform_5, window_bounds = array<i64: 1000, 128>}]} {
    %get3A = arith.constant 0 : index
    %get3A_0 = arith.constant 0 : index
    %get3A_1 = vector.load %arg1[%get3A, %get3A_0] : memref<1000x128xf32, #tpu.memory_space<vmem>>, vector<1000x128xf32>
    %get3A_2 = arith.constant 0 : index
    %get3A_3 = arith.constant 0 : index
    %get3A_4 = vector.load %arg2[%get3A_2, %get3A_3] : memref<128x128xf32, #tpu.memory_space<vmem>>, vector<128x128xf32>
    %dot_general3A = arith.constant dense<0.000000e+00> : vector<1000x128xf32>
    %dot_general3A_5 = tpu.matmul %get3A_1, %get3A_4, %dot_general3A {dimension_numbers = #tpu.dot_dimension_numbers<[1], [0], [0], [1], [0, 0, 1, 1], [], []>, transpose_lhs_hint = false} : vector<1000x128xf32>, vector<128x128xf32>, vector<1000x128xf32> -> vector<1000x128xf32>
    %swap3A = arith.constant 0 : index
    %swap3A_6 = arith.constant 0 : index
    %swap3A_7 = vector.load %arg5[%swap3A, %swap3A_6] : memref<1000x128xf32, #tpu.memory_space<vmem>>, vector<1000x128xf32>
    tpu.vector_store %arg5[%swap3A, %swap3A_6], %dot_general3A_5 {strides = array<i32>} : memref<1000x128xf32, #tpu.memory_space<vmem>>, vector<1000x128xf32>,
    %get3A_8 = arith.constant 0 : index
    %get3A_9 = arith.constant 0 : index
    %get3A_10 = vector.load %arg3[%get3A_8, %get3A_9] : memref<128x128xf32, #tpu.memory_space<vmem>>, vector<128x128xf32>
    %dot_general3A_11 = arith.constant dense<0.000000e+00> : vector<1000x128xf32>
    %dot_general3A_12 = tpu.matmul %get3A_1, %get3A_10, %dot_general3A_11 {dimension_numbers = #tpu.dot_dimension_numbers<[1], [0], [0], [1], [0, 0, 1, 1], [], []>, transpose_lhs_hint = false} : vector<1000x128xf32>, vector<128x128xf32>, vector<1000x128xf32> -> vector<1000x128xf32>
    %get3A_13 = arith.constant 0 : index
    %get3A_14 = arith.constant 0 : index
    %get3A_15 = vector.load %arg4[%get3A_13, %get3A_14] : memref<1x128xf32, #tpu.memory_space<vmem>>, vector<1x128xf32>
    %add3A = vector.broadcast %get3A_15 : vector<1x128xf32> to vector<1000x128xf32>
    %add3A_16 = arith.addf %dot_general3A_12, %add3A : vector<1000x128xf32>
    %swap3A_17 = arith.constant 0 : index
    %swap3A_18 = arith.constant 0 : index
    %swap3A_19 = vector.load %arg6[%swap3A_17, %swap3A_18] : memref<1000x128xf32, #tpu.memory_space<vmem>>, vector<1000x128xf32>
    tpu.vector_store %arg6[%swap3A_17, %swap3A_18], %add3A_16 {strides = array<i32>} : memref<1000x128xf32, #tpu.memory_space<vmem>>, vector<1000x128xf32>,
    return
  }
  func.func @transform_0(%arg0: i32) -> (i32, i32) {
    %c0_i32 = arith.constant 0 : i32
    %c0_i32_0 = arith.constant 0 : i32
    return %arg0, %c0_i32 : i32, i32
  }
  func.func @transform_1(%arg0: i32) -> (i32, i32) {
    %c0_i32 = arith.constant 0 : i32
    %c0_i32_0 = arith.constant 0 : i32
    %c0_i32_1 = arith.constant 0 : i32
    return %c0_i32, %c0_i32_0 : i32, i32
  }
  func.func @transform_2(%arg0: i32) -> (i32, i32) {
    %c0_i32 = arith.constant 0 : i32
    %c0_i32_0 = arith.constant 0 : i32
    %c0_i32_1 = arith.constant 0 : i32
    return %c0_i32, %c0_i32_0 : i32, i32
  }
  func.func @transform_3(%arg0: i32) -> (i32, i32) {
    %c0_i32 = arith.constant 0 : i32
    %c0_i32_0 = arith.constant 0 : i32
    %c0_i32_1 = arith.constant 0 : i32
    return %c0_i32, %c0_i32_0 : i32, i32
  }
  func.func @transform_4(%arg0: i32) -> (i32, i32) {
    %c0_i32 = arith.constant 0 : i32
    %c0_i32_0 = arith.constant 0 : i32
    return %arg0, %c0_i32 : i32, i32
  }
  func.func @transform_5(%arg0: i32) -> (i32, i32) {
    %c0_i32 = arith.constant 0 : i32
    %c0_i32_0 = arith.constant 0 : i32
    return %arg0, %c0_i32 : i32, i32
  }
}

module attributes {stable_mosaic.version = 14 : i64} {
  func.func @_tc_mid_body(%arg0: i32, %arg1: memref<2x1000x128xf32, #tpu.memory_space<vmem>>, %arg2: memref<2x1000x128xf32, #tpu.memory_space<vmem>>, %arg3: memref<1000x128xf32, #tpu.memory_space<vmem>>, %arg4: memref<128x128xf32, #tpu.memory_space<vmem>>, %arg5: memref<128x128xf32, #tpu.memory_space<vmem>>, %arg6: memref<1x128xf32, #tpu.memory_space<vmem>>, %arg7: memref<1000x128xf32, #tpu.memory_space<vmem>>, %arg8: memref<1000x128xf32, #tpu.memory_space<vmem>>) attributes {dimension_semantics = [#tpu.dimension_semantics<arbitrary>], iteration_bounds = array<i64: 10>, scalar_prefetch = 0 : i64, scratch_operands = 0 : i64, tpu.core_type = #tpu.core_type<tc>, window_params = [{transform_indices = @transform_0, window_bounds = array<i64: 2, 1000, 128>}, {transform_indices = @transform_1, window_bounds = array<i64: 2, 1000, 128>}, {transform_indices = @transform_2, window_bounds = array<i64: 1000, 128>}, {pipeline_mode = #tpu.pipeline_mode<synchronous>, transform_indices = @transform_3, window_bounds = array<i64: 128, 128>}, {pipeline_mode = #tpu.pipeline_mode<synchronous>, transform_indices = @transform_4, window_bounds = array<i64: 128, 128>}, {pipeline_mode = #tpu.pipeline_mode<synchronous>, transform_indices = @transform_5, window_bounds = array<i64: 1, 128>}, {transform_indices = @transform_6, window_bounds = array<i64: 1000, 128>}, {transform_indices = @transform_7, window_bounds = array<i64: 1000, 128>}]} {
    %get3A = arith.constant 0 : index
    %get3A_0 = arith.constant 0 : index
    %get3A_1 = arith.constant 0 : index
    %get3A_2 = vector.load %arg2[%get3A, %get3A_0, %get3A_1] : memref<2x1000x128xf32, #tpu.memory_space<vmem>>, vector<1x1000x128xf32>
    %get3A_3 = vector.shape_cast %get3A_2 : vector<1x1000x128xf32> to vector<1000x128xf32>
    %get3A_4 = arith.constant 1 : index
    %get3A_5 = arith.constant 0 : index
    %get3A_6 = arith.constant 0 : index
    %get3A_7 = vector.load %arg2[%get3A_4, %get3A_5, %get3A_6] : memref<2x1000x128xf32, #tpu.memory_space<vmem>>, vector<1x1000x128xf32>
    %get3A_8 = vector.shape_cast %get3A_7 : vector<1x1000x128xf32> to vector<1000x128xf32>
    %add3A = arith.addf %get3A_3, %get3A_8 : vector<1000x128xf32>
    %slice3A = vector.extract_strided_slice %add3A {offsets = [0, 0], sizes = [1000, 1], strides = [1, 1]} : vector<1000x128xf32> to vector<1000x1xf32>
    %max3A = arith.constant 1.000000e+00 : f32
    %max3A_9 = vector.broadcast %max3A : f32 to vector<1000x1xf32>
    %max3A_10 = arith.maximumf %slice3A, %max3A_9 : vector<1000x1xf32>
    %div3A = arith.constant 1.000000e+00 : f32
    %div3A_11 = vector.broadcast %div3A : f32 to vector<1000x1xf32>
    %div3A_12 = arith.divf %div3A_11, %max3A_10 : vector<1000x1xf32>
    %get3A_13 = arith.constant 0 : index
    %get3A_14 = arith.constant 0 : index
    %get3A_15 = arith.constant 0 : index
    %get3A_16 = vector.load %arg1[%get3A_13, %get3A_14, %get3A_15] : memref<2x1000x128xf32, #tpu.memory_space<vmem>>, vector<1x1000x128xf32>
    %get3A_17 = vector.shape_cast %get3A_16 : vector<1x1000x128xf32> to vector<1000x128xf32>
    %get3A_18 = arith.constant 1 : index
    %get3A_19 = arith.constant 0 : index
    %get3A_20 = arith.constant 0 : index
    %get3A_21 = vector.load %arg1[%get3A_18, %get3A_19, %get3A_20] : memref<2x1000x128xf32, #tpu.memory_space<vmem>>, vector<1x1000x128xf32>
    %get3A_22 = vector.shape_cast %get3A_21 : vector<1x1000x128xf32> to vector<1000x128xf32>
    %add3A_23 = arith.addf %get3A_17, %get3A_22 : vector<1000x128xf32>
    %mul3A = vector.broadcast %div3A_12 : vector<1000x1xf32> to vector<1000x128xf32>
    %mul3A_24 = arith.mulf %add3A_23, %mul3A : vector<1000x128xf32>
    %get3A_25 = arith.constant 0 : index
    %get3A_26 = arith.constant 0 : index
    %get3A_27 = vector.load %arg3[%get3A_25, %get3A_26] : memref<1000x128xf32, #tpu.memory_space<vmem>>, vector<1000x128xf32>
    %add3A_28 = arith.addf %mul3A_24, %get3A_27 : vector<1000x128xf32>
    %max3A_29 = arith.constant 0.000000e+00 : f32
    %max3A_30 = vector.broadcast %max3A_29 : f32 to vector<1000x128xf32>
    %max3A_31 = arith.maximumf %add3A_28, %max3A_30 : vector<1000x128xf32>
    %get3A_32 = arith.constant 0 : index
    %get3A_33 = arith.constant 0 : index
    %get3A_34 = vector.load %arg4[%get3A_32, %get3A_33] : memref<128x128xf32, #tpu.memory_space<vmem>>, vector<128x128xf32>
    %dot_general3A = arith.constant dense<0.000000e+00> : vector<1000x128xf32>
    %dot_general3A_35 = tpu.matmul %max3A_31, %get3A_34, %dot_general3A {dimension_numbers = #tpu.dot_dimension_numbers<[1], [0], [0], [1], [0, 0, 1, 1], [], []>, transpose_lhs_hint = false} : vector<1000x128xf32>, vector<128x128xf32>, vector<1000x128xf32> -> vector<1000x128xf32>
    %swap3A = arith.constant 0 : index
    %swap3A_36 = arith.constant 0 : index
    %swap3A_37 = vector.load %arg7[%swap3A, %swap3A_36] : memref<1000x128xf32, #tpu.memory_space<vmem>>, vector<1000x128xf32>
    tpu.vector_store %arg7[%swap3A, %swap3A_36], %dot_general3A_35 {strides = array<i32>} : memref<1000x128xf32, #tpu.memory_space<vmem>>, vector<1000x128xf32>,
    %get3A_38 = arith.constant 0 : index
    %get3A_39 = arith.constant 0 : index
    %get3A_40 = vector.load %arg5[%get3A_38, %get3A_39] : memref<128x128xf32, #tpu.memory_space<vmem>>, vector<128x128xf32>
    %dot_general3A_41 = arith.constant dense<0.000000e+00> : vector<1000x128xf32>
    %dot_general3A_42 = tpu.matmul %max3A_31, %get3A_40, %dot_general3A_41 {dimension_numbers = #tpu.dot_dimension_numbers<[1], [0], [0], [1], [0, 0, 1, 1], [], []>, transpose_lhs_hint = false} : vector<1000x128xf32>, vector<128x128xf32>, vector<1000x128xf32> -> vector<1000x128xf32>
    %get3A_43 = arith.constant 0 : index
    %get3A_44 = arith.constant 0 : index
    %get3A_45 = vector.load %arg6[%get3A_43, %get3A_44] : memref<1x128xf32, #tpu.memory_space<vmem>>, vector<1x128xf32>
    %add3A_46 = vector.broadcast %get3A_45 : vector<1x128xf32> to vector<1000x128xf32>
    %add3A_47 = arith.addf %dot_general3A_42, %add3A_46 : vector<1000x128xf32>
    %swap3A_48 = arith.constant 0 : index
    %swap3A_49 = arith.constant 0 : index
    %swap3A_50 = vector.load %arg8[%swap3A_48, %swap3A_49] : memref<1000x128xf32, #tpu.memory_space<vmem>>, vector<1000x128xf32>
    tpu.vector_store %arg8[%swap3A_48, %swap3A_49], %add3A_47 {strides = array<i32>} : memref<1000x128xf32, #tpu.memory_space<vmem>>, vector<1000x128xf32>,
    return
  }
  func.func @transform_0(%arg0: i32) -> (i32, i32, i32) {
    %c0_i32 = arith.constant 0 : i32
    %c0_i32_0 = arith.constant 0 : i32
    %c0_i32_1 = arith.constant 0 : i32
    return %c0_i32, %arg0, %c0_i32_0 : i32, i32, i32
  }
  func.func @transform_1(%arg0: i32) -> (i32, i32, i32) {
    %c0_i32 = arith.constant 0 : i32
    %c0_i32_0 = arith.constant 0 : i32
    %c0_i32_1 = arith.constant 0 : i32
    return %c0_i32, %arg0, %c0_i32_0 : i32, i32, i32
  }
  func.func @transform_2(%arg0: i32) -> (i32, i32) {
    %c0_i32 = arith.constant 0 : i32
    %c0_i32_0 = arith.constant 0 : i32
    return %arg0, %c0_i32 : i32, i32
  }
  func.func @transform_3(%arg0: i32) -> (i32, i32) {
    %c0_i32 = arith.constant 0 : i32
    %c0_i32_0 = arith.constant 0 : i32
    %c0_i32_1 = arith.constant 0 : i32
    return %c0_i32, %c0_i32_0 : i32, i32
  }
  func.func @transform_4(%arg0: i32) -> (i32, i32) {
    %c0_i32 = arith.constant 0 : i32
    %c0_i32_0 = arith.constant 0 : i32
    %c0_i32_1 = arith.constant 0 : i32
    return %c0_i32, %c0_i32_0 : i32, i32
  }
  func.func @transform_5(%arg0: i32) -> (i32, i32) {
    %c0_i32 = arith.constant 0 : i32
    %c0_i32_0 = arith.constant 0 : i32
    %c0_i32_1 = arith.constant 0 : i32
    return %c0_i32, %c0_i32_0 : i32, i32
  }
  func.func @transform_6(%arg0: i32) -> (i32, i32) {
    %c0_i32 = arith.constant 0 : i32
    %c0_i32_0 = arith.constant 0 : i32
    return %arg0, %c0_i32 : i32, i32
  }
  func.func @transform_7(%arg0: i32) -> (i32, i32) {
    %c0_i32 = arith.constant 0 : i32
    %c0_i32_0 = arith.constant 0 : i32
    return %arg0, %c0_i32 : i32, i32
  }
}

module attributes {stable_mosaic.version = 14 : i64} {
  func.func @_tc_post_body(%arg0: i32, %arg1: memref<2x1000x128xf32, #tpu.memory_space<vmem>>, %arg2: memref<2x1000x128xf32, #tpu.memory_space<vmem>>, %arg3: memref<1000x128xf32, #tpu.memory_space<vmem>>, %arg4: memref<1000x128xf32, #tpu.memory_space<vmem>>) attributes {dimension_semantics = [#tpu.dimension_semantics<arbitrary>], iteration_bounds = array<i64: 10>, scalar_prefetch = 0 : i64, scratch_operands = 0 : i64, tpu.core_type = #tpu.core_type<tc>, window_params = [{transform_indices = @transform_0, window_bounds = array<i64: 2, 1000, 128>}, {transform_indices = @transform_1, window_bounds = array<i64: 2, 1000, 128>}, {transform_indices = @transform_2, window_bounds = array<i64: 1000, 128>}, {transform_indices = @transform_3, window_bounds = array<i64: 1000, 128>}]} {
    %get3A = arith.constant 0 : index
    %get3A_0 = arith.constant 0 : index
    %get3A_1 = arith.constant 0 : index
    %get3A_2 = vector.load %arg2[%get3A, %get3A_0, %get3A_1] : memref<2x1000x128xf32, #tpu.memory_space<vmem>>, vector<1x1000x128xf32>
    %get3A_3 = vector.shape_cast %get3A_2 : vector<1x1000x128xf32> to vector<1000x128xf32>
    %get3A_4 = arith.constant 1 : index
    %get3A_5 = arith.constant 0 : index
    %get3A_6 = arith.constant 0 : index
    %get3A_7 = vector.load %arg2[%get3A_4, %get3A_5, %get3A_6] : memref<2x1000x128xf32, #tpu.memory_space<vmem>>, vector<1x1000x128xf32>
    %get3A_8 = vector.shape_cast %get3A_7 : vector<1x1000x128xf32> to vector<1000x128xf32>
    %add3A = arith.addf %get3A_3, %get3A_8 : vector<1000x128xf32>
    %slice3A = vector.extract_strided_slice %add3A {offsets = [0, 0], sizes = [1000, 1], strides = [1, 1]} : vector<1000x128xf32> to vector<1000x1xf32>
    %max3A = arith.constant 1.000000e+00 : f32
    %max3A_9 = vector.broadcast %max3A : f32 to vector<1000x1xf32>
    %max3A_10 = arith.maximumf %slice3A, %max3A_9 : vector<1000x1xf32>
    %div3A = arith.constant 1.000000e+00 : f32
    %div3A_11 = vector.broadcast %div3A : f32 to vector<1000x1xf32>
    %div3A_12 = arith.divf %div3A_11, %max3A_10 : vector<1000x1xf32>
    %get3A_13 = arith.constant 0 : index
    %get3A_14 = arith.constant 0 : index
    %get3A_15 = arith.constant 0 : index
    %get3A_16 = vector.load %arg1[%get3A_13, %get3A_14, %get3A_15] : memref<2x1000x128xf32, #tpu.memory_space<vmem>>, vector<1x1000x128xf32>
    %get3A_17 = vector.shape_cast %get3A_16 : vector<1x1000x128xf32> to vector<1000x128xf32>
    %get3A_18 = arith.constant 1 : index
    %get3A_19 = arith.constant 0 : index
    %get3A_20 = arith.constant 0 : index
    %get3A_21 = vector.load %arg1[%get3A_18, %get3A_19, %get3A_20] : memref<2x1000x128xf32, #tpu.memory_space<vmem>>, vector<1x1000x128xf32>
    %get3A_22 = vector.shape_cast %get3A_21 : vector<1x1000x128xf32> to vector<1000x128xf32>
    %add3A_23 = arith.addf %get3A_17, %get3A_22 : vector<1000x128xf32>
    %mul3A = vector.broadcast %div3A_12 : vector<1000x1xf32> to vector<1000x128xf32>
    %mul3A_24 = arith.mulf %add3A_23, %mul3A : vector<1000x128xf32>
    %get3A_25 = arith.constant 0 : index
    %get3A_26 = arith.constant 0 : index
    %get3A_27 = vector.load %arg3[%get3A_25, %get3A_26] : memref<1000x128xf32, #tpu.memory_space<vmem>>, vector<1000x128xf32>
    %add3A_28 = arith.addf %mul3A_24, %get3A_27 : vector<1000x128xf32>
    %reduce_max3A = arith.constant dense<0xFF800000> : vector<1000xf32>
    %reduce_max3A_29 = vector.multi_reduction <maximumf>, %add3A_28, %reduce_max3A [1] : vector<1000x128xf32> to vector<1000xf32>
    %broadcast_in_dim3A = vector.shape_cast %reduce_max3A_29 : vector<1000xf32> to vector<1000x1xf32>
    %sub3A = vector.broadcast %broadcast_in_dim3A : vector<1000x1xf32> to vector<1000x128xf32>
    %sub3A_30 = arith.subf %add3A_28, %sub3A : vector<1000x128xf32>
    %exp3A = math.exp %sub3A_30 : vector<1000x128xf32>
    %reduce_sum3A = arith.constant dense<0.000000e+00> : vector<1000xf32>
    %reduce_sum3A_31 = vector.multi_reduction <add>, %exp3A, %reduce_sum3A [1] : vector<1000x128xf32> to vector<1000xf32>
    %broadcast_in_dim3A_32 = vector.shape_cast %reduce_sum3A_31 : vector<1000xf32> to vector<1000x1xf32>
    %log3A = math.log %broadcast_in_dim3A_32 : vector<1000x1xf32>
    %add3A_33 = arith.addf %log3A, %broadcast_in_dim3A : vector<1000x1xf32>
    %sub3A_34 = vector.broadcast %add3A_33 : vector<1000x1xf32> to vector<1000x128xf32>
    %sub3A_35 = arith.subf %add3A_28, %sub3A_34 : vector<1000x128xf32>
    %swap3A = arith.constant 0 : index
    %swap3A_36 = arith.constant 0 : index
    %swap3A_37 = vector.load %arg4[%swap3A, %swap3A_36] : memref<1000x128xf32, #tpu.memory_space<vmem>>, vector<1000x128xf32>
    tpu.vector_store %arg4[%swap3A, %swap3A_36], %sub3A_35 {strides = array<i32>} : memref<1000x128xf32, #tpu.memory_space<vmem>>, vector<1000x128xf32>,
    return
  }
  func.func @transform_0(%arg0: i32) -> (i32, i32, i32) {
    %c0_i32 = arith.constant 0 : i32
    %c0_i32_0 = arith.constant 0 : i32
    %c0_i32_1 = arith.constant 0 : i32
    return %c0_i32, %arg0, %c0_i32_0 : i32, i32, i32
  }
  func.func @transform_1(%arg0: i32) -> (i32, i32, i32) {
    %c0_i32 = arith.constant 0 : i32
    %c0_i32_0 = arith.constant 0 : i32
    %c0_i32_1 = arith.constant 0 : i32
    return %c0_i32, %arg0, %c0_i32_0 : i32, i32, i32
  }
  func.func @transform_2(%arg0: i32) -> (i32, i32) {
    %c0_i32 = arith.constant 0 : i32
    %c0_i32_0 = arith.constant 0 : i32
    return %arg0, %c0_i32 : i32, i32
  }
  func.func @transform_3(%arg0: i32) -> (i32, i32) {
    %c0_i32 = arith.constant 0 : i32
    %c0_i32_0 = arith.constant 0 : i32
    return %arg0, %c0_i32 : i32, i32
  }
}

</mosaic_0001>

<sc_bundles>
// kernel: kernel.11.cloned.1.call-start
scs
__scs_entry_jumppad:
0x0: {  	(pc) =	sbr.rel $0x88, $3  }
0x1: {  	(tag) =	ssettag $0x0;
	lr =	simm.s32 $0x1  }
0x2: {  	[smem:$0x3F99] =	sst lr;
	_ =	strace $0xD0000000  }
0x3: {  	_ = 	snop  }
0x4: {  	_ = 	snop  }
0x5: {  	_ = 	snop  }
0x6: {  	_ = 	snop  }
0x7: {  	_ = 	snop  }
__scs_overlays_trampoline_lowered:
0x8: {  	[smem:$0x3FA8] =	sst s0  }
0x9: {  	[smem:$0x3FA9] =	sst s1  }
0xa: {  	[smem:$0x3FAA] =	sst s2  }
0xb: {  	[smem:$0x3FAB] =	sst s3  }
0xc: {  	[smem:$0x3FAC] =	sst s4  }
0xd: {  	[smem:$0x3FAD] =	sst s5  }
0xe: {  	[smem:$0x3FAE] =	sst s6  }
0xf: {  	[smem:$0x3FAF] =	sst s7  }
0x10: {  	[smem:$0x3FB0] =	sst s8  }
0x11: {  	[smem:$0x3FB1] =	sst s9;
	s0 =	simm.s32 @!p0 $0x0  }
0x12: {  	s1 =	sld [smem:$0x3F97];
	s0 =	simm.s32 @p0 $0x1  }
0x13: {  	[smem:$0x3FB2] =	sst s0;
	s0 =	simm.s32 @!p1 $0x0  }
0x14: {  	s2 =	sld [smem:$0x3F96];
	s0 =	simm.s32 @p1 $0x1  }
0x15: {  	[smem:$0x3FB3] =	sst s0;
	s0 =	simm.s32 @!p2 $0x0  }
0x16: {  	s3 =	sld [smem:$0x3FDB];
	s0 =	simm.s32 @p2 $0x1  }
0x17: {  	s4 =	simm.s32 $0x1BF5;
	[smem:$0x3FB5] =	sst s0  }
0x18: {  	s0 =	sld [smem:$0x3F98];
	_ =	swait.ge [sflag:s4], $0x0  }
0x19: {  	s7 =	sld [smem:$0x3F99]  }
0x1a: {  	s8 =	sadd.s32 $0xFFFFE003, lr  }
0x1b: {  	s9 =	sadd.s32 $0xFFFFFEF7, lr;
	s5 =	simm.s32 $0xFFFFFFFF;
	p2 =	slt.u32 s8, $0xFFFFF086  }
0x1c: {  	p1 =	slt.u32 s9, $0xF7A;
	s5 =	simm.s32 @!p2 $0x0  }
0x1d: {  	s5 =	simm.s32 @p1 $0x1;
	p0 =	seq.s32 s7, s2  }
0x1e: {  	s7 =	smul.u32 @!p0 $0xF7A, s2;
	p2 =	seq.s32 @!p0 s5, $0x0  }
0x1f: {  	s9 =	smul.u32 $0xF7A, s1;
	s8 =	simm.s32 @!p0 $0x1BF5;
	p2 =	por !p2, p0  }
0x20: {  	[sflag:s8] =	ssyncset.s32 @!p0 $0xFFFFF086;
	s6 =	sadd.s32 @!p0 s3, s7;
	s7 =	simm.s32 @!p0 $0x108  }
0x21: {  	s3 =	sadd.s32 s3, s9;
	s6 =	sadd.s32 @!p0 $0x88, s6;
	s7 =	simm.s32 @p2 $0x1082  }
0x22: {  	[simem:s7], [sflag:s8] =	dma.local @!p0 [hbm:s6], $0xF7A  }
0x23: {  	s9 =	sor.u32 $0xD0000000, s2;
	s6 =	simm.s32 $0x108;
	_ =	swait.ge @!p0 [sflag:s8], $0x0  }
0x24: {  	s3 =	sadd.s32 $0x88, s3;
	s6 =	simm.s32 @!p1 $0x1082;
	[sflag:s4] =	ssyncset.s32 $0xFFFFF086  }
0x25: {  	[simem:s6], [sflag:s4] =	dma.local [hbm:s3], $0xF7A  }
0x26: {  	[smem:$0x3F99] =	sst s1;
	(tag) =	ssettag s2;
	_ =	strace s9  }
0x27: {  	s1 =	sld [smem:$0x3FA9]  }
0x28: {  	s2 =	sld [smem:$0x3FAA]  }
0x29: {  	s4 =	sld [smem:$0x3FAC]  }
0x2a: {  	p0 =	seq.s32 s5, $0x0;
	s5 =	sld [smem:$0x3FAD]  }
0x2b: {  	s6 =	sld [smem:$0x3FAE]  }
0x2c: {  	s7 =	sld [smem:$0x3FAF]  }
0x2d: {  	s3 =	simm.s32 $0x108;
	s8 =	sld [smem:$0x3FB0]  }
0x2e: {  	s3 =	simm.s32 @!p0 $0x1082;
	s9 =	sld [smem:$0x3FB1]  }
0x2f: {  	lr =	sadd.s32 s0, s3;
	s0 =	sld [smem:$0x3FA8]  }
0x30: {  	s3 =	sld [smem:$0x3FAB]  }
0x31: {  	[smem:$0x3FB4] =	sst s10  }
0x32: {  	s10 =	sld [smem:$0x3FB2];
	_ =	sdelay $0x3  }
0x33: {  	p0 =	seq.s32 s10, $0x1;
	s10 =	sld [smem:$0x3FB4];
	_ =	sdelay $0x3  }
0x34: {  	[smem:$0x3FB4] =	sst s10  }
0x35: {  	s10 =	sld [smem:$0x3FB3];
	_ =	sdelay $0x3  }
0x36: {  	p1 =	seq.s32 s10, $0x1;
	s10 =	sld [smem:$0x3FB4];
	_ =	sdelay $0x3  }
0x37: {  	[smem:$0x3FB4] =	sst s10  }
0x38: {  	s10 =	sld [smem:$0x3FB5]  }
0x39: {  	_ = 	snop;
	(pc) =	sbr.ind lr, $3  }
0x3a: {  	_ = 	snop  }
0x3b: {  	_ = 	snop  }
0x3c: {  	p2 =	seq.s32 s10, $0x1;
	s10 =	sld [smem:$0x3FB4]  }
0x3d: {  	_ =	shalt  }
0x3e: {  	_ =	shalt  }
0x3f: {  	_ =	shalt  }
0x40: {  	_ =	shalt  }
0x41: {  	_ =	shalt  }
0x42: {  	_ =	shalt  }
0x43: {  	_ =	shalt  }
0x44: {  	_ =	shalt  }
0x45: {  	_ =	shalt  }
0x46: {  	_ =	shalt  }
0x47: {  	_ =	shalt  }
0x48: {  	_ =	shalt  }
0x49: {  	_ =	shalt  }
0x4a: {  	_ =	shalt  }
0x4b: {  	_ =	shalt  }
0x4c: {  	_ =	shalt  }
0x4d: {  	_ =	shalt  }
0x4e: {  	_ =	shalt  }
0x4f: {  	_ =	shalt  }
0x50: {  	_ =	shalt  }
0x51: {  	_ =	shalt  }
0x52: {  	_ =	shalt  }
0x53: {  	_ =	shalt  }
0x54: {  	_ =	shalt  }
0x55: {  	_ =	shalt  }
0x56: {  	_ =	shalt  }
0x57: {  	_ =	shalt  }
0x58: {  	_ =	shalt  }
0x59: {  	_ =	shalt  }
0x5a: {  	_ =	shalt  }
0x5b: {  	_ =	shalt  }
0x5c: {  	_ =	shalt  }
0x5d: {  	_ =	shalt  }
0x5e: {  	_ =	shalt  }
0x5f: {  	_ =	shalt  }
0x60: {  	_ =	shalt  }
0x61: {  	_ =	shalt  }
0x62: {  	_ =	shalt  }
0x63: {  	_ =	shalt  }
0x64: {  	_ =	shalt  }
0x65: {  	_ =	shalt  }
0x66: {  	_ =	shalt  }
0x67: {  	_ =	shalt  }
0x68: {  	_ =	shalt  }
0x69: {  	_ =	shalt  }
0x6a: {  	_ =	shalt  }
0x6b: {  	_ =	shalt  }
0x6c: {  	_ =	shalt  }
0x6d: {  	_ =	shalt  }
0x6e: {  	_ =	shalt  }
0x6f: {  	_ =	shalt  }
0x70: {  	_ =	shalt  }
0x71: {  	_ =	shalt  }
0x72: {  	_ =	shalt  }
0x73: {  	_ =	shalt  }
0x74: {  	_ =	shalt  }
0x75: {  	_ =	shalt  }
0x76: {  	_ =	shalt  }
0x77: {  	_ =	shalt  }
0x78: {  	_ =	shalt  }
0x79: {  	_ =	shalt  }
0x7a: {  	_ =	shalt  }
0x7b: {  	_ =	shalt  }
0x7c: {  	_ =	shalt  }
0x7d: {  	_ =	shalt  }
0x7e: {  	_ =	shalt  }
0x7f: {  	_ =	shalt  }
0x80: {  	_ =	shalt  }
0x81: {  	_ =	shalt  }
0x82: {  	_ =	shalt  }
0x83: {  	_ =	shalt  }
0x84: {  	_ =	shalt  }
0x85: {  	_ =	shalt  }
0x86: {  	_ =	shalt  }
0x87: {  	_ =	shalt  }
.Lfunc_end0:
.L_simem_size_0:
called_computation.1_lowered:
.L_overlay_start_0:
0x88: {  	s2 =	sld [smem:$0x3FD9]  }
0x89: {  	s3 =	sld [smem:$0x3FFE];
	_ =	sdelay $0x1  }
0x8a: {  	s1 =	srdreg.scid  }
0x8b: {  	s0 =	sand.u32 $0x1, s1  }
0x8c: {  	s17 =	sshll.u32 s0, $0xA;
	s2 =	sadd.s32 s3, s2  }
0x8d: {  	s2 =	sadd.s32 s2, s17  }
0x8e: {  	[smem:$0x3FC0] =	sst s2  }
0x8f: {  	_ = 	snop  }
0x90: {  	s2 =	sld [smem:$0x3FD0];
	(tm) =	ssettm $0x1  }
0x91: {  	s18 =	sld [smem:$0x3FFB];
	_ =	sdelay $0x3  }
0x92: {  	_ =	strace s18  }
0x93: {  	s3 =	sld [smem:$0x3FFC];
	_ =	sdelay $0x3  }
0x94: {  	_ =	strace s3  }
0x95: {  	s3 =	sld [smem:$0x3FFD];
	_ =	sdelay $0x3  }
0x96: {  	_ =	strace s3  }
0x97: {  	_ =	strace $0x8FFFFFFF  }
0x98: {  	s19 =	sld [smem:$0x3FDB];
	_ =	sdelay $0x1  }
0x99: {  	s4 =	simm.s32 $_scs_section_size  }
0x9a: {  	s5 =	simm.s32 $_size__tile_overlayer_lowered;
	s6 =	simm.s32 $_tile_overlayer_lowered  }
0x9b: {  	s22 =	simm.s32 $0x1BFF;
	s21 =	sshll.u32 s6, $0x1;
	s3 =	sadd.s32 s4, s19  }
0x9c: {  	s7 =	simm.s32 $0x0;
	s20 =	sshll.u32 s5, $0x1;
	s5 =	sadd.s32 s21, s3  }
0x9d: {  	[timem:s7], [sflag:s22] =	dma.local [hbm:s5], s20  }
0x9e: {  	_ =	swait.ge [sflag:s22], s20  }
0x9f: {  	s4 =	ssub.s32 $0x0, s20;
	[sflag:s22] =	ssyncset.done $0x0  }
0xa0: {  	[sflag:s22] =	ssyncadd.s32 s4;
	_ =	sdelay $0x1  }
0xa1: {  	s23 =	simm.s32 $0x1B8B  }
0xa2: {  	_ =	swait.ge [sflag:s23], $0x1  }
0xa3: {  	[sflag:s23] =	ssyncset.done $0x0  }
0xa4: {  	s25 =	simm.s32 $0x1B8E;
	s24 =	sld [smem:$0x3FFE];
	[sflag:s23] =	ssyncadd.s32 $0xFFFFFFFF  }
0xa5: {  	s26 =	simm.s32 $execute0_lowered;
	[smem:$0x3FD2] =	sst s25  }
0xa6: {  	s5 =	sshll.u32 s26, $0x1;
	_ =	strace $0x80000046;
	[dreg:$0x1] =	wrdreg $0xFFFFFFFF  }
0xa7: {  	s28 =	simm.s32 $_size_execute0_lowered;
	s3 =	sadd.s32 s3, s5;
	[dreg:$0x0] =	wrdreg $0x0  }
0xa8: {  	s5 =	sshll.u32 s28, $0x1;
	[dreg:$0x2] =	wrdreg s3  }
0xa9: {  	[dreg:$0x3] =	wrdreg s5  }
0xaa: {  	[dreg:$0x4] =	wrdreg $0xC0  }
0xab: {  	_ =	task [dreg:s7], $0x5FFFF  }
0xac: {  	[dreg:$0x1] =	wrdreg $0xFFFFFFFF  }
0xad: {  	[dreg:$0x0] =	wrdreg $0x60  }
0xae: {  	[dreg:$0x2] =	wrdreg s2  }
0xaf: {  	[dreg:$0x3] =	wrdreg s24  }
0xb0: {  	[dreg:$0x4] =	wrdreg $0x98000  }
0xb1: {  	[dreg:$0x5] =	wrdreg $0xA  }
0xb2: {  	_ =	task.clear_ibuf [dreg:s7], $0x6FFFF;
	_ =	strace $0x90000046  }
0xb3: {  	s29 =	simm.s32 $0xA;
	_ =	strace $0x80000048  }
0xb4: {  	_ =	swait.ge [sflag:s29], $0x1  }
0xb5: {  	[sflag:s29] =	ssyncadd.s32 $0xFFFFFFFF  }
0xb6: {  	_ =	strace $0x90000048  }
0xb7: {  	_ =	sfence  }
0xb8: {  	s30 =	sld [smem:$0x0];
	_ =	sdelay $0x2  }
0xb9: {  	s31 =	sshll.u32 s1, $0xD;
	s1 =	sshrl.u32 s1, $0x2  }
0xba: {  	s3 =	sand.u32 $0x4000, s31;
	s1 =	sadd.s32 s1, s30  }
0xbb: {  	s0 =	sor.u32 s3, s0;
	s1 =	sshll.u32 s1, $0x11  }
0xbc: {  	s0 =	sor.u32 s1, s0  }
0xbd: {  	s0 =	sadd.s32 $0x8F2B, s0  }
0xbe: {  	[sflag:s0] =	ssyncadd.remote.s32 $0x1  }
0xbf: {  	_ =	sfence.sel $0xFFFF  }
0xc0: {  	[dreg:$0x0] =	wrdreg $0xFFFFFFFF;
	(pc) =	sbr.abs _section_cstart, $3  }
0xc1: {  	[dreg:$0x1] =	wrdreg $0xFFFFFFFF  }
0xc2: {  	_ =	task.clear_ibuf [dreg:s7], $0x2FFFF;
	_ =	strace $0x9FFFFFFF  }
0xc3: {  	(tm) =	ssettm $0x7FFFFFFF  }
tec
execute0_lowered:
.L_overlay_start_1:
0x0: {  	(tag) =	ssettag $0x1  }
0x1: {  	s0 =	rddreg [dreg:$0x0];
	s1 =	srdreg.scid  }
0x2: {  	s2 =	rddreg [dreg:$0x1];
	s8 =	stileid.u32  }
0x3: {  	s3 =	rddreg [dreg:$0x2];
	s4 =	simm.s32 $0x0;
	s10 =	simm.s32 $0x100  }
0x4: {  	s11 =	simm.s32 $0xC80;
	[smem:$0x7FF] =	sst s4;
	s9 =	sadd.s32 $0x1A200, s2  }
0x5: {  	s12 =	simm.s32 $0x180;
	_ =	strace $0x80000047;
	[dreg:$0x1a] =	wrdreg s9  }
0x6: {  	s14 =	simm.s32 $0xD00;
	s16 =	simm.s32 $0x200;
	[dreg:$0x6] =	wrdreg s10  }
0x7: {  	s17 =	simm.s32 $0xD80;
	s19 =	simm.s32 $0x280;
	[dreg:$0x7] =	wrdreg s11  }
0x8: {  	s20 =	simm.s32 $0xE00;
	s22 =	simm.s32 $0x300;
	[dreg:$0x8] =	wrdreg s12  }
0x9: {  	s23 =	simm.s32 $0xE80;
	s25 =	simm.s32 $0x380;
	[dreg:$0x9] =	wrdreg s14  }
0xa: {  	s28 =	simm.s32 $0x880;
	s29 =	simm.s32 $0x1400;
	[dreg:$0xa] =	wrdreg s16  }
0xb: {  	s30 =	simm.s32 $0x900;
	s6 =	smul.u32 $0x600, s8;
	[dreg:$0xb] =	wrdreg s17  }
0xc: {  	s31 =	simm.s32 $0x1480;
	s15 =	smul.u32 $0x50000, s8;
	[dreg:$0xc] =	wrdreg s19  }
0xd: {  	s1 =	sand.u32 $0x1, s1;
	s26 =	smul.u32 $0x2800, s8;
	[dreg:$0xd] =	wrdreg s20  }
0xe: {  	s21 =	sshll.u32 s8, $0x6;
	s5 =	smul.u32 $0x6000, s1;
	[dreg:$0xe] =	wrdreg s22  }
0xf: {  	s7 =	smul.u32 $0x28000, s1;
	s1 =	ssub.s32 $0x2, s1;
	[dreg:$0xf] =	wrdreg s23  }
0x10: {  	s24 =	sor.u32 $0x1C03, s21;
	[dreg:$0x10] =	wrdreg s25;
	s16 =	simm.s32 $0xF00  }
0x11: {  	s17 =	simm.s32 $0x400;
	s9 =	simm.s32 $0x3;
	[dreg:$0x11] =	wrdreg s16  }
0x12: {  	s19 =	simm.s32 $0x480;
	s10 =	simm.s32 $0xC00;
	[dreg:$0x12] =	wrdreg s17  }
0x13: {  	s20 =	simm.s32 $0x1000;
	s11 =	simm.s32 $0x80;
	[dreg:$0x14] =	wrdreg s19  }
0x14: {  	s21 =	simm.s32 $0x500;
	s12 =	simm.s32 $0x1800;
	[dreg:$0x15] =	wrdreg s20  }
0x15: {  	s22 =	simm.s32 $0x1080;
	s23 =	simm.s32 $0x580;
	[dreg:$0x16] =	wrdreg s21  }
0x16: {  	s14 =	simm.s32 $0x1;
	s25 =	simm.s32 $0x1100;
	[dreg:$0x17] =	wrdreg s22  }
0x17: {  	s13 =	sshrl.u32 s1, $0x1;
	s18 =	sshrl.u32 s15, $0x2;
	[dreg:$0x18] =	wrdreg s23  }
0x18: {  	s15 =	simm.s32 $0x2;
	[dreg:$0x19] =	wrdreg s25;
	s16 =	simm.s32 $0x600  }
0x19: {  	s17 =	simm.s32 $0x1180;
	s19 =	simm.s32 $0x1200;
	s20 =	simm.s32 $0x700  }
0x1a: {  	s21 =	simm.s32 $0x1280;
	s22 =	simm.s32 $0x780;
	s23 =	simm.s32 $0x1300  }
0x1b: {  	s25 =	simm.s32 $0x800;
	[dreg:$0x1b] =	wrdreg s24;
	s5 =	sadd.s32 s5, s2  }
0x1c: {  	s2 =	sadd.s32 s7, s2;
	s1 =	ssub.s32 s1, s13;
	s13 =	simm.s32 $0x5800  }
0x1d: {  	s7 =	simm.s32 $0x0;
	s5 =	sadd.s32 s6, s5;
	s1 =	smax.u32 s1, $0x1  }
0x1e: {  	s2 =	sadd.s32 $0x1CA00, s2;
	s6 =	sadd.s32 $0x2200, s5;
	[dreg:$0x1c] =	wrdreg s1  }
0x1f: {  	s5 =	sadd.s32 $0xE200, s5;
	s26 =	sadd.s32 s26, s2;
	[dreg:$0x4] =	wrdreg s6  }
0x20: {  	s2 =	simm.s32 $0x980;
	s1 =	simm.s32 $0x1500;
	[dreg:$0x5] =	wrdreg s5  }
0x21: {  	s6 =	sadd.s32 s18, s3;
	s18 =	simm.s32 $0xF80;
	[dreg:$0x1e] =	wrdreg s26  }
0x22: {  	s26 =	simm.s32 $0x1380;
	s8 =	sshrl.u32 s6, $0x3;
	[dreg:$0x13] =	wrdreg s18  }
0x23: {  	s5 =	simm.s32 $0x1580;
	s18 =	simm.s32 $0x680;
	[dreg:$0x1d] =	wrdreg s8  }
.LBB2_1:
0x24: {  	[dreg:$0x1f] =	wrdreg s7  }
0x25: {  	s6 =	rddreg [dreg:$0x1a]  }
0x26: {  	[spmem:s8], [sflag:s24] =	dma.local [hbm:s6], $0x2800  }
0x27: {  	_ =	swait.ge [sflag:s9], $0x2800  }
0x28: {  	[sflag:s9] =	ssyncset.done $0x0  }
0x29: {  	[sflag:s9] =	ssyncadd.s32 $0xFFFFD800  }
0x2a: {  	[bflag:$0x0] =	sbarrier.arrive $0xFFFF  }
0x2b: {  	s24 =	rddreg [dreg:$0x4]  }
0x2c: {  	s6 =	sadd.s32 $0x0, s24  }
0x2d: {  	[tilespmem:s4], [sflag:$0x3] =	stream.linear.gather [hbm4b:s6+s4], $0xA00, $0x38;
	[tilespmem:$0x1D800] =	vst v63  }
0x2e: {  	_ =	swait.ge [sflag:s9], $0xA00  }
0x2f: {  	s7 =	rddreg [dreg:$0x5];
	[sflag:s9] =	ssyncset.done $0x0  }
0x30: {  	[sflag:s9] =	ssyncadd.s32 $0xFFFFF600;
	s6 =	sadd.s32 $0x0, s7  }
0x31: {  	[tilespmem:s10], [sflag:$0x3] =	stream.linear.gather [hbm4b:s6+s4], $0xA00, $0x38;
	[tilespmem:$0x1D800] =	vst v63  }
0x32: {  	_ =	swait.ge [sflag:s9], $0xA00  }
0x33: {  	[sflag:s9] =	ssyncset.done $0x0  }
0x34: {  	[sflag:s9] =	ssyncadd.s32 $0xFFFFF600  }
0x35: {  	[tilespmem:s12], [sflag:$0x1] =	stream.indirect.gather [hbm4b:s0+s11], $0x80, s4, s11, $0xb8;
	[tilespmem:$0x1D800] =	vst v63  }
0x36: {  	_ = 	snop  }
0x37: {  	[tilespmem:s13], [sflag:$0x2] =	stream.indirect.gather [hbm4b:s0+s11], $0x80, s11, s11, $0xb8;
	[tilespmem:$0x1D800] =	vst v63  }
0x38: {  	_ =	swait.ge [sflag:s14], $0x4000  }
0x39: {  	[sflag:s14] =	ssyncset.done $0x0  }
0x3a: {  	[sflag:s14] =	ssyncadd.s32 $0xFFFFC000  }
0x3b: {  	[spmem:s3] =	stream.indirect.scatter.add.f32 [tilespmem:s12], [sflag:$0x3], $0x80, s10, s11, $0xb8;
	[tilespmem:$0x1D800] =	vst v63  }
0x3c: {  	_ =	swait.ge [sflag:s9], $0x4000  }
0x3d: {  	[sflag:s9] =	ssyncset.done $0x0  }
0x3e: {  	s8 =	rddreg [dreg:$0x6];
	[sflag:s9] =	ssyncadd.s32 $0xFFFFC000  }
0x3f: {  	[tilespmem:s12], [sflag:$0x1] =	stream.indirect.gather [hbm4b:s0+s11], $0x80, s8, s11, $0xb8;
	[tilespmem:$0x1D800] =	vst v63  }
0x40: {  	_ =	swait.ge [sflag:s15], $0x4000  }
0x41: {  	[sflag:s15] =	ssyncset.done $0x0  }
0x42: {  	s24 =	rddreg [dreg:$0x7];
	[sflag:s15] =	ssyncadd.s32 $0xFFFFC000  }
0x43: {  	[spmem:s3] =	stream.indirect.scatter.add.f32 [tilespmem:s13], [sflag:$0x3], $0x80, s24, s11, $0xb8;
	[tilespmem:$0x1D800] =	vst v63  }
0x44: {  	_ =	swait.ge [sflag:s9], $0x4000  }
0x45: {  	[sflag:s9] =	ssyncset.done $0x0  }
0x46: {  	s7 =	rddreg [dreg:$0x8];
	[sflag:s9] =	ssyncadd.s32 $0xFFFFC000  }
0x47: {  	[tilespmem:s13], [sflag:$0x2] =	stream.indirect.gather [hbm4b:s0+s11], $0x80, s7, s11, $0xb8;
	[tilespmem:$0x1D800] =	vst v63  }
0x48: {  	_ =	swait.ge [sflag:s14], $0x4000  }
0x49: {  	[sflag:s14] =	ssyncset.done $0x0  }
0x4a: {  	s8 =	rddreg [dreg:$0x9];
	[sflag:s14] =	ssyncadd.s32 $0xFFFFC000  }
0x4b: {  	[spmem:s3] =	stream.indirect.scatter.add.f32 [tilespmem:s12], [sflag:$0x3], $0x80, s8, s11, $0xb8;
	[tilespmem:$0x1D800] =	vst v63  }
0x4c: {  	_ =	swait.ge [sflag:s9], $0x4000  }
0x4d: {  	[sflag:s9] =	ssyncset.done $0x0  }
0x4e: {  	s24 =	rddreg [dreg:$0xa];
	[sflag:s9] =	ssyncadd.s32 $0xFFFFC000  }
0x4f: {  	[tilespmem:s12], [sflag:$0x1] =	stream.indirect.gather [hbm4b:s0+s11], $0x80, s24, s11, $0xb8;
	[tilespmem:$0x1D800] =	vst v63  }
0x50: {  	_ =	swait.ge [sflag:s15], $0x4000  }
0x51: {  	[sflag:s15] =	ssyncset.done $0x0  }
0x52: {  	s7 =	rddreg [dreg:$0xb];
	[sflag:s15] =	ssyncadd.s32 $0xFFFFC000  }
0x53: {  	[spmem:s3] =	stream.indirect.scatter.add.f32 [tilespmem:s13], [sflag:$0x3], $0x80, s7, s11, $0xb8;
	[tilespmem:$0x1D800] =	vst v63  }
0x54: {  	_ =	swait.ge [sflag:s9], $0x4000  }
0x55: {  	[sflag:s9] =	ssyncset.done $0x0  }
0x56: {  	s8 =	rddreg [dreg:$0xc];
	[sflag:s9] =	ssyncadd.s32 $0xFFFFC000  }
0x57: {  	[tilespmem:s13], [sflag:$0x2] =	stream.indirect.gather [hbm4b:s0+s11], $0x80, s8, s11, $0xb8;
	[tilespmem:$0x1D800] =	vst v63  }
0x58: {  	_ =	swait.ge [sflag:s14], $0x4000  }
0x59: {  	[sflag:s14] =	ssyncset.done $0x0  }
0x5a: {  	s24 =	rddreg [dreg:$0xd];
	[sflag:s14] =	ssyncadd.s32 $0xFFFFC000  }
0x5b: {  	[spmem:s3] =	stream.indirect.scatter.add.f32 [tilespmem:s12], [sflag:$0x3], $0x80, s24, s11, $0xb8;
	[tilespmem:$0x1D800] =	vst v63  }
0x5c: {  	_ =	swait.ge [sflag:s9], $0x4000  }
0x5d: {  	[sflag:s9] =	ssyncset.done $0x0  }
0x5e: {  	s7 =	rddreg [dreg:$0xe];
	[sflag:s9] =	ssyncadd.s32 $0xFFFFC000  }
0x5f: {  	[tilespmem:s12], [sflag:$0x1] =	stream.indirect.gather [hbm4b:s0+s11], $0x80, s7, s11, $0xb8;
	[tilespmem:$0x1D800] =	vst v63  }
0x60: {  	_ =	swait.ge [sflag:s15], $0x4000  }
0x61: {  	[sflag:s15] =	ssyncset.done $0x0  }
0x62: {  	s8 =	rddreg [dreg:$0xf];
	[sflag:s15] =	ssyncadd.s32 $0xFFFFC000  }
0x63: {  	[spmem:s3] =	stream.indirect.scatter.add.f32 [tilespmem:s13], [sflag:$0x3], $0x80, s8, s11, $0xb8;
	[tilespmem:$0x1D800] =	vst v63  }
0x64: {  	_ =	swait.ge [sflag:s9], $0x4000  }
0x65: {  	[sflag:s9] =	ssyncset.done $0x0  }
0x66: {  	s24 =	rddreg [dreg:$0x10];
	[sflag:s9] =	ssyncadd.s32 $0xFFFFC000  }
0x67: {  	[tilespmem:s13], [sflag:$0x2] =	stream.indirect.gather [hbm4b:s0+s11], $0x80, s24, s11, $0xb8;
	[tilespmem:$0x1D800] =	vst v63  }
0x68: {  	_ =	swait.ge [sflag:s14], $0x4000  }
0x69: {  	[sflag:s14] =	ssyncset.done $0x0  }
0x6a: {  	s7 =	rddreg [dreg:$0x11];
	[sflag:s14] =	ssyncadd.s32 $0xFFFFC000  }
0x6b: {  	[spmem:s3] =	stream.indirect.scatter.add.f32 [tilespmem:s12], [sflag:$0x3], $0x80, s7, s11, $0xb8;
	[tilespmem:$0x1D800] =	vst v63  }
0x6c: {  	_ =	swait.ge [sflag:s9], $0x4000  }
0x6d: {  	[sflag:s9] =	ssyncset.done $0x0  }
0x6e: {  	s8 =	rddreg [dreg:$0x12];
	[sflag:s9] =	ssyncadd.s32 $0xFFFFC000  }
0x6f: {  	[tilespmem:s12], [sflag:$0x1] =	stream.indirect.gather [hbm4b:s0+s11], $0x80, s8, s11, $0xb8;
	[tilespmem:$0x1D800] =	vst v63  }
0x70: {  	_ =	swait.ge [sflag:s15], $0x4000  }
0x71: {  	[sflag:s15] =	ssyncset.done $0x0  }
0x72: {  	s24 =	rddreg [dreg:$0x13];
	[sflag:s15] =	ssyncadd.s32 $0xFFFFC000  }
0x73: {  	[spmem:s3] =	stream.indirect.scatter.add.f32 [tilespmem:s13], [sflag:$0x3], $0x80, s24, s11, $0xb8;
	[tilespmem:$0x1D800] =	vst v63  }
0x74: {  	_ =	swait.ge [sflag:s9], $0x4000  }
0x75: {  	[sflag:s9] =	ssyncset.done $0x0  }
0x76: {  	s7 =	rddreg [dreg:$0x14];
	[sflag:s9] =	ssyncadd.s32 $0xFFFFC000  }
0x77: {  	[tilespmem:s13], [sflag:$0x2] =	stream.indirect.gather [hbm4b:s0+s11], $0x80, s7, s11, $0xb8;
	[tilespmem:$0x1D800] =	vst v63  }
0x78: {  	_ =	swait.ge [sflag:s14], $0x4000  }
0x79: {  	[sflag:s14] =	ssyncset.done $0x0  }
0x7a: {  	s8 =	rddreg [dreg:$0x15];
	[sflag:s14] =	ssyncadd.s32 $0xFFFFC000  }
0x7b: {  	[spmem:s3] =	stream.indirect.scatter.add.f32 [tilespmem:s12], [sflag:$0x3], $0x80, s8, s11, $0xb8;
	[tilespmem:$0x1D800] =	vst v63  }
0x7c: {  	_ =	swait.ge [sflag:s9], $0x4000  }
0x7d: {  	[sflag:s9] =	ssyncset.done $0x0  }
0x7e: {  	s24 =	rddreg [dreg:$0x16];
	[sflag:s9] =	ssyncadd.s32 $0xFFFFC000  }
0x7f: {  	[tilespmem:s12], [sflag:$0x1] =	stream.indirect.gather [hbm4b:s0+s11], $0x80, s24, s11, $0xb8;
	[tilespmem:$0x1D800] =	vst v63  }
0x80: {  	_ =	swait.ge [sflag:s15], $0x4000  }
0x81: {  	[sflag:s15] =	ssyncset.done $0x0  }
0x82: {  	s7 =	rddreg [dreg:$0x17];
	[sflag:s15] =	ssyncadd.s32 $0xFFFFC000  }
0x83: {  	[spmem:s3] =	stream.indirect.scatter.add.f32 [tilespmem:s13], [sflag:$0x3], $0x80, s7, s11, $0xb8;
	[tilespmem:$0x1D800] =	vst v63  }
0x84: {  	_ =	swait.ge [sflag:s9], $0x4000  }
0x85: {  	[sflag:s9] =	ssyncset.done $0x0  }
0x86: {  	s8 =	rddreg [dreg:$0x18];
	[sflag:s9] =	ssyncadd.s32 $0xFFFFC000  }
0x87: {  	[tilespmem:s13], [sflag:$0x2] =	stream.indirect.gather [hbm4b:s0+s11], $0x80, s8, s11, $0xb8;
	[tilespmem:$0x1D800] =	vst v63  }
0x88: {  	_ =	swait.ge [sflag:s14], $0x4000  }
0x89: {  	[sflag:s14] =	ssyncset.done $0x0  }
0x8a: {  	s24 =	rddreg [dreg:$0x19];
	[sflag:s14] =	ssyncadd.s32 $0xFFFFC000  }
0x8b: {  	[spmem:s3] =	stream.indirect.scatter.add.f32 [tilespmem:s12], [sflag:$0x3], $0x80, s24, s11, $0xb8;
	[tilespmem:$0x1D800] =	vst v63  }
0x8c: {  	_ =	swait.ge [sflag:s9], $0x4000  }
0x8d: {  	[sflag:s9] =	ssyncset.done $0x0  }
0x8e: {  	[sflag:s9] =	ssyncadd.s32 $0xFFFFC000  }
0x8f: {  	[tilespmem:s12], [sflag:$0x1] =	stream.indirect.gather [hbm4b:s0+s11], $0x80, s16, s11, $0xb8;
	[tilespmem:$0x1D800] =	vst v63  }
0x90: {  	_ =	swait.ge [sflag:s15], $0x4000  }
0x91: {  	[sflag:s15] =	ssyncset.done $0x0  }
0x92: {  	[sflag:s15] =	ssyncadd.s32 $0xFFFFC000  }
0x93: {  	[spmem:s3] =	stream.indirect.scatter.add.f32 [tilespmem:s13], [sflag:$0x3], $0x80, s17, s11, $0xb8;
	[tilespmem:$0x1D800] =	vst v63  }
0x94: {  	_ =	swait.ge [sflag:s9], $0x4000  }
0x95: {  	[sflag:s9] =	ssyncset.done $0x0  }
0x96: {  	[sflag:s9] =	ssyncadd.s32 $0xFFFFC000  }
0x97: {  	[tilespmem:s13], [sflag:$0x2] =	stream.indirect.gather [hbm4b:s0+s11], $0x80, s18, s11, $0xb8;
	[tilespmem:$0x1D800] =	vst v63  }
0x98: {  	_ =	swait.ge [sflag:s14], $0x4000  }
0x99: {  	[sflag:s14] =	ssyncset.done $0x0  }
0x9a: {  	[sflag:s14] =	ssyncadd.s32 $0xFFFFC000  }
0x9b: {  	[spmem:s3] =	stream.indirect.scatter.add.f32 [tilespmem:s12], [sflag:$0x3], $0x80, s19, s11, $0xb8;
	[tilespmem:$0x1D800] =	vst v63  }
0x9c: {  	_ =	swait.ge [sflag:s9], $0x4000  }
0x9d: {  	[sflag:s9] =	ssyncset.done $0x0  }
0x9e: {  	[sflag:s9] =	ssyncadd.s32 $0xFFFFC000  }
0x9f: {  	[tilespmem:s12], [sflag:$0x1] =	stream.indirect.gather [hbm4b:s0+s11], $0x80, s20, s11, $0xb8;
	[tilespmem:$0x1D800] =	vst v63  }
0xa0: {  	_ =	swait.ge [sflag:s15], $0x4000  }
0xa1: {  	[sflag:s15] =	ssyncset.done $0x0  }
0xa2: {  	[sflag:s15] =	ssyncadd.s32 $0xFFFFC000  }
0xa3: {  	[spmem:s3] =	stream.indirect.scatter.add.f32 [tilespmem:s13], [sflag:$0x3], $0x80, s21, s11, $0xb8;
	[tilespmem:$0x1D800] =	vst v63  }
0xa4: {  	_ =	swait.ge [sflag:s9], $0x4000  }
0xa5: {  	[sflag:s9] =	ssyncset.done $0x0  }
0xa6: {  	[sflag:s9] =	ssyncadd.s32 $0xFFFFC000  }
0xa7: {  	[tilespmem:s13], [sflag:$0x2] =	stream.indirect.gather [hbm4b:s0+s11], $0x80, s22, s11, $0xb8;
	[tilespmem:$0x1D800] =	vst v63  }
0xa8: {  	_ =	swait.ge [sflag:s14], $0x4000  }
0xa9: {  	[sflag:s14] =	ssyncset.done $0x0  }
0xaa: {  	[sflag:s14] =	ssyncadd.s32 $0xFFFFC000  }
0xab: {  	[spmem:s3] =	stream.indirect.scatter.add.f32 [tilespmem:s12], [sflag:$0x3], $0x80, s23, s11, $0xb8;
	[tilespmem:$0x1D800] =	vst v63  }
0xac: {  	_ =	swait.ge [sflag:s9], $0x4000  }
0xad: {  	[sflag:s9] =	ssyncset.done $0x0  }
0xae: {  	[sflag:s9] =	ssyncadd.s32 $0xFFFFC000  }
0xaf: {  	[tilespmem:s12], [sflag:$0x1] =	stream.indirect.gather [hbm4b:s0+s11], $0x80, s25, s11, $0xb8;
	[tilespmem:$0x1D800] =	vst v63  }
0xb0: {  	_ =	swait.ge [sflag:s15], $0x4000  }
0xb1: {  	[sflag:s15] =	ssyncset.done $0x0  }
0xb2: {  	[sflag:s15] =	ssyncadd.s32 $0xFFFFC000  }
0xb3: {  	[spmem:s3] =	stream.indirect.scatter.add.f32 [tilespmem:s13], [sflag:$0x3], $0x80, s26, s11, $0xb8;
	[tilespmem:$0x1D800] =	vst v63  }
0xb4: {  	_ =	swait.ge [sflag:s9], $0x4000  }
0xb5: {  	[sflag:s9] =	ssyncset.done $0x0  }
0xb6: {  	[sflag:s9] =	ssyncadd.s32 $0xFFFFC000  }
0xb7: {  	[tilespmem:s13], [sflag:$0x2] =	stream.indirect.gather [hbm4b:s0+s11], $0x80, s28, s11, $0xb8;
	[tilespmem:$0x1D800] =	vst v63  }
0xb8: {  	_ =	swait.ge [sflag:s14], $0x4000  }
0xb9: {  	[sflag:s14] =	ssyncset.done $0x0  }
0xba: {  	[sflag:s14] =	ssyncadd.s32 $0xFFFFC000  }
0xbb: {  	[spmem:s3] =	stream.indirect.scatter.add.f32 [tilespmem:s12], [sflag:$0x3], $0x80, s29, s11, $0xb8;
	[tilespmem:$0x1D800] =	vst v63  }
0xbc: {  	_ =	swait.ge [sflag:s9], $0x4000  }
0xbd: {  	[sflag:s9] =	ssyncset.done $0x0  }
0xbe: {  	[sflag:s9] =	ssyncadd.s32 $0xFFFFC000  }
0xbf: {  	[tilespmem:s12], [sflag:$0x1] =	stream.indirect.gather [hbm4b:s0+s11], $0x80, s30, s11, $0xb8;
	[tilespmem:$0x1D800] =	vst v63  }
0xc0: {  	_ =	swait.ge [sflag:s15], $0x4000  }
0xc1: {  	[sflag:s15] =	ssyncset.done $0x0  }
0xc2: {  	[sflag:s15] =	ssyncadd.s32 $0xFFFFC000  }
0xc3: {  	[spmem:s3] =	stream.indirect.scatter.add.f32 [tilespmem:s13], [sflag:$0x3], $0x80, s31, s11, $0xb8;
	[tilespmem:$0x1D800] =	vst v63  }
0xc4: {  	_ =	swait.ge [sflag:s9], $0x4000  }
0xc5: {  	[sflag:s9] =	ssyncset.done $0x0  }
0xc6: {  	[sflag:s9] =	ssyncadd.s32 $0xFFFFC000  }
0xc7: {  	[tilespmem:s13], [sflag:$0x2] =	stream.indirect.gather [hbm4b:s0+s11], $0x80, s2, s11, $0xb8;
	[tilespmem:$0x1D800] =	vst v63  }
0xc8: {  	_ =	swait.ge [sflag:s14], $0x4000  }
0xc9: {  	[sflag:s14] =	ssyncset.done $0x0  }
0xca: {  	[sflag:s14] =	ssyncadd.s32 $0xFFFFC000  }
0xcb: {  	[spmem:s3] =	stream.indirect.scatter.add.f32 [tilespmem:s12], [sflag:$0x3], $0x80, s1, s11, $0xb8;
	[tilespmem:$0x1D800] =	vst v63  }
0xcc: {  	_ =	swait.ge [sflag:s9], $0x4000  }
0xcd: {  	[sflag:s9] =	ssyncset.done $0x0  }
0xce: {  	[sflag:s9] =	ssyncadd.s32 $0xFFFFC000  }
0xcf: {  	_ =	swait.ge [sflag:s15], $0x4000  }
0xd0: {  	[sflag:s15] =	ssyncset.done $0x0  }
0xd1: {  	[sflag:s15] =	ssyncadd.s32 $0xFFFFC000  }
0xd2: {  	[spmem:s3] =	stream.indirect.scatter.add.f32 [tilespmem:s13], [sflag:$0x3], $0x80, s5, s11, $0xb8;
	[tilespmem:$0x1D800] =	vst v63  }
0xd3: {  	s6 =	simm.s32 $0x300;
	_ =	swait.ge [sflag:s9], $0x4000  }
0xd4: {  	s24 =	simm.s32 $0x180;
	s8 =	rddreg [dreg:$0x4];
	[sflag:s9] =	ssyncset.done $0x0  }
.LBB2_2:
0xd5: {  	[sflag:s9] =	ssyncadd.s32 $0xFFFFC000;
	s8 =	sadd.s32 s24, s8  }
0xd6: {  	[tilespmem:s4], [sflag:$0x3] =	stream.linear.gather [hbm4b:s8+s4], $0xA00, $0x38;
	[tilespmem:$0x1D800] =	vst v63  }
0xd7: {  	_ =	swait.ge [sflag:s9], $0xA00  }
0xd8: {  	s8 =	rddreg [dreg:$0x5];
	[sflag:s9] =	ssyncset.done $0x0  }
0xd9: {  	[sflag:s9] =	ssyncadd.s32 $0xFFFFF600;
	s8 =	sadd.s32 s24, s8  }
0xda: {  	[tilespmem:s10], [sflag:$0x3] =	stream.linear.gather [hbm4b:s8+s4], $0xA00, $0x38;
	[tilespmem:$0x1D800] =	vst v63  }
0xdb: {  	_ =	swait.ge [sflag:s9], $0xA00  }
0xdc: {  	[sflag:s9] =	ssyncset.done $0x0  }
0xdd: {  	[sflag:s9] =	ssyncadd.s32 $0xFFFFF600  }
0xde: {  	[tilespmem:s12], [sflag:$0x1] =	stream.indirect.gather [hbm4b:s0+s11], $0x80, s4, s11, $0xb8;
	[tilespmem:$0x1D800] =	vst v63  }
0xdf: {  	_ = 	snop  }
0xe0: {  	[tilespmem:s13], [sflag:$0x2] =	stream.indirect.gather [hbm4b:s0+s11], $0x80, s11, s11, $0xb8;
	[tilespmem:$0x1D800] =	vst v63  }
0xe1: {  	_ =	swait.ge [sflag:s14], $0x4000  }
0xe2: {  	[sflag:s14] =	ssyncset.done $0x0  }
0xe3: {  	[sflag:s14] =	ssyncadd.s32 $0xFFFFC000  }
0xe4: {  	[spmem:s3] =	stream.indirect.scatter.add.f32 [tilespmem:s12], [sflag:$0x3], $0x80, s10, s11, $0xb8;
	[tilespmem:$0x1D800] =	vst v63  }
0xe5: {  	_ =	swait.ge [sflag:s9], $0x4000  }
0xe6: {  	[sflag:s9] =	ssyncset.done $0x0  }
0xe7: {  	s8 =	rddreg [dreg:$0x6];
	[sflag:s9] =	ssyncadd.s32 $0xFFFFC000  }
0xe8: {  	[tilespmem:s12], [sflag:$0x1] =	stream.indirect.gather [hbm4b:s0+s11], $0x80, s8, s11, $0xb8;
	[tilespmem:$0x1D800] =	vst v63  }
0xe9: {  	_ =	swait.ge [sflag:s15], $0x4000  }
0xea: {  	[sflag:s15] =	ssyncset.done $0x0  }
0xeb: {  	s8 =	rddreg [dreg:$0x7];
	[sflag:s15] =	ssyncadd.s32 $0xFFFFC000  }
0xec: {  	[spmem:s3] =	stream.indirect.scatter.add.f32 [tilespmem:s13], [sflag:$0x3], $0x80, s8, s11, $0xb8;
	[tilespmem:$0x1D800] =	vst v63  }
0xed: {  	_ =	swait.ge [sflag:s9], $0x4000  }
0xee: {  	[sflag:s9] =	ssyncset.done $0x0  }
0xef: {  	s8 =	rddreg [dreg:$0x8];
	[sflag:s9] =	ssyncadd.s32 $0xFFFFC000  }
0xf0: {  	[tilespmem:s13], [sflag:$0x2] =	stream.indirect.gather [hbm4b:s0+s11], $0x80, s8, s11, $0xb8;
	[tilespmem:$0x1D800] =	vst v63  }
0xf1: {  	_ =	swait.ge [sflag:s14], $0x4000  }
0xf2: {  	[sflag:s14] =	ssyncset.done $0x0  }
0xf3: {  	s8 =	rddreg [dreg:$0x9];
	[sflag:s14] =	ssyncadd.s32 $0xFFFFC000  }
0xf4: {  	[spmem:s3] =	stream.indirect.scatter.add.f32 [tilespmem:s12], [sflag:$0x3], $0x80, s8, s11, $0xb8;
	[tilespmem:$0x1D800] =	vst v63  }
0xf5: {  	_ =	swait.ge [sflag:s9], $0x4000  }
0xf6: {  	[sflag:s9] =	ssyncset.done $0x0  }
0xf7: {  	s8 =	rddreg [dreg:$0xa];
	[sflag:s9] =	ssyncadd.s32 $0xFFFFC000  }
0xf8: {  	[tilespmem:s12], [sflag:$0x1] =	stream.indirect.gather [hbm4b:s0+s11], $0x80, s8, s11, $0xb8;
	[tilespmem:$0x1D800] =	vst v63  }
0xf9: {  	_ =	swait.ge [sflag:s15], $0x4000  }
0xfa: {  	[sflag:s15] =	ssyncset.done $0x0  }
0xfb: {  	s8 =	rddreg [dreg:$0xb];
	[sflag:s15] =	ssyncadd.s32 $0xFFFFC000  }
0xfc: {  	[spmem:s3] =	stream.indirect.scatter.add.f32 [tilespmem:s13], [sflag:$0x3], $0x80, s8, s11, $0xb8;
	[tilespmem:$0x1D800] =	vst v63  }
0xfd: {  	_ =	swait.ge [sflag:s9], $0x4000  }
0xfe: {  	[sflag:s9] =	ssyncset.done $0x0  }
0xff: {  	s8 =	rddreg [dreg:$0xc];
	[sflag:s9] =	ssyncadd.s32 $0xFFFFC000  }
0x100: {  	[tilespmem:s13], [sflag:$0x2] =	stream.indirect.gather [hbm4b:s0+s11], $0x80, s8, s11, $0xb8;
	[tilespmem:$0x1D800] =	vst v63  }
0x101: {  	_ =	swait.ge [sflag:s14], $0x4000  }
0x102: {  	[sflag:s14] =	ssyncset.done $0x0  }
0x103: {  	s8 =	rddreg [dreg:$0xd];
	[sflag:s14] =	ssyncadd.s32 $0xFFFFC000  }
0x104: {  	[spmem:s3] =	stream.indirect.scatter.add.f32 [tilespmem:s12], [sflag:$0x3], $0x80, s8, s11, $0xb8;
	[tilespmem:$0x1D800] =	vst v63  }
0x105: {  	_ =	swait.ge [sflag:s9], $0x4000  }
0x106: {  	[sflag:s9] =	ssyncset.done $0x0  }
0x107: {  	s8 =	rddreg [dreg:$0xe];
	[sflag:s9] =	ssyncadd.s32 $0xFFFFC000  }
0x108: {  	[tilespmem:s12], [sflag:$0x1] =	stream.indirect.gather [hbm4b:s0+s11], $0x80, s8, s11, $0xb8;
	[tilespmem:$0x1D800] =	vst v63  }
0x109: {  	_ =	swait.ge [sflag:s15], $0x4000  }
0x10a: {  	[sflag:s15] =	ssyncset.done $0x0  }
0x10b: {  	s8 =	rddreg [dreg:$0xf];
	[sflag:s15] =	ssyncadd.s32 $0xFFFFC000  }
0x10c: {  	[spmem:s3] =	stream.indirect.scatter.add.f32 [tilespmem:s13], [sflag:$0x3], $0x80, s8, s11, $0xb8;
	[tilespmem:$0x1D800] =	vst v63  }
0x10d: {  	_ =	swait.ge [sflag:s9], $0x4000  }
0x10e: {  	[sflag:s9] =	ssyncset.done $0x0  }
0x10f: {  	s8 =	rddreg [dreg:$0x10];
	[sflag:s9] =	ssyncadd.s32 $0xFFFFC000  }
0x110: {  	[tilespmem:s13], [sflag:$0x2] =	stream.indirect.gather [hbm4b:s0+s11], $0x80, s8, s11, $0xb8;
	[tilespmem:$0x1D800] =	vst v63  }
0x111: {  	_ =	swait.ge [sflag:s14], $0x4000  }
0x112: {  	[sflag:s14] =	ssyncset.done $0x0  }
0x113: {  	s8 =	rddreg [dreg:$0x11];
	[sflag:s14] =	ssyncadd.s32 $0xFFFFC000  }
0x114: {  	[spmem:s3] =	stream.indirect.scatter.add.f32 [tilespmem:s12], [sflag:$0x3], $0x80, s8, s11, $0xb8;
	[tilespmem:$0x1D800] =	vst v63  }
0x115: {  	_ =	swait.ge [sflag:s9], $0x4000  }
0x116: {  	[sflag:s9] =	ssyncset.done $0x0  }
0x117: {  	s8 =	rddreg [dreg:$0x12];
	[sflag:s9] =	ssyncadd.s32 $0xFFFFC000  }
0x118: {  	[tilespmem:s12], [sflag:$0x1] =	stream.indirect.gather [hbm4b:s0+s11], $0x80, s8, s11, $0xb8;
	[tilespmem:$0x1D800] =	vst v63  }
0x119: {  	_ =	swait.ge [sflag:s15], $0x4000  }
0x11a: {  	[sflag:s15] =	ssyncset.done $0x0  }
0x11b: {  	s8 =	rddreg [dreg:$0x13];
	[sflag:s15] =	ssyncadd.s32 $0xFFFFC000  }
0x11c: {  	[spmem:s3] =	stream.indirect.scatter.add.f32 [tilespmem:s13], [sflag:$0x3], $0x80, s8, s11, $0xb8;
	[tilespmem:$0x1D800] =	vst v63  }
0x11d: {  	_ =	swait.ge [sflag:s9], $0x4000  }
0x11e: {  	[sflag:s9] =	ssyncset.done $0x0  }
0x11f: {  	s8 =	rddreg [dreg:$0x14];
	[sflag:s9] =	ssyncadd.s32 $0xFFFFC000  }
0x120: {  	[tilespmem:s13], [sflag:$0x2] =	stream.indirect.gather [hbm4b:s0+s11], $0x80, s8, s11, $0xb8;
	[tilespmem:$0x1D800] =	vst v63  }
0x121: {  	_ =	swait.ge [sflag:s14], $0x4000  }
0x122: {  	[sflag:s14] =	ssyncset.done $0x0  }
0x123: {  	s8 =	rddreg [dreg:$0x15];
	[sflag:s14] =	ssyncadd.s32 $0xFFFFC000  }
0x124: {  	[spmem:s3] =	stream.indirect.scatter.add.f32 [tilespmem:s12], [sflag:$0x3], $0x80, s8, s11, $0xb8;
	[tilespmem:$0x1D800] =	vst v63  }
0x125: {  	_ =	swait.ge [sflag:s9], $0x4000  }
0x126: {  	[sflag:s9] =	ssyncset.done $0x0  }
0x127: {  	s8 =	rddreg [dreg:$0x16];
	[sflag:s9] =	ssyncadd.s32 $0xFFFFC000  }
0x128: {  	[tilespmem:s12], [sflag:$0x1] =	stream.indirect.gather [hbm4b:s0+s11], $0x80, s8, s11, $0xb8;
	[tilespmem:$0x1D800] =	vst v63  }
0x129: {  	_ =	swait.ge [sflag:s15], $0x4000  }
0x12a: {  	[sflag:s15] =	ssyncset.done $0x0  }
0x12b: {  	s8 =	rddreg [dreg:$0x17];
	[sflag:s15] =	ssyncadd.s32 $0xFFFFC000  }
0x12c: {  	[spmem:s3] =	stream.indirect.scatter.add.f32 [tilespmem:s13], [sflag:$0x3], $0x80, s8, s11, $0xb8;
	[tilespmem:$0x1D800] =	vst v63  }
0x12d: {  	_ =	swait.ge [sflag:s9], $0x4000  }
0x12e: {  	[sflag:s9] =	ssyncset.done $0x0  }
0x12f: {  	s8 =	rddreg [dreg:$0x18];
	[sflag:s9] =	ssyncadd.s32 $0xFFFFC000  }
0x130: {  	[tilespmem:s13], [sflag:$0x2] =	stream.indirect.gather [hbm4b:s0+s11], $0x80, s8, s11, $0xb8;
	[tilespmem:$0x1D800] =	vst v63  }
0x131: {  	_ =	swait.ge [sflag:s14], $0x4000  }
0x132: {  	[sflag:s14] =	ssyncset.done $0x0  }
0x133: {  	s8 =	rddreg [dreg:$0x19];
	[sflag:s14] =	ssyncadd.s32 $0xFFFFC000  }
0x134: {  	[spmem:s3] =	stream.indirect.scatter.add.f32 [tilespmem:s12], [sflag:$0x3], $0x80, s8, s11, $0xb8;
	[tilespmem:$0x1D800] =	vst v63  }
0x135: {  	_ =	swait.ge [sflag:s9], $0x4000  }
0x136: {  	[sflag:s9] =	ssyncset.done $0x0  }
0x137: {  	[sflag:s9] =	ssyncadd.s32 $0xFFFFC000  }
0x138: {  	[tilespmem:s12], [sflag:$0x1] =	stream.indirect.gather [hbm4b:s0+s11], $0x80, s16, s11, $0xb8;
	[tilespmem:$0x1D800] =	vst v63  }
0x139: {  	_ =	swait.ge [sflag:s15], $0x4000  }
0x13a: {  	[sflag:s15] =	ssyncset.done $0x0  }
0x13b: {  	[sflag:s15] =	ssyncadd.s32 $0xFFFFC000  }
0x13c: {  	[spmem:s3] =	stream.indirect.scatter.add.f32 [tilespmem:s13], [sflag:$0x3], $0x80, s17, s11, $0xb8;
	[tilespmem:$0x1D800] =	vst v63  }
0x13d: {  	_ =	swait.ge [sflag:s9], $0x4000  }
0x13e: {  	[sflag:s9] =	ssyncset.done $0x0  }
0x13f: {  	[sflag:s9] =	ssyncadd.s32 $0xFFFFC000  }
0x140: {  	[tilespmem:s13], [sflag:$0x2] =	stream.indirect.gather [hbm4b:s0+s11], $0x80, s18, s11, $0xb8;
	[tilespmem:$0x1D800] =	vst v63  }
0x141: {  	_ =	swait.ge [sflag:s14], $0x4000  }
0x142: {  	[sflag:s14] =	ssyncset.done $0x0  }
0x143: {  	[sflag:s14] =	ssyncadd.s32 $0xFFFFC000  }
0x144: {  	[spmem:s3] =	stream.indirect.scatter.add.f32 [tilespmem:s12], [sflag:$0x3], $0x80, s19, s11, $0xb8;
	[tilespmem:$0x1D800] =	vst v63  }
0x145: {  	_ =	swait.ge [sflag:s9], $0x4000  }
0x146: {  	[sflag:s9] =	ssyncset.done $0x0  }
0x147: {  	[sflag:s9] =	ssyncadd.s32 $0xFFFFC000  }
0x148: {  	[tilespmem:s12], [sflag:$0x1] =	stream.indirect.gather [hbm4b:s0+s11], $0x80, s20, s11, $0xb8;
	[tilespmem:$0x1D800] =	vst v63  }
0x149: {  	_ =	swait.ge [sflag:s15], $0x4000  }
0x14a: {  	[sflag:s15] =	ssyncset.done $0x0  }
0x14b: {  	[sflag:s15] =	ssyncadd.s32 $0xFFFFC000  }
0x14c: {  	[spmem:s3] =	stream.indirect.scatter.add.f32 [tilespmem:s13], [sflag:$0x3], $0x80, s21, s11, $0xb8;
	[tilespmem:$0x1D800] =	vst v63  }
0x14d: {  	_ =	swait.ge [sflag:s9], $0x4000  }
0x14e: {  	[sflag:s9] =	ssyncset.done $0x0  }
0x14f: {  	[sflag:s9] =	ssyncadd.s32 $0xFFFFC000  }
0x150: {  	[tilespmem:s13], [sflag:$0x2] =	stream.indirect.gather [hbm4b:s0+s11], $0x80, s22, s11, $0xb8;
	[tilespmem:$0x1D800] =	vst v63  }
0x151: {  	_ =	swait.ge [sflag:s14], $0x4000  }
0x152: {  	[sflag:s14] =	ssyncset.done $0x0  }
0x153: {  	[sflag:s14] =	ssyncadd.s32 $0xFFFFC000  }
0x154: {  	[spmem:s3] =	stream.indirect.scatter.add.f32 [tilespmem:s12], [sflag:$0x3], $0x80, s23, s11, $0xb8;
	[tilespmem:$0x1D800] =	vst v63  }
0x155: {  	_ =	swait.ge [sflag:s9], $0x4000  }
0x156: {  	[sflag:s9] =	ssyncset.done $0x0  }
0x157: {  	[sflag:s9] =	ssyncadd.s32 $0xFFFFC000  }
0x158: {  	[tilespmem:s12], [sflag:$0x1] =	stream.indirect.gather [hbm4b:s0+s11], $0x80, s25, s11, $0xb8;
	[tilespmem:$0x1D800] =	vst v63  }
0x159: {  	_ =	swait.ge [sflag:s15], $0x4000  }
0x15a: {  	[sflag:s15] =	ssyncset.done $0x0  }
0x15b: {  	[sflag:s15] =	ssyncadd.s32 $0xFFFFC000  }
0x15c: {  	[spmem:s3] =	stream.indirect.scatter.add.f32 [tilespmem:s13], [sflag:$0x3], $0x80, s26, s11, $0xb8;
	[tilespmem:$0x1D800] =	vst v63  }
0x15d: {  	_ =	swait.ge [sflag:s9], $0x4000  }
0x15e: {  	[sflag:s9] =	ssyncset.done $0x0  }
0x15f: {  	[sflag:s9] =	ssyncadd.s32 $0xFFFFC000  }
0x160: {  	[tilespmem:s13], [sflag:$0x2] =	stream.indirect.gather [hbm4b:s0+s11], $0x80, s28, s11, $0xb8;
	[tilespmem:$0x1D800] =	vst v63  }
0x161: {  	_ =	swait.ge [sflag:s14], $0x4000  }
0x162: {  	[sflag:s14] =	ssyncset.done $0x0  }
0x163: {  	[sflag:s14] =	ssyncadd.s32 $0xFFFFC000  }
0x164: {  	[spmem:s3] =	stream.indirect.scatter.add.f32 [tilespmem:s12], [sflag:$0x3], $0x80, s29, s11, $0xb8;
	[tilespmem:$0x1D800] =	vst v63  }
0x165: {  	_ =	swait.ge [sflag:s9], $0x4000  }
0x166: {  	[sflag:s9] =	ssyncset.done $0x0  }
0x167: {  	[sflag:s9] =	ssyncadd.s32 $0xFFFFC000  }
0x168: {  	[tilespmem:s12], [sflag:$0x1] =	stream.indirect.gather [hbm4b:s0+s11], $0x80, s30, s11, $0xb8;
	[tilespmem:$0x1D800] =	vst v63  }
0x169: {  	_ =	swait.ge [sflag:s15], $0x4000  }
0x16a: {  	[sflag:s15] =	ssyncset.done $0x0  }
0x16b: {  	[sflag:s15] =	ssyncadd.s32 $0xFFFFC000  }
0x16c: {  	[spmem:s3] =	stream.indirect.scatter.add.f32 [tilespmem:s13], [sflag:$0x3], $0x80, s31, s11, $0xb8;
	[tilespmem:$0x1D800] =	vst v63  }
0x16d: {  	_ =	swait.ge [sflag:s9], $0x4000  }
0x16e: {  	[sflag:s9] =	ssyncset.done $0x0  }
0x16f: {  	[sflag:s9] =	ssyncadd.s32 $0xFFFFC000  }
0x170: {  	[tilespmem:s13], [sflag:$0x2] =	stream.indirect.gather [hbm4b:s0+s11], $0x80, s2, s11, $0xb8;
	[tilespmem:$0x1D800] =	vst v63  }
0x171: {  	_ =	swait.ge [sflag:s14], $0x4000  }
0x172: {  	[sflag:s14] =	ssyncset.done $0x0  }
0x173: {  	[sflag:s14] =	ssyncadd.s32 $0xFFFFC000  }
0x174: {  	[spmem:s3] =	stream.indirect.scatter.add.f32 [tilespmem:s12], [sflag:$0x3], $0x80, s1, s11, $0xb8;
	[tilespmem:$0x1D800] =	vst v63  }
0x175: {  	_ =	swait.ge [sflag:s9], $0x4000  }
0x176: {  	[sflag:s9] =	ssyncset.done $0x0  }
0x177: {  	[sflag:s9] =	ssyncadd.s32 $0xFFFFC000  }
0x178: {  	p0 =	sne.s32 s6, $0x480;
	_ =	swait.ge [sflag:s15], $0x4000  }
.Ltmp0:
0x179: {  	[sflag:s15] =	ssyncset.done $0x0;
	(pc) =	sbr.rel @p0 .LBB2_2-.Ltmp0, $4  }
0x17a: {  	[sflag:s15] =	ssyncadd.s32 $0xFFFFC000  }
0x17b: {  	[spmem:s3] =	stream.indirect.scatter.add.f32 [tilespmem:s13], [sflag:$0x3], $0x80, s5, s11, $0xb8;
	[tilespmem:$0x1D800] =	vst v63  }
0x17c: {  	s7 =	smov.u32 s6;
	s6 =	sadd.s32 $0x180, s6;
	_ =	swait.ge [sflag:s9], $0x4000  }
0x17d: {  	s24 =	smov.u32 s7;
	s8 =	rddreg [dreg:$0x4];
	[sflag:s9] =	ssyncset.done $0x0  }
0x17e: {  	[sflag:s9] =	ssyncadd.s32 $0xFFFFC000;
	s6 =	sadd.s32 s24, s8  }
0x17f: {  	[tilespmem:s4], [sflag:$0x3] =	stream.linear.gather [hbm4b:s6+s4], $0xA00, $0x38;
	[tilespmem:$0x1D800] =	vst v63  }
0x180: {  	_ =	swait.ge [sflag:s9], $0xA00  }
0x181: {  	s7 =	rddreg [dreg:$0x5];
	[sflag:s9] =	ssyncset.done $0x0  }
0x182: {  	s6 =	sadd.s32 s24, s7;
	[sflag:s9] =	ssyncadd.s32 $0xFFFFF600  }
0x183: {  	[tilespmem:s10], [sflag:$0x3] =	stream.linear.gather [hbm4b:s6+s4], $0xA00, $0x38;
	[tilespmem:$0x1D800] =	vst v63  }
0x184: {  	_ =	swait.ge [sflag:s9], $0xA00  }
0x185: {  	[sflag:s9] =	ssyncset.done $0x0  }
0x186: {  	[sflag:s9] =	ssyncadd.s32 $0xFFFFF600  }
0x187: {  	[tilespmem:s12], [sflag:$0x1] =	stream.indirect.gather [hbm4b:s0+s11], $0x80, s4, s11, $0xb8;
	[tilespmem:$0x1D800] =	vst v63  }
0x188: {  	_ = 	snop  }
0x189: {  	[tilespmem:s13], [sflag:$0x2] =	stream.indirect.gather [hbm4b:s0+s11], $0x80, s11, s11, $0xb8;
	[tilespmem:$0x1D800] =	vst v63  }
0x18a: {  	_ =	swait.ge [sflag:s14], $0x4000  }
0x18b: {  	[sflag:s14] =	ssyncset.done $0x0  }
0x18c: {  	[sflag:s14] =	ssyncadd.s32 $0xFFFFC000  }
0x18d: {  	[spmem:s3] =	stream.indirect.scatter.add.f32 [tilespmem:s12], [sflag:$0x3], $0x80, s10, s11, $0xb8;
	[tilespmem:$0x1D800] =	vst v63  }
0x18e: {  	_ =	swait.ge [sflag:s9], $0x4000  }
0x18f: {  	[sflag:s9] =	ssyncset.done $0x0  }
0x190: {  	s8 =	rddreg [dreg:$0x6];
	[sflag:s9] =	ssyncadd.s32 $0xFFFFC000  }
0x191: {  	[tilespmem:s12], [sflag:$0x1] =	stream.indirect.gather [hbm4b:s0+s11], $0x80, s8, s11, $0xb8;
	[tilespmem:$0x1D800] =	vst v63  }
0x192: {  	_ =	swait.ge [sflag:s15], $0x4000  }
0x193: {  	[sflag:s15] =	ssyncset.done $0x0  }
0x194: {  	s24 =	rddreg [dreg:$0x7];
	[sflag:s15] =	ssyncadd.s32 $0xFFFFC000  }
0x195: {  	[spmem:s3] =	stream.indirect.scatter.add.f32 [tilespmem:s13], [sflag:$0x3], $0x80, s24, s11, $0xb8;
	[tilespmem:$0x1D800] =	vst v63  }
0x196: {  	_ =	swait.ge [sflag:s9], $0x4000  }
0x197: {  	[sflag:s9] =	ssyncset.done $0x0  }
0x198: {  	s7 =	rddreg [dreg:$0x8];
	[sflag:s9] =	ssyncadd.s32 $0xFFFFC000  }
0x199: {  	[tilespmem:s13], [sflag:$0x2] =	stream.indirect.gather [hbm4b:s0+s11], $0x80, s7, s11, $0xb8;
	[tilespmem:$0x1D800] =	vst v63  }
0x19a: {  	_ =	swait.ge [sflag:s14], $0x4000  }
0x19b: {  	[sflag:s14] =	ssyncset.done $0x0  }
0x19c: {  	s8 =	rddreg [dreg:$0x9];
	[sflag:s14] =	ssyncadd.s32 $0xFFFFC000  }
0x19d: {  	[spmem:s3] =	stream.indirect.scatter.add.f32 [tilespmem:s12], [sflag:$0x3], $0x80, s8, s11, $0xb8;
	[tilespmem:$0x1D800] =	vst v63  }
0x19e: {  	_ =	swait.ge [sflag:s9], $0x4000  }
0x19f: {  	[sflag:s9] =	ssyncset.done $0x0  }
0x1a0: {  	s24 =	rddreg [dreg:$0xa];
	[sflag:s9] =	ssyncadd.s32 $0xFFFFC000  }
0x1a1: {  	[tilespmem:s12], [sflag:$0x1] =	stream.indirect.gather [hbm4b:s0+s11], $0x80, s24, s11, $0xb8;
	[tilespmem:$0x1D800] =	vst v63  }
0x1a2: {  	_ =	swait.ge [sflag:s15], $0x4000  }
0x1a3: {  	[sflag:s15] =	ssyncset.done $0x0  }
0x1a4: {  	s7 =	rddreg [dreg:$0xb];
	[sflag:s15] =	ssyncadd.s32 $0xFFFFC000  }
0x1a5: {  	[spmem:s3] =	stream.indirect.scatter.add.f32 [tilespmem:s13], [sflag:$0x3], $0x80, s7, s11, $0xb8;
	[tilespmem:$0x1D800] =	vst v63  }
0x1a6: {  	_ =	swait.ge [sflag:s9], $0x4000  }
0x1a7: {  	[sflag:s9] =	ssyncset.done $0x0  }
0x1a8: {  	s8 =	rddreg [dreg:$0xc];
	[sflag:s9] =	ssyncadd.s32 $0xFFFFC000  }
0x1a9: {  	[tilespmem:s13], [sflag:$0x2] =	stream.indirect.gather [hbm4b:s0+s11], $0x80, s8, s11, $0xb8;
	[tilespmem:$0x1D800] =	vst v63  }
0x1aa: {  	_ =	swait.ge [sflag:s14], $0x4000  }
0x1ab: {  	[sflag:s14] =	ssyncset.done $0x0  }
0x1ac: {  	s24 =	rddreg [dreg:$0xd];
	[sflag:s14] =	ssyncadd.s32 $0xFFFFC000  }
0x1ad: {  	[spmem:s3] =	stream.indirect.scatter.add.f32 [tilespmem:s12], [sflag:$0x3], $0x80, s24, s11, $0xb8;
	[tilespmem:$0x1D800] =	vst v63  }
0x1ae: {  	_ =	swait.ge [sflag:s9], $0x4000  }
0x1af: {  	[sflag:s9] =	ssyncset.done $0x0  }
0x1b0: {  	s7 =	rddreg [dreg:$0xe];
	[sflag:s9] =	ssyncadd.s32 $0xFFFFC000  }
0x1b1: {  	[tilespmem:s12], [sflag:$0x1] =	stream.indirect.gather [hbm4b:s0+s11], $0x80, s7, s11, $0xb8;
	[tilespmem:$0x1D800] =	vst v63  }
0x1b2: {  	_ =	swait.ge [sflag:s15], $0x4000  }
0x1b3: {  	[sflag:s15] =	ssyncset.done $0x0  }
0x1b4: {  	s8 =	rddreg [dreg:$0xf];
	[sflag:s15] =	ssyncadd.s32 $0xFFFFC000  }
0x1b5: {  	[spmem:s3] =	stream.indirect.scatter.add.f32 [tilespmem:s13], [sflag:$0x3], $0x80, s8, s11, $0xb8;
	[tilespmem:$0x1D800] =	vst v63  }
0x1b6: {  	_ =	swait.ge [sflag:s9], $0x4000  }
0x1b7: {  	[sflag:s9] =	ssyncset.done $0x0  }
0x1b8: {  	s24 =	rddreg [dreg:$0x10];
	[sflag:s9] =	ssyncadd.s32 $0xFFFFC000  }
0x1b9: {  	[tilespmem:s13], [sflag:$0x2] =	stream.indirect.gather [hbm4b:s0+s11], $0x80, s24, s11, $0xb8;
	[tilespmem:$0x1D800] =	vst v63  }
0x1ba: {  	_ =	swait.ge [sflag:s14], $0x4000  }
0x1bb: {  	[sflag:s14] =	ssyncset.done $0x0  }
0x1bc: {  	s7 =	rddreg [dreg:$0x11];
	[sflag:s14] =	ssyncadd.s32 $0xFFFFC000  }
0x1bd: {  	[spmem:s3] =	stream.indirect.scatter.add.f32 [tilespmem:s12], [sflag:$0x3], $0x80, s7, s11, $0xb8;
	[tilespmem:$0x1D800] =	vst v63  }
0x1be: {  	_ =	swait.ge [sflag:s9], $0x4000  }
0x1bf: {  	[sflag:s9] =	ssyncset.done $0x0  }
0x1c0: {  	s8 =	rddreg [dreg:$0x12];
	[sflag:s9] =	ssyncadd.s32 $0xFFFFC000  }
0x1c1: {  	[tilespmem:s12], [sflag:$0x1] =	stream.indirect.gather [hbm4b:s0+s11], $0x80, s8, s11, $0xb8;
	[tilespmem:$0x1D800] =	vst v63  }
0x1c2: {  	_ =	swait.ge [sflag:s15], $0x4000  }
0x1c3: {  	[sflag:s15] =	ssyncset.done $0x0  }
0x1c4: {  	s24 =	rddreg [dreg:$0x13];
	[sflag:s15] =	ssyncadd.s32 $0xFFFFC000  }
0x1c5: {  	[spmem:s3] =	stream.indirect.scatter.add.f32 [tilespmem:s13], [sflag:$0x3], $0x80, s24, s11, $0xb8;
	[tilespmem:$0x1D800] =	vst v63  }
0x1c6: {  	_ =	swait.ge [sflag:s9], $0x4000  }
0x1c7: {  	[sflag:s9] =	ssyncset.done $0x0  }
0x1c8: {  	s7 =	rddreg [dreg:$0x14];
	[sflag:s9] =	ssyncadd.s32 $0xFFFFC000  }
0x1c9: {  	[tilespmem:s13], [sflag:$0x2] =	stream.indirect.gather [hbm4b:s0+s11], $0x80, s7, s11, $0xb8;
	[tilespmem:$0x1D800] =	vst v63  }
0x1ca: {  	_ =	swait.ge [sflag:s14], $0x4000  }
0x1cb: {  	[sflag:s14] =	ssyncset.done $0x0  }
0x1cc: {  	s8 =	rddreg [dreg:$0x15];
	[sflag:s14] =	ssyncadd.s32 $0xFFFFC000  }
0x1cd: {  	[spmem:s3] =	stream.indirect.scatter.add.f32 [tilespmem:s12], [sflag:$0x3], $0x80, s8, s11, $0xb8;
	[tilespmem:$0x1D800] =	vst v63  }
0x1ce: {  	_ =	swait.ge [sflag:s9], $0x4000  }
0x1cf: {  	[sflag:s9] =	ssyncset.done $0x0  }
0x1d0: {  	s24 =	rddreg [dreg:$0x16];
	[sflag:s9] =	ssyncadd.s32 $0xFFFFC000  }
0x1d1: {  	[tilespmem:s12], [sflag:$0x1] =	stream.indirect.gather [hbm4b:s0+s11], $0x80, s24, s11, $0xb8;
	[tilespmem:$0x1D800] =	vst v63  }
0x1d2: {  	_ =	swait.ge [sflag:s15], $0x4000  }
0x1d3: {  	[sflag:s15] =	ssyncset.done $0x0  }
0x1d4: {  	s7 =	rddreg [dreg:$0x17];
	[sflag:s15] =	ssyncadd.s32 $0xFFFFC000  }
0x1d5: {  	[spmem:s3] =	stream.indirect.scatter.add.f32 [tilespmem:s13], [sflag:$0x3], $0x80, s7, s11, $0xb8;
	[tilespmem:$0x1D800] =	vst v63  }
0x1d6: {  	_ =	swait.ge [sflag:s9], $0x4000  }
0x1d7: {  	[sflag:s9] =	ssyncset.done $0x0  }
0x1d8: {  	s8 =	rddreg [dreg:$0x18];
	[sflag:s9] =	ssyncadd.s32 $0xFFFFC000  }
0x1d9: {  	[tilespmem:s13], [sflag:$0x2] =	stream.indirect.gather [hbm4b:s0+s11], $0x80, s8, s11, $0xb8;
	[tilespmem:$0x1D800] =	vst v63  }
0x1da: {  	_ =	swait.ge [sflag:s14], $0x4000  }
0x1db: {  	[sflag:s14] =	ssyncset.done $0x0  }
0x1dc: {  	s24 =	rddreg [dreg:$0x19];
	[sflag:s14] =	ssyncadd.s32 $0xFFFFC000  }
0x1dd: {  	[spmem:s3] =	stream.indirect.scatter.add.f32 [tilespmem:s12], [sflag:$0x3], $0x80, s24, s11, $0xb8;
	[tilespmem:$0x1D800] =	vst v63  }
0x1de: {  	_ =	swait.ge [sflag:s9], $0x4000  }
0x1df: {  	[sflag:s9] =	ssyncset.done $0x0  }
0x1e0: {  	[sflag:s9] =	ssyncadd.s32 $0xFFFFC000  }
0x1e1: {  	[tilespmem:s12], [sflag:$0x1] =	stream.indirect.gather [hbm4b:s0+s11], $0x80, s16, s11, $0xb8;
	[tilespmem:$0x1D800] =	vst v63  }
0x1e2: {  	_ =	swait.ge [sflag:s15], $0x4000  }
0x1e3: {  	[sflag:s15] =	ssyncset.done $0x0  }
0x1e4: {  	[sflag:s15] =	ssyncadd.s32 $0xFFFFC000  }
0x1e5: {  	[spmem:s3] =	stream.indirect.scatter.add.f32 [tilespmem:s13], [sflag:$0x3], $0x80, s17, s11, $0xb8;
	[tilespmem:$0x1D800] =	vst v63  }
0x1e6: {  	_ =	swait.ge [sflag:s9], $0x4000  }
0x1e7: {  	[sflag:s9] =	ssyncset.done $0x0  }
0x1e8: {  	[sflag:s9] =	ssyncadd.s32 $0xFFFFC000  }
0x1e9: {  	[tilespmem:s13], [sflag:$0x2] =	stream.indirect.gather [hbm4b:s0+s11], $0x80, s18, s11, $0xb8;
	[tilespmem:$0x1D800] =	vst v63  }
0x1ea: {  	_ =	swait.ge [sflag:s14], $0x4000  }
0x1eb: {  	[sflag:s14] =	ssyncset.done $0x0  }
0x1ec: {  	[sflag:s14] =	ssyncadd.s32 $0xFFFFC000  }
0x1ed: {  	[spmem:s3] =	stream.indirect.scatter.add.f32 [tilespmem:s12], [sflag:$0x3], $0x80, s19, s11, $0xb8;
	[tilespmem:$0x1D800] =	vst v63  }
0x1ee: {  	_ =	swait.ge [sflag:s9], $0x4000  }
0x1ef: {  	[sflag:s9] =	ssyncset.done $0x0  }
0x1f0: {  	[sflag:s9] =	ssyncadd.s32 $0xFFFFC000  }
0x1f1: {  	[tilespmem:s12], [sflag:$0x1] =	stream.indirect.gather [hbm4b:s0+s11], $0x80, s20, s11, $0xb8;
	[tilespmem:$0x1D800] =	vst v63  }
0x1f2: {  	_ =	swait.ge [sflag:s15], $0x4000  }
0x1f3: {  	[sflag:s15] =	ssyncset.done $0x0  }
0x1f4: {  	[sflag:s15] =	ssyncadd.s32 $0xFFFFC000  }
0x1f5: {  	[spmem:s3] =	stream.indirect.scatter.add.f32 [tilespmem:s13], [sflag:$0x3], $0x80, s21, s11, $0xb8;
	[tilespmem:$0x1D800] =	vst v63  }
0x1f6: {  	_ =	swait.ge [sflag:s9], $0x4000  }
0x1f7: {  	[sflag:s9] =	ssyncset.done $0x0  }
0x1f8: {  	[sflag:s9] =	ssyncadd.s32 $0xFFFFC000  }
0x1f9: {  	[tilespmem:s13], [sflag:$0x2] =	stream.indirect.gather [hbm4b:s0+s11], $0x80, s22, s11, $0xb8;
	[tilespmem:$0x1D800] =	vst v63  }
0x1fa: {  	_ =	swait.ge [sflag:s14], $0x4000  }
0x1fb: {  	[sflag:s14] =	ssyncset.done $0x0  }
0x1fc: {  	[sflag:s14] =	ssyncadd.s32 $0xFFFFC000  }
0x1fd: {  	[spmem:s3] =	stream.indirect.scatter.add.f32 [tilespmem:s12], [sflag:$0x3], $0x80, s23, s11, $0xb8;
	[tilespmem:$0x1D800] =	vst v63  }
0x1fe: {  	_ =	swait.ge [sflag:s9], $0x4000  }
0x1ff: {  	[sflag:s9] =	ssyncset.done $0x0  }
0x200: {  	[sflag:s9] =	ssyncadd.s32 $0xFFFFC000  }
0x201: {  	[tilespmem:s12], [sflag:$0x1] =	stream.indirect.gather [hbm4b:s0+s11], $0x80, s25, s11, $0xb8;
	[tilespmem:$0x1D800] =	vst v63  }
0x202: {  	_ =	swait.ge [sflag:s15], $0x4000  }
0x203: {  	[sflag:s15] =	ssyncset.done $0x0  }
0x204: {  	[sflag:s15] =	ssyncadd.s32 $0xFFFFC000  }
0x205: {  	[spmem:s3] =	stream.indirect.scatter.add.f32 [tilespmem:s13], [sflag:$0x3], $0x80, s26, s11, $0xb8;
	[tilespmem:$0x1D800] =	vst v63  }
0x206: {  	_ =	swait.ge [sflag:s9], $0x4000  }
0x207: {  	[sflag:s9] =	ssyncset.done $0x0  }
0x208: {  	[sflag:s9] =	ssyncadd.s32 $0xFFFFC000  }
0x209: {  	[tilespmem:s13], [sflag:$0x2] =	stream.indirect.gather [hbm4b:s0+s11], $0x80, s28, s11, $0xb8;
	[tilespmem:$0x1D800] =	vst v63  }
0x20a: {  	_ =	swait.ge [sflag:s14], $0x4000  }
0x20b: {  	[sflag:s14] =	ssyncset.done $0x0  }
0x20c: {  	[sflag:s14] =	ssyncadd.s32 $0xFFFFC000  }
0x20d: {  	[spmem:s3] =	stream.indirect.scatter.add.f32 [tilespmem:s12], [sflag:$0x3], $0x80, s29, s11, $0xb8;
	[tilespmem:$0x1D800] =	vst v63  }
0x20e: {  	_ =	swait.ge [sflag:s9], $0x4000  }
0x20f: {  	[sflag:s9] =	ssyncset.done $0x0  }
0x210: {  	[sflag:s9] =	ssyncadd.s32 $0xFFFFC000  }
0x211: {  	[tilespmem:s12], [sflag:$0x1] =	stream.indirect.gather [hbm4b:s0+s11], $0x80, s30, s11, $0xb8;
	[tilespmem:$0x1D800] =	vst v63  }
0x212: {  	_ =	swait.ge [sflag:s15], $0x4000  }
0x213: {  	[sflag:s15] =	ssyncset.done $0x0  }
0x214: {  	[sflag:s15] =	ssyncadd.s32 $0xFFFFC000  }
0x215: {  	[spmem:s3] =	stream.indirect.scatter.add.f32 [tilespmem:s13], [sflag:$0x3], $0x80, s31, s11, $0xb8;
	[tilespmem:$0x1D800] =	vst v63  }
0x216: {  	_ =	swait.ge [sflag:s9], $0x4000  }
0x217: {  	[sflag:s9] =	ssyncset.done $0x0  }
0x218: {  	[sflag:s9] =	ssyncadd.s32 $0xFFFFC000  }
0x219: {  	[tilespmem:s13], [sflag:$0x2] =	stream.indirect.gather [hbm4b:s0+s11], $0x80, s2, s11, $0xb8;
	[tilespmem:$0x1D800] =	vst v63  }
0x21a: {  	_ =	swait.ge [sflag:s14], $0x4000  }
0x21b: {  	[sflag:s14] =	ssyncset.done $0x0  }
0x21c: {  	[sflag:s14] =	ssyncadd.s32 $0xFFFFC000  }
0x21d: {  	[spmem:s3] =	stream.indirect.scatter.add.f32 [tilespmem:s12], [sflag:$0x3], $0x80, s1, s11, $0xb8;
	[tilespmem:$0x1D800] =	vst v63  }
0x21e: {  	_ =	swait.ge [sflag:s9], $0x4000  }
0x21f: {  	[sflag:s9] =	ssyncset.done $0x0  }
0x220: {  	[sflag:s9] =	ssyncadd.s32 $0xFFFFC000  }
0x221: {  	_ =	swait.ge [sflag:s15], $0x4000  }
0x222: {  	[sflag:s15] =	ssyncset.done $0x0  }
0x223: {  	[sflag:s15] =	ssyncadd.s32 $0xFFFFC000  }
0x224: {  	[spmem:s3] =	stream.indirect.scatter.add.f32 [tilespmem:s13], [sflag:$0x3], $0x80, s5, s11, $0xb8;
	[tilespmem:$0x1D800] =	vst v63  }
0x225: {  	_ =	swait.ge [sflag:s9], $0x4000  }
0x226: {  	[sflag:s9] =	ssyncset.done $0x0  }
0x227: {  	[sflag:s9] =	ssyncadd.s32 $0xFFFFC000  }
0x228: {  	[bflag:$0x0] =	sbarrier.arrive $0xFFFF  }
0x229: {  	s24 =	rddreg [dreg:$0x1b]  }
0x22a: {  	s8 =	rddreg [dreg:$0x1d]  }
0x22b: {  	s7 =	rddreg [dreg:$0x1e]  }
0x22c: {  	[hbm:s7], [sflag:s24] =	dma.local [spmem:s8], $0x2800  }
0x22d: {  	_ =	swait.ge [sflag:s9], $0x2800  }
0x22e: {  	s7 =	rddreg [dreg:$0x1f]  }
0x22f: {  	s6 =	rddreg [dreg:$0x1c];
	s7 =	sadd.s32 $0x1, s7  }
0x230: {  	p0 =	sne.s32 s7, s6  }
.Ltmp1:
0x231: {  	_ = 	snop;
	(pc) =	sbr.rel @p0 .LBB2_1-.Ltmp1, $3  }
0x232: {  	_ =	sdelay $0x1  }
0x233: {  	[sflag:s9] =	ssyncset.done $0x0  }
0x234: {  	[sflag:s9] =	ssyncadd.s32 $0xFFFFD800  }
0x235: {  	_ =	sfence.sel $0x180000  }
0x236: {  	[bflag:$0x0] =	sbarrier.arrive $0xFFFF  }
0x237: {  	_ =	strace $0x90000047  }
0x238: {  	s0 =	stileid.u32;
	[bflag:$0x2] =	sbarrier.arrive $0xFFFF  }
0x239: {  	p0 =	sne.s32 s0, $0x0;
	s0 =	rddreg [dreg:$0x3]  }
0x23a: {  	s0 =	sadd.s32 @!p0 $0x100000, s0  }
0x23b: {  	[sflag:s0] =	ssyncadd.tile.s32 @!p0 $0x1;
	_ =	shalt  }
.Lfunc_end2:
_tile_overlayer_lowered:
.L_overlay_start_2:
0x23c: {  	(tag) =	ssettag $0x2  }
0x23d: {  	s0 =	rddreg [dreg:$0x0];
	s2 =	stileid.u32  }
0x23e: {  	s1 =	rddreg [dreg:$0x1];
	p0 =	sne.s32 s2, $0x0  }
0x23f: {  	s3 =	rddreg [dreg:$0x2];
	[bflag:$0x3] =	sbarrier.arrive $0xFFFF;
	s2 =	simm.s32 @!p0 $0x1C03  }
0x240: {  	[timem:s3], [sflag:s2] =	dma.local @!p0 [hbm:s0], s1  }
0x241: {  	s0 =	simm.s32 @!p0 $0x3  }
0x242: {  	_ =	swait.ge @!p0 [sflag:s0], s1  }
0x243: {  	s1 =	ssub.s32 @!p0 $0x0, s1;
	[sflag:s0] =	ssyncset.done @!p0 $0x0  }
0x244: {  	[sflag:s0] =	ssyncadd.s32 @!p0 s1  }
0x245: {  	[bflag:$0x3] =	sbarrier.arrive $0xFFFF  }
0x246: {  	_ =	shalt  }

// kernel: kernel.14.cloned.1.call-start
scs
__scs_entry_jumppad:
0x0: {  	(pc) =	sbr.rel $0x88, $3  }
0x1: {  	(tag) =	ssettag $0x0;
	lr =	simm.s32 $0x1  }
0x2: {  	[smem:$0x3F99] =	sst lr;
	_ =	strace $0xD0000000  }
0x3: {  	_ = 	snop  }
0x4: {  	_ = 	snop  }
0x5: {  	_ = 	snop  }
0x6: {  	_ = 	snop  }
0x7: {  	_ = 	snop  }
__scs_overlays_trampoline_lowered:
0x8: {  	[smem:$0x3FA8] =	sst s0  }
0x9: {  	[smem:$0x3FA9] =	sst s1  }
0xa: {  	[smem:$0x3FAA] =	sst s2  }
0xb: {  	[smem:$0x3FAB] =	sst s3  }
0xc: {  	[smem:$0x3FAC] =	sst s4  }
0xd: {  	[smem:$0x3FAD] =	sst s5  }
0xe: {  	[smem:$0x3FAE] =	sst s6  }
0xf: {  	[smem:$0x3FAF] =	sst s7  }
0x10: {  	[smem:$0x3FB0] =	sst s8  }
0x11: {  	[smem:$0x3FB1] =	sst s9;
	s0 =	simm.s32 @!p0 $0x0  }
0x12: {  	s1 =	sld [smem:$0x3F97];
	s0 =	simm.s32 @p0 $0x1  }
0x13: {  	[smem:$0x3FB2] =	sst s0;
	s0 =	simm.s32 @!p1 $0x0  }
0x14: {  	s2 =	sld [smem:$0x3F96];
	s0 =	simm.s32 @p1 $0x1  }
0x15: {  	[smem:$0x3FB3] =	sst s0;
	s0 =	simm.s32 @!p2 $0x0  }
0x16: {  	s3 =	sld [smem:$0x3FDB];
	s0 =	simm.s32 @p2 $0x1  }
0x17: {  	s4 =	simm.s32 $0x1BF5;
	[smem:$0x3FB5] =	sst s0  }
0x18: {  	s0 =	sld [smem:$0x3F98];
	_ =	swait.ge [sflag:s4], $0x0  }
0x19: {  	s7 =	sld [smem:$0x3F99]  }
0x1a: {  	s8 =	sadd.s32 $0xFFFFE003, lr  }
0x1b: {  	s9 =	sadd.s32 $0xFFFFFEF7, lr;
	s5 =	simm.s32 $0xFFFFFFFF;
	p2 =	slt.u32 s8, $0xFFFFF086  }
0x1c: {  	p1 =	slt.u32 s9, $0xF7A;
	s5 =	simm.s32 @!p2 $0x0  }
0x1d: {  	s5 =	simm.s32 @p1 $0x1;
	p0 =	seq.s32 s7, s2  }
0x1e: {  	s7 =	smul.u32 @!p0 $0xF7A, s2;
	p2 =	seq.s32 @!p0 s5, $0x0  }
0x1f: {  	s9 =	smul.u32 $0xF7A, s1;
	s8 =	simm.s32 @!p0 $0x1BF5;
	p2 =	por !p2, p0  }
0x20: {  	[sflag:s8] =	ssyncset.s32 @!p0 $0xFFFFF086;
	s6 =	sadd.s32 @!p0 s3, s7;
	s7 =	simm.s32 @!p0 $0x108  }
0x21: {  	s3 =	sadd.s32 s3, s9;
	s6 =	sadd.s32 @!p0 $0x88, s6;
	s7 =	simm.s32 @p2 $0x1082  }
0x22: {  	[simem:s7], [sflag:s8] =	dma.local @!p0 [hbm:s6], $0xF7A  }
0x23: {  	s9 =	sor.u32 $0xD0000000, s2;
	s6 =	simm.s32 $0x108;
	_ =	swait.ge @!p0 [sflag:s8], $0x0  }
0x24: {  	s3 =	sadd.s32 $0x88, s3;
	s6 =	simm.s32 @!p1 $0x1082;
	[sflag:s4] =	ssyncset.s32 $0xFFFFF086  }
0x25: {  	[simem:s6], [sflag:s4] =	dma.local [hbm:s3], $0xF7A  }
0x26: {  	[smem:$0x3F99] =	sst s1;
	(tag) =	ssettag s2;
	_ =	strace s9  }
0x27: {  	s1 =	sld [smem:$0x3FA9]  }
0x28: {  	s2 =	sld [smem:$0x3FAA]  }
0x29: {  	s4 =	sld [smem:$0x3FAC]  }
0x2a: {  	p0 =	seq.s32 s5, $0x0;
	s5 =	sld [smem:$0x3FAD]  }
0x2b: {  	s6 =	sld [smem:$0x3FAE]  }
0x2c: {  	s7 =	sld [smem:$0x3FAF]  }
0x2d: {  	s3 =	simm.s32 $0x108;
	s8 =	sld [smem:$0x3FB0]  }
0x2e: {  	s3 =	simm.s32 @!p0 $0x1082;
	s9 =	sld [smem:$0x3FB1]  }
0x2f: {  	lr =	sadd.s32 s0, s3;
	s0 =	sld [smem:$0x3FA8]  }
0x30: {  	s3 =	sld [smem:$0x3FAB]  }
0x31: {  	[smem:$0x3FB4] =	sst s10  }
0x32: {  	s10 =	sld [smem:$0x3FB2];
	_ =	sdelay $0x3  }
0x33: {  	p0 =	seq.s32 s10, $0x1;
	s10 =	sld [smem:$0x3FB4];
	_ =	sdelay $0x3  }
0x34: {  	[smem:$0x3FB4] =	sst s10  }
0x35: {  	s10 =	sld [smem:$0x3FB3];
	_ =	sdelay $0x3  }
0x36: {  	p1 =	seq.s32 s10, $0x1;
	s10 =	sld [smem:$0x3FB4];
	_ =	sdelay $0x3  }
0x37: {  	[smem:$0x3FB4] =	sst s10  }
0x38: {  	s10 =	sld [smem:$0x3FB5]  }
0x39: {  	_ = 	snop;
	(pc) =	sbr.ind lr, $3  }
0x3a: {  	_ = 	snop  }
0x3b: {  	_ = 	snop  }
0x3c: {  	p2 =	seq.s32 s10, $0x1;
	s10 =	sld [smem:$0x3FB4]  }
0x3d: {  	_ =	shalt  }
0x3e: {  	_ =	shalt  }
0x3f: {  	_ =	shalt  }
0x40: {  	_ =	shalt  }
0x41: {  	_ =	shalt  }
0x42: {  	_ =	shalt  }
0x43: {  	_ =	shalt  }
0x44: {  	_ =	shalt  }
0x45: {  	_ =	shalt  }
0x46: {  	_ =	shalt  }
0x47: {  	_ =	shalt  }
0x48: {  	_ =	shalt  }
0x49: {  	_ =	shalt  }
0x4a: {  	_ =	shalt  }
0x4b: {  	_ =	shalt  }
0x4c: {  	_ =	shalt  }
0x4d: {  	_ =	shalt  }
0x4e: {  	_ =	shalt  }
0x4f: {  	_ =	shalt  }
0x50: {  	_ =	shalt  }
0x51: {  	_ =	shalt  }
0x52: {  	_ =	shalt  }
0x53: {  	_ =	shalt  }
0x54: {  	_ =	shalt  }
0x55: {  	_ =	shalt  }
0x56: {  	_ =	shalt  }
0x57: {  	_ =	shalt  }
0x58: {  	_ =	shalt  }
0x59: {  	_ =	shalt  }
0x5a: {  	_ =	shalt  }
0x5b: {  	_ =	shalt  }
0x5c: {  	_ =	shalt  }
0x5d: {  	_ =	shalt  }
0x5e: {  	_ =	shalt  }
0x5f: {  	_ =	shalt  }
0x60: {  	_ =	shalt  }
0x61: {  	_ =	shalt  }
0x62: {  	_ =	shalt  }
0x63: {  	_ =	shalt  }
0x64: {  	_ =	shalt  }
0x65: {  	_ =	shalt  }
0x66: {  	_ =	shalt  }
0x67: {  	_ =	shalt  }
0x68: {  	_ =	shalt  }
0x69: {  	_ =	shalt  }
0x6a: {  	_ =	shalt  }
0x6b: {  	_ =	shalt  }
0x6c: {  	_ =	shalt  }
0x6d: {  	_ =	shalt  }
0x6e: {  	_ =	shalt  }
0x6f: {  	_ =	shalt  }
0x70: {  	_ =	shalt  }
0x71: {  	_ =	shalt  }
0x72: {  	_ =	shalt  }
0x73: {  	_ =	shalt  }
0x74: {  	_ =	shalt  }
0x75: {  	_ =	shalt  }
0x76: {  	_ =	shalt  }
0x77: {  	_ =	shalt  }
0x78: {  	_ =	shalt  }
0x79: {  	_ =	shalt  }
0x7a: {  	_ =	shalt  }
0x7b: {  	_ =	shalt  }
0x7c: {  	_ =	shalt  }
0x7d: {  	_ =	shalt  }
0x7e: {  	_ =	shalt  }
0x7f: {  	_ =	shalt  }
0x80: {  	_ =	shalt  }
0x81: {  	_ =	shalt  }
0x82: {  	_ =	shalt  }
0x83: {  	_ =	shalt  }
0x84: {  	_ =	shalt  }
0x85: {  	_ =	shalt  }
0x86: {  	_ =	shalt  }
0x87: {  	_ =	shalt  }
.Lfunc_end0:
.L_simem_size_0:
called_computation.2_lowered:
.L_overlay_start_0:
0x88: {  	s2 =	sld [smem:$0x3FD9]  }
0x89: {  	s3 =	sld [smem:$0x3FFE];
	_ =	sdelay $0x1  }
0x8a: {  	s1 =	srdreg.scid  }
0x8b: {  	s0 =	sand.u32 $0x1, s1  }
0x8c: {  	s17 =	sshll.u32 s0, $0xA;
	s2 =	sadd.s32 s3, s2  }
0x8d: {  	s2 =	sadd.s32 s2, s17  }
0x8e: {  	[smem:$0x3FC0] =	sst s2  }
0x8f: {  	_ = 	snop  }
0x90: {  	s2 =	sld [smem:$0x3FD0];
	(tm) =	ssettm $0x1  }
0x91: {  	s18 =	sld [smem:$0x3FFB];
	_ =	sdelay $0x3  }
0x92: {  	_ =	strace s18  }
0x93: {  	s3 =	sld [smem:$0x3FFC];
	_ =	sdelay $0x3  }
0x94: {  	_ =	strace s3  }
0x95: {  	s3 =	sld [smem:$0x3FFD];
	_ =	sdelay $0x3  }
0x96: {  	_ =	strace s3  }
0x97: {  	_ =	strace $0x8FFFFFFF  }
0x98: {  	s19 =	sld [smem:$0x3FDB];
	_ =	sdelay $0x1  }
0x99: {  	s4 =	simm.s32 $_scs_section_size  }
0x9a: {  	s5 =	simm.s32 $_size__tile_overlayer_lowered;
	s6 =	simm.s32 $_tile_overlayer_lowered  }
0x9b: {  	s22 =	simm.s32 $0x1BFF;
	s21 =	sshll.u32 s6, $0x1;
	s3 =	sadd.s32 s4, s19  }
0x9c: {  	s7 =	simm.s32 $0x0;
	s20 =	sshll.u32 s5, $0x1;
	s5 =	sadd.s32 s21, s3  }
0x9d: {  	[timem:s7], [sflag:s22] =	dma.local [hbm:s5], s20  }
0x9e: {  	_ =	swait.ge [sflag:s22], s20  }
0x9f: {  	s4 =	ssub.s32 $0x0, s20;
	[sflag:s22] =	ssyncset.done $0x0  }
0xa0: {  	[sflag:s22] =	ssyncadd.s32 s4;
	_ =	sdelay $0x1  }
0xa1: {  	s23 =	simm.s32 $0x1B8B  }
0xa2: {  	_ =	swait.ge [sflag:s23], $0x1  }
0xa3: {  	[sflag:s23] =	ssyncset.done $0x0  }
0xa4: {  	s25 =	simm.s32 $0x1B8E;
	s24 =	sld [smem:$0x3FFE];
	[sflag:s23] =	ssyncadd.s32 $0xFFFFFFFF  }
0xa5: {  	s26 =	simm.s32 $execute0_lowered;
	[smem:$0x3FD2] =	sst s25  }
0xa6: {  	s5 =	sshll.u32 s26, $0x1;
	_ =	strace $0x8000004C;
	[dreg:$0x1] =	wrdreg $0xFFFFFFFF  }
0xa7: {  	s28 =	simm.s32 $_size_execute0_lowered;
	s3 =	sadd.s32 s3, s5;
	[dreg:$0x0] =	wrdreg $0x0  }
0xa8: {  	s5 =	sshll.u32 s28, $0x1;
	[dreg:$0x2] =	wrdreg s3  }
0xa9: {  	[dreg:$0x3] =	wrdreg s5  }
0xaa: {  	[dreg:$0x4] =	wrdreg $0xC0  }
0xab: {  	_ =	task [dreg:s7], $0x5FFFF  }
0xac: {  	[dreg:$0x1] =	wrdreg $0xFFFFFFFF  }
0xad: {  	[dreg:$0x0] =	wrdreg $0x60  }
0xae: {  	[dreg:$0x2] =	wrdreg s2  }
0xaf: {  	[dreg:$0x3] =	wrdreg s24  }
0xb0: {  	[dreg:$0x4] =	wrdreg $0x98000  }
0xb1: {  	[dreg:$0x5] =	wrdreg $0x9  }
0xb2: {  	_ =	task.clear_ibuf [dreg:s7], $0x6FFFF;
	_ =	strace $0x9000004C  }
0xb3: {  	s29 =	simm.s32 $0x9;
	_ =	strace $0x8000004E  }
0xb4: {  	_ =	swait.ge [sflag:s29], $0x1  }
0xb5: {  	[sflag:s29] =	ssyncadd.s32 $0xFFFFFFFF  }
0xb6: {  	_ =	strace $0x9000004E  }
0xb7: {  	_ =	sfence  }
0xb8: {  	s30 =	sld [smem:$0x0];
	_ =	sdelay $0x2  }
0xb9: {  	s31 =	sshll.u32 s1, $0xD;
	s1 =	sshrl.u32 s1, $0x2  }
0xba: {  	s3 =	sand.u32 $0x4000, s31;
	s1 =	sadd.s32 s1, s30  }
0xbb: {  	s0 =	sor.u32 s3, s0;
	s1 =	sshll.u32 s1, $0x11  }
0xbc: {  	s0 =	sor.u32 s1, s0  }
0xbd: {  	s0 =	sadd.s32 $0x8F2B, s0  }
0xbe: {  	[sflag:s0] =	ssyncadd.remote.s32 $0x1  }
0xbf: {  	_ =	sfence.sel $0xFFFF  }
0xc0: {  	[dreg:$0x0] =	wrdreg $0xFFFFFFFF;
	(pc) =	sbr.abs _section_cstart, $3  }
0xc1: {  	[dreg:$0x1] =	wrdreg $0xFFFFFFFF  }
0xc2: {  	_ =	task.clear_ibuf [dreg:s7], $0x2FFFF;
	_ =	strace $0x9FFFFFFF  }
0xc3: {  	(tm) =	ssettm $0x7FFFFFFF  }
tec
execute0_lowered:
.L_overlay_start_1:
0x0: {  	(tag) =	ssettag $0x1  }
0x1: {  	s0 =	rddreg [dreg:$0x0];
	s1 =	srdreg.scid  }
0x2: {  	s2 =	rddreg [dreg:$0x1];
	s8 =	stileid.u32  }
0x3: {  	s3 =	rddreg [dreg:$0x2];
	s4 =	simm.s32 $0x0;
	s10 =	simm.s32 $0x100  }
0x4: {  	s11 =	simm.s32 $0xC80;
	[smem:$0x7FF] =	sst s4;
	s9 =	sadd.s32 $0x1A200, s2  }
0x5: {  	s12 =	simm.s32 $0x180;
	_ =	strace $0x8000004D;
	[dreg:$0x1a] =	wrdreg s9  }
0x6: {  	s14 =	simm.s32 $0xD00;
	s16 =	simm.s32 $0x200;
	[dreg:$0x6] =	wrdreg s10  }
0x7: {  	s17 =	simm.s32 $0xD80;
	s19 =	simm.s32 $0x280;
	[dreg:$0x7] =	wrdreg s11  }
0x8: {  	s20 =	simm.s32 $0xE00;
	s22 =	simm.s32 $0x300;
	[dreg:$0x8] =	wrdreg s12  }
0x9: {  	s23 =	simm.s32 $0xE80;
	s25 =	simm.s32 $0x380;
	[dreg:$0x9] =	wrdreg s14  }
0xa: {  	s28 =	simm.s32 $0x880;
	s29 =	simm.s32 $0x1400;
	[dreg:$0xa] =	wrdreg s16  }
0xb: {  	s30 =	simm.s32 $0x900;
	s6 =	smul.u32 $0x600, s8;
	[dreg:$0xb] =	wrdreg s17  }
0xc: {  	s31 =	simm.s32 $0x1480;
	s15 =	smul.u32 $0x50000, s8;
	[dreg:$0xc] =	wrdreg s19  }
0xd: {  	s1 =	sand.u32 $0x1, s1;
	s26 =	smul.u32 $0x2800, s8;
	[dreg:$0xd] =	wrdreg s20  }
0xe: {  	s21 =	sshll.u32 s8, $0x6;
	s5 =	smul.u32 $0x6000, s1;
	[dreg:$0xe] =	wrdreg s22  }
0xf: {  	s7 =	smul.u32 $0x28000, s1;
	s1 =	ssub.s32 $0x2, s1;
	[dreg:$0xf] =	wrdreg s23  }
0x10: {  	s24 =	sor.u32 $0x1C03, s21;
	[dreg:$0x10] =	wrdreg s25;
	s16 =	simm.s32 $0xF00  }
0x11: {  	s17 =	simm.s32 $0x400;
	s9 =	simm.s32 $0x3;
	[dreg:$0x11] =	wrdreg s16  }
0x12: {  	s19 =	simm.s32 $0x480;
	s10 =	simm.s32 $0xC00;
	[dreg:$0x12] =	wrdreg s17  }
0x13: {  	s20 =	simm.s32 $0x1000;
	s11 =	simm.s32 $0x80;
	[dreg:$0x14] =	wrdreg s19  }
0x14: {  	s21 =	simm.s32 $0x500;
	s12 =	simm.s32 $0x1800;
	[dreg:$0x15] =	wrdreg s20  }
0x15: {  	s22 =	simm.s32 $0x1080;
	s23 =	simm.s32 $0x580;
	[dreg:$0x16] =	wrdreg s21  }
0x16: {  	s14 =	simm.s32 $0x1;
	s25 =	simm.s32 $0x1100;
	[dreg:$0x17] =	wrdreg s22  }
0x17: {  	s13 =	sshrl.u32 s1, $0x1;
	s18 =	sshrl.u32 s15, $0x2;
	[dreg:$0x18] =	wrdreg s23  }
0x18: {  	s15 =	simm.s32 $0x2;
	[dreg:$0x19] =	wrdreg s25;
	s16 =	simm.s32 $0x600  }
0x19: {  	s17 =	simm.s32 $0x1180;
	s19 =	simm.s32 $0x1200;
	s20 =	simm.s32 $0x700  }
0x1a: {  	s21 =	simm.s32 $0x1280;
	s22 =	simm.s32 $0x780;
	s23 =	simm.s32 $0x1300  }
0x1b: {  	s25 =	simm.s32 $0x800;
	[dreg:$0x1b] =	wrdreg s24;
	s5 =	sadd.s32 s5, s2  }
0x1c: {  	s2 =	sadd.s32 s7, s2;
	s1 =	ssub.s32 s1, s13;
	s13 =	simm.s32 $0x5800  }
0x1d: {  	s7 =	simm.s32 $0x0;
	s5 =	sadd.s32 s6, s5;
	s1 =	smax.u32 s1, $0x1  }
0x1e: {  	s2 =	sadd.s32 $0x1CA00, s2;
	s6 =	sadd.s32 $0x2200, s5;
	[dreg:$0x1c] =	wrdreg s1  }
0x1f: {  	s5 =	sadd.s32 $0xE200, s5;
	s26 =	sadd.s32 s26, s2;
	[dreg:$0x4] =	wrdreg s6  }
0x20: {  	s2 =	simm.s32 $0x980;
	s1 =	simm.s32 $0x1500;
	[dreg:$0x5] =	wrdreg s5  }
0x21: {  	s6 =	sadd.s32 s18, s3;
	s18 =	simm.s32 $0xF80;
	[dreg:$0x1e] =	wrdreg s26  }
0x22: {  	s26 =	simm.s32 $0x1380;
	s8 =	sshrl.u32 s6, $0x3;
	[dreg:$0x13] =	wrdreg s18  }
0x23: {  	s5 =	simm.s32 $0x1580;
	s18 =	simm.s32 $0x680;
	[dreg:$0x1d] =	wrdreg s8  }
.LBB2_1:
0x24: {  	[dreg:$0x1f] =	wrdreg s7  }
0x25: {  	s6 =	rddreg [dreg:$0x1a]  }
0x26: {  	[spmem:s8], [sflag:s24] =	dma.local [hbm:s6], $0x2800  }
0x27: {  	_ =	swait.ge [sflag:s9], $0x2800  }
0x28: {  	[sflag:s9] =	ssyncset.done $0x0  }
0x29: {  	[sflag:s9] =	ssyncadd.s32 $0xFFFFD800  }
0x2a: {  	[bflag:$0x0] =	sbarrier.arrive $0xFFFF  }
0x2b: {  	s24 =	rddreg [dreg:$0x4]  }
0x2c: {  	s6 =	sadd.s32 $0x0, s24  }
0x2d: {  	[tilespmem:s4], [sflag:$0x3] =	stream.linear.gather [hbm4b:s6+s4], $0xA00, $0x38;
	[tilespmem:$0x1D800] =	vst v63  }
0x2e: {  	_ =	swait.ge [sflag:s9], $0xA00  }
0x2f: {  	s7 =	rddreg [dreg:$0x5];
	[sflag:s9] =	ssyncset.done $0x0  }
0x30: {  	[sflag:s9] =	ssyncadd.s32 $0xFFFFF600;
	s6 =	sadd.s32 $0x0, s7  }
0x31: {  	[tilespmem:s10], [sflag:$0x3] =	stream.linear.gather [hbm4b:s6+s4], $0xA00, $0x38;
	[tilespmem:$0x1D800] =	vst v63  }
0x32: {  	_ =	swait.ge [sflag:s9], $0xA00  }
0x33: {  	[sflag:s9] =	ssyncset.done $0x0  }
0x34: {  	[sflag:s9] =	ssyncadd.s32 $0xFFFFF600  }
0x35: {  	[tilespmem:s12], [sflag:$0x1] =	stream.indirect.gather [hbm4b:s0+s11], $0x80, s4, s11, $0xb8;
	[tilespmem:$0x1D800] =	vst v63  }
0x36: {  	_ = 	snop  }
0x37: {  	[tilespmem:s13], [sflag:$0x2] =	stream.indirect.gather [hbm4b:s0+s11], $0x80, s11, s11, $0xb8;
	[tilespmem:$0x1D800] =	vst v63  }
0x38: {  	_ =	swait.ge [sflag:s14], $0x4000  }
0x39: {  	[sflag:s14] =	ssyncset.done $0x0  }
0x3a: {  	[sflag:s14] =	ssyncadd.s32 $0xFFFFC000  }
0x3b: {  	[spmem:s3] =	stream.indirect.scatter.add.f32 [tilespmem:s12], [sflag:$0x3], $0x80, s10, s11, $0xb8;
	[tilespmem:$0x1D800] =	vst v63  }
0x3c: {  	_ =	swait.ge [sflag:s9], $0x4000  }
0x3d: {  	[sflag:s9] =	ssyncset.done $0x0  }
0x3e: {  	s8 =	rddreg [dreg:$0x6];
	[sflag:s9] =	ssyncadd.s32 $0xFFFFC000  }
0x3f: {  	[tilespmem:s12], [sflag:$0x1] =	stream.indirect.gather [hbm4b:s0+s11], $0x80, s8, s11, $0xb8;
	[tilespmem:$0x1D800] =	vst v63  }
0x40: {  	_ =	swait.ge [sflag:s15], $0x4000  }
0x41: {  	[sflag:s15] =	ssyncset.done $0x0  }
0x42: {  	s24 =	rddreg [dreg:$0x7];
	[sflag:s15] =	ssyncadd.s32 $0xFFFFC000  }
0x43: {  	[spmem:s3] =	stream.indirect.scatter.add.f32 [tilespmem:s13], [sflag:$0x3], $0x80, s24, s11, $0xb8;
	[tilespmem:$0x1D800] =	vst v63  }
0x44: {  	_ =	swait.ge [sflag:s9], $0x4000  }
0x45: {  	[sflag:s9] =	ssyncset.done $0x0  }
0x46: {  	s7 =	rddreg [dreg:$0x8];
	[sflag:s9] =	ssyncadd.s32 $0xFFFFC000  }
0x47: {  	[tilespmem:s13], [sflag:$0x2] =	stream.indirect.gather [hbm4b:s0+s11], $0x80, s7, s11, $0xb8;
	[tilespmem:$0x1D800] =	vst v63  }
0x48: {  	_ =	swait.ge [sflag:s14], $0x4000  }
0x49: {  	[sflag:s14] =	ssyncset.done $0x0  }
0x4a: {  	s8 =	rddreg [dreg:$0x9];
	[sflag:s14] =	ssyncadd.s32 $0xFFFFC000  }
0x4b: {  	[spmem:s3] =	stream.indirect.scatter.add.f32 [tilespmem:s12], [sflag:$0x3], $0x80, s8, s11, $0xb8;
	[tilespmem:$0x1D800] =	vst v63  }
0x4c: {  	_ =	swait.ge [sflag:s9], $0x4000  }
0x4d: {  	[sflag:s9] =	ssyncset.done $0x0  }
0x4e: {  	s24 =	rddreg [dreg:$0xa];
	[sflag:s9] =	ssyncadd.s32 $0xFFFFC000  }
0x4f: {  	[tilespmem:s12], [sflag:$0x1] =	stream.indirect.gather [hbm4b:s0+s11], $0x80, s24, s11, $0xb8;
	[tilespmem:$0x1D800] =	vst v63  }
0x50: {  	_ =	swait.ge [sflag:s15], $0x4000  }
0x51: {  	[sflag:s15] =	ssyncset.done $0x0  }
0x52: {  	s7 =	rddreg [dreg:$0xb];
	[sflag:s15] =	ssyncadd.s32 $0xFFFFC000  }
0x53: {  	[spmem:s3] =	stream.indirect.scatter.add.f32 [tilespmem:s13], [sflag:$0x3], $0x80, s7, s11, $0xb8;
	[tilespmem:$0x1D800] =	vst v63  }
0x54: {  	_ =	swait.ge [sflag:s9], $0x4000  }
0x55: {  	[sflag:s9] =	ssyncset.done $0x0  }
0x56: {  	s8 =	rddreg [dreg:$0xc];
	[sflag:s9] =	ssyncadd.s32 $0xFFFFC000  }
0x57: {  	[tilespmem:s13], [sflag:$0x2] =	stream.indirect.gather [hbm4b:s0+s11], $0x80, s8, s11, $0xb8;
	[tilespmem:$0x1D800] =	vst v63  }
0x58: {  	_ =	swait.ge [sflag:s14], $0x4000  }
0x59: {  	[sflag:s14] =	ssyncset.done $0x0  }
0x5a: {  	s24 =	rddreg [dreg:$0xd];
	[sflag:s14] =	ssyncadd.s32 $0xFFFFC000  }
0x5b: {  	[spmem:s3] =	stream.indirect.scatter.add.f32 [tilespmem:s12], [sflag:$0x3], $0x80, s24, s11, $0xb8;
	[tilespmem:$0x1D800] =	vst v63  }
0x5c: {  	_ =	swait.ge [sflag:s9], $0x4000  }
0x5d: {  	[sflag:s9] =	ssyncset.done $0x0  }
0x5e: {  	s7 =	rddreg [dreg:$0xe];
	[sflag:s9] =	ssyncadd.s32 $0xFFFFC000  }
0x5f: {  	[tilespmem:s12], [sflag:$0x1] =	stream.indirect.gather [hbm4b:s0+s11], $0x80, s7, s11, $0xb8;
	[tilespmem:$0x1D800] =	vst v63  }
0x60: {  	_ =	swait.ge [sflag:s15], $0x4000  }
0x61: {  	[sflag:s15] =	ssyncset.done $0x0  }
0x62: {  	s8 =	rddreg [dreg:$0xf];
	[sflag:s15] =	ssyncadd.s32 $0xFFFFC000  }
0x63: {  	[spmem:s3] =	stream.indirect.scatter.add.f32 [tilespmem:s13], [sflag:$0x3], $0x80, s8, s11, $0xb8;
	[tilespmem:$0x1D800] =	vst v63  }
0x64: {  	_ =	swait.ge [sflag:s9], $0x4000  }
0x65: {  	[sflag:s9] =	ssyncset.done $0x0  }
0x66: {  	s24 =	rddreg [dreg:$0x10];
	[sflag:s9] =	ssyncadd.s32 $0xFFFFC000  }
0x67: {  	[tilespmem:s13], [sflag:$0x2] =	stream.indirect.gather [hbm4b:s0+s11], $0x80, s24, s11, $0xb8;
	[tilespmem:$0x1D800] =	vst v63  }
0x68: {  	_ =	swait.ge [sflag:s14], $0x4000  }
0x69: {  	[sflag:s14] =	ssyncset.done $0x0  }
0x6a: {  	s7 =	rddreg [dreg:$0x11];
	[sflag:s14] =	ssyncadd.s32 $0xFFFFC000  }
0x6b: {  	[spmem:s3] =	stream.indirect.scatter.add.f32 [tilespmem:s12], [sflag:$0x3], $0x80, s7, s11, $0xb8;
	[tilespmem:$0x1D800] =	vst v63  }
0x6c: {  	_ =	swait.ge [sflag:s9], $0x4000  }
0x6d: {  	[sflag:s9] =	ssyncset.done $0x0  }
0x6e: {  	s8 =	rddreg [dreg:$0x12];
	[sflag:s9] =	ssyncadd.s32 $0xFFFFC000  }
0x6f: {  	[tilespmem:s12], [sflag:$0x1] =	stream.indirect.gather [hbm4b:s0+s11], $0x80, s8, s11, $0xb8;
	[tilespmem:$0x1D800] =	vst v63  }
0x70: {  	_ =	swait.ge [sflag:s15], $0x4000  }
0x71: {  	[sflag:s15] =	ssyncset.done $0x0  }
0x72: {  	s24 =	rddreg [dreg:$0x13];
	[sflag:s15] =	ssyncadd.s32 $0xFFFFC000  }
0x73: {  	[spmem:s3] =	stream.indirect.scatter.add.f32 [tilespmem:s13], [sflag:$0x3], $0x80, s24, s11, $0xb8;
	[tilespmem:$0x1D800] =	vst v63  }
0x74: {  	_ =	swait.ge [sflag:s9], $0x4000  }
0x75: {  	[sflag:s9] =	ssyncset.done $0x0  }
0x76: {  	s7 =	rddreg [dreg:$0x14];
	[sflag:s9] =	ssyncadd.s32 $0xFFFFC000  }
0x77: {  	[tilespmem:s13], [sflag:$0x2] =	stream.indirect.gather [hbm4b:s0+s11], $0x80, s7, s11, $0xb8;
	[tilespmem:$0x1D800] =	vst v63  }
0x78: {  	_ =	swait.ge [sflag:s14], $0x4000  }
0x79: {  	[sflag:s14] =	ssyncset.done $0x0  }
0x7a: {  	s8 =	rddreg [dreg:$0x15];
	[sflag:s14] =	ssyncadd.s32 $0xFFFFC000  }
0x7b: {  	[spmem:s3] =	stream.indirect.scatter.add.f32 [tilespmem:s12], [sflag:$0x3], $0x80, s8, s11, $0xb8;
	[tilespmem:$0x1D800] =	vst v63  }
0x7c: {  	_ =	swait.ge [sflag:s9], $0x4000  }
0x7d: {  	[sflag:s9] =	ssyncset.done $0x0  }
0x7e: {  	s24 =	rddreg [dreg:$0x16];
	[sflag:s9] =	ssyncadd.s32 $0xFFFFC000  }
0x7f: {  	[tilespmem:s12], [sflag:$0x1] =	stream.indirect.gather [hbm4b:s0+s11], $0x80, s24, s11, $0xb8;
	[tilespmem:$0x1D800] =	vst v63  }
0x80: {  	_ =	swait.ge [sflag:s15], $0x4000  }
0x81: {  	[sflag:s15] =	ssyncset.done $0x0  }
0x82: {  	s7 =	rddreg [dreg:$0x17];
	[sflag:s15] =	ssyncadd.s32 $0xFFFFC000  }
0x83: {  	[spmem:s3] =	stream.indirect.scatter.add.f32 [tilespmem:s13], [sflag:$0x3], $0x80, s7, s11, $0xb8;
	[tilespmem:$0x1D800] =	vst v63  }
0x84: {  	_ =	swait.ge [sflag:s9], $0x4000  }
0x85: {  	[sflag:s9] =	ssyncset.done $0x0  }
0x86: {  	s8 =	rddreg [dreg:$0x18];
	[sflag:s9] =	ssyncadd.s32 $0xFFFFC000  }
0x87: {  	[tilespmem:s13], [sflag:$0x2] =	stream.indirect.gather [hbm4b:s0+s11], $0x80, s8, s11, $0xb8;
	[tilespmem:$0x1D800] =	vst v63  }
0x88: {  	_ =	swait.ge [sflag:s14], $0x4000  }
0x89: {  	[sflag:s14] =	ssyncset.done $0x0  }
0x8a: {  	s24 =	rddreg [dreg:$0x19];
	[sflag:s14] =	ssyncadd.s32 $0xFFFFC000  }
0x8b: {  	[spmem:s3] =	stream.indirect.scatter.add.f32 [tilespmem:s12], [sflag:$0x3], $0x80, s24, s11, $0xb8;
	[tilespmem:$0x1D800] =	vst v63  }
0x8c: {  	_ =	swait.ge [sflag:s9], $0x4000  }
0x8d: {  	[sflag:s9] =	ssyncset.done $0x0  }
0x8e: {  	[sflag:s9] =	ssyncadd.s32 $0xFFFFC000  }
0x8f: {  	[tilespmem:s12], [sflag:$0x1] =	stream.indirect.gather [hbm4b:s0+s11], $0x80, s16, s11, $0xb8;
	[tilespmem:$0x1D800] =	vst v63  }
0x90: {  	_ =	swait.ge [sflag:s15], $0x4000  }
0x91: {  	[sflag:s15] =	ssyncset.done $0x0  }
0x92: {  	[sflag:s15] =	ssyncadd.s32 $0xFFFFC000  }
0x93: {  	[spmem:s3] =	stream.indirect.scatter.add.f32 [tilespmem:s13], [sflag:$0x3], $0x80, s17, s11, $0xb8;
	[tilespmem:$0x1D800] =	vst v63  }
0x94: {  	_ =	swait.ge [sflag:s9], $0x4000  }
0x95: {  	[sflag:s9] =	ssyncset.done $0x0  }
0x96: {  	[sflag:s9] =	ssyncadd.s32 $0xFFFFC000  }
0x97: {  	[tilespmem:s13], [sflag:$0x2] =	stream.indirect.gather [hbm4b:s0+s11], $0x80, s18, s11, $0xb8;
	[tilespmem:$0x1D800] =	vst v63  }
0x98: {  	_ =	swait.ge [sflag:s14], $0x4000  }
0x99: {  	[sflag:s14] =	ssyncset.done $0x0  }
0x9a: {  	[sflag:s14] =	ssyncadd.s32 $0xFFFFC000  }
0x9b: {  	[spmem:s3] =	stream.indirect.scatter.add.f32 [tilespmem:s12], [sflag:$0x3], $0x80, s19, s11, $0xb8;
	[tilespmem:$0x1D800] =	vst v63  }
0x9c: {  	_ =	swait.ge [sflag:s9], $0x4000  }
0x9d: {  	[sflag:s9] =	ssyncset.done $0x0  }
0x9e: {  	[sflag:s9] =	ssyncadd.s32 $0xFFFFC000  }
0x9f: {  	[tilespmem:s12], [sflag:$0x1] =	stream.indirect.gather [hbm4b:s0+s11], $0x80, s20, s11, $0xb8;
	[tilespmem:$0x1D800] =	vst v63  }
0xa0: {  	_ =	swait.ge [sflag:s15], $0x4000  }
0xa1: {  	[sflag:s15] =	ssyncset.done $0x0  }
0xa2: {  	[sflag:s15] =	ssyncadd.s32 $0xFFFFC000  }
0xa3: {  	[spmem:s3] =	stream.indirect.scatter.add.f32 [tilespmem:s13], [sflag:$0x3], $0x80, s21, s11, $0xb8;
	[tilespmem:$0x1D800] =	vst v63  }
0xa4: {  	_ =	swait.ge [sflag:s9], $0x4000  }
0xa5: {  	[sflag:s9] =	ssyncset.done $0x0  }
0xa6: {  	[sflag:s9] =	ssyncadd.s32 $0xFFFFC000  }
0xa7: {  	[tilespmem:s13], [sflag:$0x2] =	stream.indirect.gather [hbm4b:s0+s11], $0x80, s22, s11, $0xb8;
	[tilespmem:$0x1D800] =	vst v63  }
0xa8: {  	_ =	swait.ge [sflag:s14], $0x4000  }
0xa9: {  	[sflag:s14] =	ssyncset.done $0x0  }
0xaa: {  	[sflag:s14] =	ssyncadd.s32 $0xFFFFC000  }
0xab: {  	[spmem:s3] =	stream.indirect.scatter.add.f32 [tilespmem:s12], [sflag:$0x3], $0x80, s23, s11, $0xb8;
	[tilespmem:$0x1D800] =	vst v63  }
0xac: {  	_ =	swait.ge [sflag:s9], $0x4000  }
0xad: {  	[sflag:s9] =	ssyncset.done $0x0  }
0xae: {  	[sflag:s9] =	ssyncadd.s32 $0xFFFFC000  }
0xaf: {  	[tilespmem:s12], [sflag:$0x1] =	stream.indirect.gather [hbm4b:s0+s11], $0x80, s25, s11, $0xb8;
	[tilespmem:$0x1D800] =	vst v63  }
0xb0: {  	_ =	swait.ge [sflag:s15], $0x4000  }
0xb1: {  	[sflag:s15] =	ssyncset.done $0x0  }
0xb2: {  	[sflag:s15] =	ssyncadd.s32 $0xFFFFC000  }
0xb3: {  	[spmem:s3] =	stream.indirect.scatter.add.f32 [tilespmem:s13], [sflag:$0x3], $0x80, s26, s11, $0xb8;
	[tilespmem:$0x1D800] =	vst v63  }
0xb4: {  	_ =	swait.ge [sflag:s9], $0x4000  }
0xb5: {  	[sflag:s9] =	ssyncset.done $0x0  }
0xb6: {  	[sflag:s9] =	ssyncadd.s32 $0xFFFFC000  }
0xb7: {  	[tilespmem:s13], [sflag:$0x2] =	stream.indirect.gather [hbm4b:s0+s11], $0x80, s28, s11, $0xb8;
	[tilespmem:$0x1D800] =	vst v63  }
0xb8: {  	_ =	swait.ge [sflag:s14], $0x4000  }
0xb9: {  	[sflag:s14] =	ssyncset.done $0x0  }
0xba: {  	[sflag:s14] =	ssyncadd.s32 $0xFFFFC000  }
0xbb: {  	[spmem:s3] =	stream.indirect.scatter.add.f32 [tilespmem:s12], [sflag:$0x3], $0x80, s29, s11, $0xb8;
	[tilespmem:$0x1D800] =	vst v63  }
0xbc: {  	_ =	swait.ge [sflag:s9], $0x4000  }
0xbd: {  	[sflag:s9] =	ssyncset.done $0x0  }
0xbe: {  	[sflag:s9] =	ssyncadd.s32 $0xFFFFC000  }
0xbf: {  	[tilespmem:s12], [sflag:$0x1] =	stream.indirect.gather [hbm4b:s0+s11], $0x80, s30, s11, $0xb8;
	[tilespmem:$0x1D800] =	vst v63  }
0xc0: {  	_ =	swait.ge [sflag:s15], $0x4000  }
0xc1: {  	[sflag:s15] =	ssyncset.done $0x0  }
0xc2: {  	[sflag:s15] =	ssyncadd.s32 $0xFFFFC000  }
0xc3: {  	[spmem:s3] =	stream.indirect.scatter.add.f32 [tilespmem:s13], [sflag:$0x3], $0x80, s31, s11, $0xb8;
	[tilespmem:$0x1D800] =	vst v63  }
0xc4: {  	_ =	swait.ge [sflag:s9], $0x4000  }
0xc5: {  	[sflag:s9] =	ssyncset.done $0x0  }
0xc6: {  	[sflag:s9] =	ssyncadd.s32 $0xFFFFC000  }
0xc7: {  	[tilespmem:s13], [sflag:$0x2] =	stream.indirect.gather [hbm4b:s0+s11], $0x80, s2, s11, $0xb8;
	[tilespmem:$0x1D800] =	vst v63  }
0xc8: {  	_ =	swait.ge [sflag:s14], $0x4000  }
0xc9: {  	[sflag:s14] =	ssyncset.done $0x0  }
0xca: {  	[sflag:s14] =	ssyncadd.s32 $0xFFFFC000  }
0xcb: {  	[spmem:s3] =	stream.indirect.scatter.add.f32 [tilespmem:s12], [sflag:$0x3], $0x80, s1, s11, $0xb8;
	[tilespmem:$0x1D800] =	vst v63  }
0xcc: {  	_ =	swait.ge [sflag:s9], $0x4000  }
0xcd: {  	[sflag:s9] =	ssyncset.done $0x0  }
0xce: {  	[sflag:s9] =	ssyncadd.s32 $0xFFFFC000  }
0xcf: {  	_ =	swait.ge [sflag:s15], $0x4000  }
0xd0: {  	[sflag:s15] =	ssyncset.done $0x0  }
0xd1: {  	[sflag:s15] =	ssyncadd.s32 $0xFFFFC000  }
0xd2: {  	[spmem:s3] =	stream.indirect.scatter.add.f32 [tilespmem:s13], [sflag:$0x3], $0x80, s5, s11, $0xb8;
	[tilespmem:$0x1D800] =	vst v63  }
0xd3: {  	s6 =	simm.s32 $0x300;
	_ =	swait.ge [sflag:s9], $0x4000  }
0xd4: {  	s24 =	simm.s32 $0x180;
	s8 =	rddreg [dreg:$0x4];
	[sflag:s9] =	ssyncset.done $0x0  }
.LBB2_2:
0xd5: {  	[sflag:s9] =	ssyncadd.s32 $0xFFFFC000;
	s8 =	sadd.s32 s24, s8  }
0xd6: {  	[tilespmem:s4], [sflag:$0x3] =	stream.linear.gather [hbm4b:s8+s4], $0xA00, $0x38;
	[tilespmem:$0x1D800] =	vst v63  }
0xd7: {  	_ =	swait.ge [sflag:s9], $0xA00  }
0xd8: {  	s8 =	rddreg [dreg:$0x5];
	[sflag:s9] =	ssyncset.done $0x0  }
0xd9: {  	[sflag:s9] =	ssyncadd.s32 $0xFFFFF600;
	s8 =	sadd.s32 s24, s8  }
0xda: {  	[tilespmem:s10], [sflag:$0x3] =	stream.linear.gather [hbm4b:s8+s4], $0xA00, $0x38;
	[tilespmem:$0x1D800] =	vst v63  }
0xdb: {  	_ =	swait.ge [sflag:s9], $0xA00  }
0xdc: {  	[sflag:s9] =	ssyncset.done $0x0  }
0xdd: {  	[sflag:s9] =	ssyncadd.s32 $0xFFFFF600  }
0xde: {  	[tilespmem:s12], [sflag:$0x1] =	stream.indirect.gather [hbm4b:s0+s11], $0x80, s4, s11, $0xb8;
	[tilespmem:$0x1D800] =	vst v63  }
0xdf: {  	_ = 	snop  }
0xe0: {  	[tilespmem:s13], [sflag:$0x2] =	stream.indirect.gather [hbm4b:s0+s11], $0x80, s11, s11, $0xb8;
	[tilespmem:$0x1D800] =	vst v63  }
0xe1: {  	_ =	swait.ge [sflag:s14], $0x4000  }
0xe2: {  	[sflag:s14] =	ssyncset.done $0x0  }
0xe3: {  	[sflag:s14] =	ssyncadd.s32 $0xFFFFC000  }
0xe4: {  	[spmem:s3] =	stream.indirect.scatter.add.f32 [tilespmem:s12], [sflag:$0x3], $0x80, s10, s11, $0xb8;
	[tilespmem:$0x1D800] =	vst v63  }
0xe5: {  	_ =	swait.ge [sflag:s9], $0x4000  }
0xe6: {  	[sflag:s9] =	ssyncset.done $0x0  }
0xe7: {  	s8 =	rddreg [dreg:$0x6];
	[sflag:s9] =	ssyncadd.s32 $0xFFFFC000  }
0xe8: {  	[tilespmem:s12], [sflag:$0x1] =	stream.indirect.gather [hbm4b:s0+s11], $0x80, s8, s11, $0xb8;
	[tilespmem:$0x1D800] =	vst v63  }
0xe9: {  	_ =	swait.ge [sflag:s15], $0x4000  }
0xea: {  	[sflag:s15] =	ssyncset.done $0x0  }
0xeb: {  	s8 =	rddreg [dreg:$0x7];
	[sflag:s15] =	ssyncadd.s32 $0xFFFFC000  }
0xec: {  	[spmem:s3] =	stream.indirect.scatter.add.f32 [tilespmem:s13], [sflag:$0x3], $0x80, s8, s11, $0xb8;
	[tilespmem:$0x1D800] =	vst v63  }
0xed: {  	_ =	swait.ge [sflag:s9], $0x4000  }
0xee: {  	[sflag:s9] =	ssyncset.done $0x0  }
0xef: {  	s8 =	rddreg [dreg:$0x8];
	[sflag:s9] =	ssyncadd.s32 $0xFFFFC000  }
0xf0: {  	[tilespmem:s13], [sflag:$0x2] =	stream.indirect.gather [hbm4b:s0+s11], $0x80, s8, s11, $0xb8;
	[tilespmem:$0x1D800] =	vst v63  }
0xf1: {  	_ =	swait.ge [sflag:s14], $0x4000  }
0xf2: {  	[sflag:s14] =	ssyncset.done $0x0  }
0xf3: {  	s8 =	rddreg [dreg:$0x9];
	[sflag:s14] =	ssyncadd.s32 $0xFFFFC000  }
0xf4: {  	[spmem:s3] =	stream.indirect.scatter.add.f32 [tilespmem:s12], [sflag:$0x3], $0x80, s8, s11, $0xb8;
	[tilespmem:$0x1D800] =	vst v63  }
0xf5: {  	_ =	swait.ge [sflag:s9], $0x4000  }
0xf6: {  	[sflag:s9] =	ssyncset.done $0x0  }
0xf7: {  	s8 =	rddreg [dreg:$0xa];
	[sflag:s9] =	ssyncadd.s32 $0xFFFFC000  }
0xf8: {  	[tilespmem:s12], [sflag:$0x1] =	stream.indirect.gather [hbm4b:s0+s11], $0x80, s8, s11, $0xb8;
	[tilespmem:$0x1D800] =	vst v63  }
0xf9: {  	_ =	swait.ge [sflag:s15], $0x4000  }
0xfa: {  	[sflag:s15] =	ssyncset.done $0x0  }
0xfb: {  	s8 =	rddreg [dreg:$0xb];
	[sflag:s15] =	ssyncadd.s32 $0xFFFFC000  }
0xfc: {  	[spmem:s3] =	stream.indirect.scatter.add.f32 [tilespmem:s13], [sflag:$0x3], $0x80, s8, s11, $0xb8;
	[tilespmem:$0x1D800] =	vst v63  }
0xfd: {  	_ =	swait.ge [sflag:s9], $0x4000  }
0xfe: {  	[sflag:s9] =	ssyncset.done $0x0  }
0xff: {  	s8 =	rddreg [dreg:$0xc];
	[sflag:s9] =	ssyncadd.s32 $0xFFFFC000  }
0x100: {  	[tilespmem:s13], [sflag:$0x2] =	stream.indirect.gather [hbm4b:s0+s11], $0x80, s8, s11, $0xb8;
	[tilespmem:$0x1D800] =	vst v63  }
0x101: {  	_ =	swait.ge [sflag:s14], $0x4000  }
0x102: {  	[sflag:s14] =	ssyncset.done $0x0  }
0x103: {  	s8 =	rddreg [dreg:$0xd];
	[sflag:s14] =	ssyncadd.s32 $0xFFFFC000  }
0x104: {  	[spmem:s3] =	stream.indirect.scatter.add.f32 [tilespmem:s12], [sflag:$0x3], $0x80, s8, s11, $0xb8;
	[tilespmem:$0x1D800] =	vst v63  }
0x105: {  	_ =	swait.ge [sflag:s9], $0x4000  }
0x106: {  	[sflag:s9] =	ssyncset.done $0x0  }
0x107: {  	s8 =	rddreg [dreg:$0xe];
	[sflag:s9] =	ssyncadd.s32 $0xFFFFC000  }
0x108: {  	[tilespmem:s12], [sflag:$0x1] =	stream.indirect.gather [hbm4b:s0+s11], $0x80, s8, s11, $0xb8;
	[tilespmem:$0x1D800] =	vst v63  }
0x109: {  	_ =	swait.ge [sflag:s15], $0x4000  }
0x10a: {  	[sflag:s15] =	ssyncset.done $0x0  }
0x10b: {  	s8 =	rddreg [dreg:$0xf];
	[sflag:s15] =	ssyncadd.s32 $0xFFFFC000  }
0x10c: {  	[spmem:s3] =	stream.indirect.scatter.add.f32 [tilespmem:s13], [sflag:$0x3], $0x80, s8, s11, $0xb8;
	[tilespmem:$0x1D800] =	vst v63  }
0x10d: {  	_ =	swait.ge [sflag:s9], $0x4000  }
0x10e: {  	[sflag:s9] =	ssyncset.done $0x0  }
0x10f: {  	s8 =	rddreg [dreg:$0x10];
	[sflag:s9] =	ssyncadd.s32 $0xFFFFC000  }
0x110: {  	[tilespmem:s13], [sflag:$0x2] =	stream.indirect.gather [hbm4b:s0+s11], $0x80, s8, s11, $0xb8;
	[tilespmem:$0x1D800] =	vst v63  }
0x111: {  	_ =	swait.ge [sflag:s14], $0x4000  }
0x112: {  	[sflag:s14] =	ssyncset.done $0x0  }
0x113: {  	s8 =	rddreg [dreg:$0x11];
	[sflag:s14] =	ssyncadd.s32 $0xFFFFC000  }
0x114: {  	[spmem:s3] =	stream.indirect.scatter.add.f32 [tilespmem:s12], [sflag:$0x3], $0x80, s8, s11, $0xb8;
	[tilespmem:$0x1D800] =	vst v63  }
0x115: {  	_ =	swait.ge [sflag:s9], $0x4000  }
0x116: {  	[sflag:s9] =	ssyncset.done $0x0  }
0x117: {  	s8 =	rddreg [dreg:$0x12];
	[sflag:s9] =	ssyncadd.s32 $0xFFFFC000  }
0x118: {  	[tilespmem:s12], [sflag:$0x1] =	stream.indirect.gather [hbm4b:s0+s11], $0x80, s8, s11, $0xb8;
	[tilespmem:$0x1D800] =	vst v63  }
0x119: {  	_ =	swait.ge [sflag:s15], $0x4000  }
0x11a: {  	[sflag:s15] =	ssyncset.done $0x0  }
0x11b: {  	s8 =	rddreg [dreg:$0x13];
	[sflag:s15] =	ssyncadd.s32 $0xFFFFC000  }
0x11c: {  	[spmem:s3] =	stream.indirect.scatter.add.f32 [tilespmem:s13], [sflag:$0x3], $0x80, s8, s11, $0xb8;
	[tilespmem:$0x1D800] =	vst v63  }
0x11d: {  	_ =	swait.ge [sflag:s9], $0x4000  }
0x11e: {  	[sflag:s9] =	ssyncset.done $0x0  }
0x11f: {  	s8 =	rddreg [dreg:$0x14];
	[sflag:s9] =	ssyncadd.s32 $0xFFFFC000  }
0x120: {  	[tilespmem:s13], [sflag:$0x2] =	stream.indirect.gather [hbm4b:s0+s11], $0x80, s8, s11, $0xb8;
	[tilespmem:$0x1D800] =	vst v63  }
0x121: {  	_ =	swait.ge [sflag:s14], $0x4000  }
0x122: {  	[sflag:s14] =	ssyncset.done $0x0  }
0x123: {  	s8 =	rddreg [dreg:$0x15];
	[sflag:s14] =	ssyncadd.s32 $0xFFFFC000  }
0x124: {  	[spmem:s3] =	stream.indirect.scatter.add.f32 [tilespmem:s12], [sflag:$0x3], $0x80, s8, s11, $0xb8;
	[tilespmem:$0x1D800] =	vst v63  }
0x125: {  	_ =	swait.ge [sflag:s9], $0x4000  }
0x126: {  	[sflag:s9] =	ssyncset.done $0x0  }
0x127: {  	s8 =	rddreg [dreg:$0x16];
	[sflag:s9] =	ssyncadd.s32 $0xFFFFC000  }
0x128: {  	[tilespmem:s12], [sflag:$0x1] =	stream.indirect.gather [hbm4b:s0+s11], $0x80, s8, s11, $0xb8;
	[tilespmem:$0x1D800] =	vst v63  }
0x129: {  	_ =	swait.ge [sflag:s15], $0x4000  }
0x12a: {  	[sflag:s15] =	ssyncset.done $0x0  }
0x12b: {  	s8 =	rddreg [dreg:$0x17];
	[sflag:s15] =	ssyncadd.s32 $0xFFFFC000  }
0x12c: {  	[spmem:s3] =	stream.indirect.scatter.add.f32 [tilespmem:s13], [sflag:$0x3], $0x80, s8, s11, $0xb8;
	[tilespmem:$0x1D800] =	vst v63  }
0x12d: {  	_ =	swait.ge [sflag:s9], $0x4000  }
0x12e: {  	[sflag:s9] =	ssyncset.done $0x0  }
0x12f: {  	s8 =	rddreg [dreg:$0x18];
	[sflag:s9] =	ssyncadd.s32 $0xFFFFC000  }
0x130: {  	[tilespmem:s13], [sflag:$0x2] =	stream.indirect.gather [hbm4b:s0+s11], $0x80, s8, s11, $0xb8;
	[tilespmem:$0x1D800] =	vst v63  }
0x131: {  	_ =	swait.ge [sflag:s14], $0x4000  }
0x132: {  	[sflag:s14] =	ssyncset.done $0x0  }
0x133: {  	s8 =	rddreg [dreg:$0x19];
	[sflag:s14] =	ssyncadd.s32 $0xFFFFC000  }
0x134: {  	[spmem:s3] =	stream.indirect.scatter.add.f32 [tilespmem:s12], [sflag:$0x3], $0x80, s8, s11, $0xb8;
	[tilespmem:$0x1D800] =	vst v63  }
0x135: {  	_ =	swait.ge [sflag:s9], $0x4000  }
0x136: {  	[sflag:s9] =	ssyncset.done $0x0  }
0x137: {  	[sflag:s9] =	ssyncadd.s32 $0xFFFFC000  }
0x138: {  	[tilespmem:s12], [sflag:$0x1] =	stream.indirect.gather [hbm4b:s0+s11], $0x80, s16, s11, $0xb8;
	[tilespmem:$0x1D800] =	vst v63  }
0x139: {  	_ =	swait.ge [sflag:s15], $0x4000  }
0x13a: {  	[sflag:s15] =	ssyncset.done $0x0  }
0x13b: {  	[sflag:s15] =	ssyncadd.s32 $0xFFFFC000  }
0x13c: {  	[spmem:s3] =	stream.indirect.scatter.add.f32 [tilespmem:s13], [sflag:$0x3], $0x80, s17, s11, $0xb8;
	[tilespmem:$0x1D800] =	vst v63  }
0x13d: {  	_ =	swait.ge [sflag:s9], $0x4000  }
0x13e: {  	[sflag:s9] =	ssyncset.done $0x0  }
0x13f: {  	[sflag:s9] =	ssyncadd.s32 $0xFFFFC000  }
0x140: {  	[tilespmem:s13], [sflag:$0x2] =	stream.indirect.gather [hbm4b:s0+s11], $0x80, s18, s11, $0xb8;
	[tilespmem:$0x1D800] =	vst v63  }
0x141: {  	_ =	swait.ge [sflag:s14], $0x4000  }
0x142: {  	[sflag:s14] =	ssyncset.done $0x0  }
0x143: {  	[sflag:s14] =	ssyncadd.s32 $0xFFFFC000  }
0x144: {  	[spmem:s3] =	stream.indirect.scatter.add.f32 [tilespmem:s12], [sflag:$0x3], $0x80, s19, s11, $0xb8;
	[tilespmem:$0x1D800] =	vst v63  }
0x145: {  	_ =	swait.ge [sflag:s9], $0x4000  }
0x146: {  	[sflag:s9] =	ssyncset.done $0x0  }
0x147: {  	[sflag:s9] =	ssyncadd.s32 $0xFFFFC000  }
0x148: {  	[tilespmem:s12], [sflag:$0x1] =	stream.indirect.gather [hbm4b:s0+s11], $0x80, s20, s11, $0xb8;
	[tilespmem:$0x1D800] =	vst v63  }
0x149: {  	_ =	swait.ge [sflag:s15], $0x4000  }
0x14a: {  	[sflag:s15] =	ssyncset.done $0x0  }
0x14b: {  	[sflag:s15] =	ssyncadd.s32 $0xFFFFC000  }
0x14c: {  	[spmem:s3] =	stream.indirect.scatter.add.f32 [tilespmem:s13], [sflag:$0x3], $0x80, s21, s11, $0xb8;
	[tilespmem:$0x1D800] =	vst v63  }
0x14d: {  	_ =	swait.ge [sflag:s9], $0x4000  }
0x14e: {  	[sflag:s9] =	ssyncset.done $0x0  }
0x14f: {  	[sflag:s9] =	ssyncadd.s32 $0xFFFFC000  }
0x150: {  	[tilespmem:s13], [sflag:$0x2] =	stream.indirect.gather [hbm4b:s0+s11], $0x80, s22, s11, $0xb8;
	[tilespmem:$0x1D800] =	vst v63  }
0x151: {  	_ =	swait.ge [sflag:s14], $0x4000  }
0x152: {  	[sflag:s14] =	ssyncset.done $0x0  }
0x153: {  	[sflag:s14] =	ssyncadd.s32 $0xFFFFC000  }
0x154: {  	[spmem:s3] =	stream.indirect.scatter.add.f32 [tilespmem:s12], [sflag:$0x3], $0x80, s23, s11, $0xb8;
	[tilespmem:$0x1D800] =	vst v63  }
0x155: {  	_ =	swait.ge [sflag:s9], $0x4000  }
0x156: {  	[sflag:s9] =	ssyncset.done $0x0  }
0x157: {  	[sflag:s9] =	ssyncadd.s32 $0xFFFFC000  }
0x158: {  	[tilespmem:s12], [sflag:$0x1] =	stream.indirect.gather [hbm4b:s0+s11], $0x80, s25, s11, $0xb8;
	[tilespmem:$0x1D800] =	vst v63  }
0x159: {  	_ =	swait.ge [sflag:s15], $0x4000  }
0x15a: {  	[sflag:s15] =	ssyncset.done $0x0  }
0x15b: {  	[sflag:s15] =	ssyncadd.s32 $0xFFFFC000  }
0x15c: {  	[spmem:s3] =	stream.indirect.scatter.add.f32 [tilespmem:s13], [sflag:$0x3], $0x80, s26, s11, $0xb8;
	[tilespmem:$0x1D800] =	vst v63  }
0x15d: {  	_ =	swait.ge [sflag:s9], $0x4000  }
0x15e: {  	[sflag:s9] =	ssyncset.done $0x0  }
0x15f: {  	[sflag:s9] =	ssyncadd.s32 $0xFFFFC000  }
0x160: {  	[tilespmem:s13], [sflag:$0x2] =	stream.indirect.gather [hbm4b:s0+s11], $0x80, s28, s11, $0xb8;
	[tilespmem:$0x1D800] =	vst v63  }
0x161: {  	_ =	swait.ge [sflag:s14], $0x4000  }
0x162: {  	[sflag:s14] =	ssyncset.done $0x0  }
0x163: {  	[sflag:s14] =	ssyncadd.s32 $0xFFFFC000  }
0x164: {  	[spmem:s3] =	stream.indirect.scatter.add.f32 [tilespmem:s12], [sflag:$0x3], $0x80, s29, s11, $0xb8;
	[tilespmem:$0x1D800] =	vst v63  }
0x165: {  	_ =	swait.ge [sflag:s9], $0x4000  }
0x166: {  	[sflag:s9] =	ssyncset.done $0x0  }
0x167: {  	[sflag:s9] =	ssyncadd.s32 $0xFFFFC000  }
0x168: {  	[tilespmem:s12], [sflag:$0x1] =	stream.indirect.gather [hbm4b:s0+s11], $0x80, s30, s11, $0xb8;
	[tilespmem:$0x1D800] =	vst v63  }
0x169: {  	_ =	swait.ge [sflag:s15], $0x4000  }
0x16a: {  	[sflag:s15] =	ssyncset.done $0x0  }
0x16b: {  	[sflag:s15] =	ssyncadd.s32 $0xFFFFC000  }
0x16c: {  	[spmem:s3] =	stream.indirect.scatter.add.f32 [tilespmem:s13], [sflag:$0x3], $0x80, s31, s11, $0xb8;
	[tilespmem:$0x1D800] =	vst v63  }
0x16d: {  	_ =	swait.ge [sflag:s9], $0x4000  }
0x16e: {  	[sflag:s9] =	ssyncset.done $0x0  }
0x16f: {  	[sflag:s9] =	ssyncadd.s32 $0xFFFFC000  }
0x170: {  	[tilespmem:s13], [sflag:$0x2] =	stream.indirect.gather [hbm4b:s0+s11], $0x80, s2, s11, $0xb8;
	[tilespmem:$0x1D800] =	vst v63  }
0x171: {  	_ =	swait.ge [sflag:s14], $0x4000  }
0x172: {  	[sflag:s14] =	ssyncset.done $0x0  }
0x173: {  	[sflag:s14] =	ssyncadd.s32 $0xFFFFC000  }
0x174: {  	[spmem:s3] =	stream.indirect.scatter.add.f32 [tilespmem:s12], [sflag:$0x3], $0x80, s1, s11, $0xb8;
	[tilespmem:$0x1D800] =	vst v63  }
0x175: {  	_ =	swait.ge [sflag:s9], $0x4000  }
0x176: {  	[sflag:s9] =	ssyncset.done $0x0  }
0x177: {  	[sflag:s9] =	ssyncadd.s32 $0xFFFFC000  }
0x178: {  	p0 =	sne.s32 s6, $0x480;
	_ =	swait.ge [sflag:s15], $0x4000  }
.Ltmp0:
0x179: {  	[sflag:s15] =	ssyncset.done $0x0;
	(pc) =	sbr.rel @p0 .LBB2_2-.Ltmp0, $4  }
0x17a: {  	[sflag:s15] =	ssyncadd.s32 $0xFFFFC000  }
0x17b: {  	[spmem:s3] =	stream.indirect.scatter.add.f32 [tilespmem:s13], [sflag:$0x3], $0x80, s5, s11, $0xb8;
	[tilespmem:$0x1D800] =	vst v63  }
0x17c: {  	s7 =	smov.u32 s6;
	s6 =	sadd.s32 $0x180, s6;
	_ =	swait.ge [sflag:s9], $0x4000  }
0x17d: {  	s24 =	smov.u32 s7;
	s8 =	rddreg [dreg:$0x4];
	[sflag:s9] =	ssyncset.done $0x0  }
0x17e: {  	[sflag:s9] =	ssyncadd.s32 $0xFFFFC000;
	s6 =	sadd.s32 s24, s8  }
0x17f: {  	[tilespmem:s4], [sflag:$0x3] =	stream.linear.gather [hbm4b:s6+s4], $0xA00, $0x38;
	[tilespmem:$0x1D800] =	vst v63  }
0x180: {  	_ =	swait.ge [sflag:s9], $0xA00  }
0x181: {  	s7 =	rddreg [dreg:$0x5];
	[sflag:s9] =	ssyncset.done $0x0  }
0x182: {  	s6 =	sadd.s32 s24, s7;
	[sflag:s9] =	ssyncadd.s32 $0xFFFFF600  }
0x183: {  	[tilespmem:s10], [sflag:$0x3] =	stream.linear.gather [hbm4b:s6+s4], $0xA00, $0x38;
	[tilespmem:$0x1D800] =	vst v63  }
0x184: {  	_ =	swait.ge [sflag:s9], $0xA00  }
0x185: {  	[sflag:s9] =	ssyncset.done $0x0  }
0x186: {  	[sflag:s9] =	ssyncadd.s32 $0xFFFFF600  }
0x187: {  	[tilespmem:s12], [sflag:$0x1] =	stream.indirect.gather [hbm4b:s0+s11], $0x80, s4, s11, $0xb8;
	[tilespmem:$0x1D800] =	vst v63  }
0x188: {  	_ = 	snop  }
0x189: {  	[tilespmem:s13], [sflag:$0x2] =	stream.indirect.gather [hbm4b:s0+s11], $0x80, s11, s11, $0xb8;
	[tilespmem:$0x1D800] =	vst v63  }
0x18a: {  	_ =	swait.ge [sflag:s14], $0x4000  }
0x18b: {  	[sflag:s14] =	ssyncset.done $0x0  }
0x18c: {  	[sflag:s14] =	ssyncadd.s32 $0xFFFFC000  }
0x18d: {  	[spmem:s3] =	stream.indirect.scatter.add.f32 [tilespmem:s12], [sflag:$0x3], $0x80, s10, s11, $0xb8;
	[tilespmem:$0x1D800] =	vst v63  }
0x18e: {  	_ =	swait.ge [sflag:s9], $0x4000  }
0x18f: {  	[sflag:s9] =	ssyncset.done $0x0  }
0x190: {  	s8 =	rddreg [dreg:$0x6];
	[sflag:s9] =	ssyncadd.s32 $0xFFFFC000  }
0x191: {  	[tilespmem:s12], [sflag:$0x1] =	stream.indirect.gather [hbm4b:s0+s11], $0x80, s8, s11, $0xb8;
	[tilespmem:$0x1D800] =	vst v63  }
0x192: {  	_ =	swait.ge [sflag:s15], $0x4000  }
0x193: {  	[sflag:s15] =	ssyncset.done $0x0  }
0x194: {  	s24 =	rddreg [dreg:$0x7];
	[sflag:s15] =	ssyncadd.s32 $0xFFFFC000  }
0x195: {  	[spmem:s3] =	stream.indirect.scatter.add.f32 [tilespmem:s13], [sflag:$0x3], $0x80, s24, s11, $0xb8;
	[tilespmem:$0x1D800] =	vst v63  }
0x196: {  	_ =	swait.ge [sflag:s9], $0x4000  }
0x197: {  	[sflag:s9] =	ssyncset.done $0x0  }
0x198: {  	s7 =	rddreg [dreg:$0x8];
	[sflag:s9] =	ssyncadd.s32 $0xFFFFC000  }
0x199: {  	[tilespmem:s13], [sflag:$0x2] =	stream.indirect.gather [hbm4b:s0+s11], $0x80, s7, s11, $0xb8;
	[tilespmem:$0x1D800] =	vst v63  }
0x19a: {  	_ =	swait.ge [sflag:s14], $0x4000  }
0x19b: {  	[sflag:s14] =	ssyncset.done $0x0  }
0x19c: {  	s8 =	rddreg [dreg:$0x9];
	[sflag:s14] =	ssyncadd.s32 $0xFFFFC000  }
0x19d: {  	[spmem:s3] =	stream.indirect.scatter.add.f32 [tilespmem:s12], [sflag:$0x3], $0x80, s8, s11, $0xb8;
	[tilespmem:$0x1D800] =	vst v63  }
0x19e: {  	_ =	swait.ge [sflag:s9], $0x4000  }
0x19f: {  	[sflag:s9] =	ssyncset.done $0x0  }
0x1a0: {  	s24 =	rddreg [dreg:$0xa];
	[sflag:s9] =	ssyncadd.s32 $0xFFFFC000  }
0x1a1: {  	[tilespmem:s12], [sflag:$0x1] =	stream.indirect.gather [hbm4b:s0+s11], $0x80, s24, s11, $0xb8;
	[tilespmem:$0x1D800] =	vst v63  }
0x1a2: {  	_ =	swait.ge [sflag:s15], $0x4000  }
0x1a3: {  	[sflag:s15] =	ssyncset.done $0x0  }
0x1a4: {  	s7 =	rddreg [dreg:$0xb];
	[sflag:s15] =	ssyncadd.s32 $0xFFFFC000  }
0x1a5: {  	[spmem:s3] =	stream.indirect.scatter.add.f32 [tilespmem:s13], [sflag:$0x3], $0x80, s7, s11, $0xb8;
	[tilespmem:$0x1D800] =	vst v63  }
0x1a6: {  	_ =	swait.ge [sflag:s9], $0x4000  }
0x1a7: {  	[sflag:s9] =	ssyncset.done $0x0  }
0x1a8: {  	s8 =	rddreg [dreg:$0xc];
	[sflag:s9] =	ssyncadd.s32 $0xFFFFC000  }
0x1a9: {  	[tilespmem:s13], [sflag:$0x2] =	stream.indirect.gather [hbm4b:s0+s11], $0x80, s8, s11, $0xb8;
	[tilespmem:$0x1D800] =	vst v63  }
0x1aa: {  	_ =	swait.ge [sflag:s14], $0x4000  }
0x1ab: {  	[sflag:s14] =	ssyncset.done $0x0  }
0x1ac: {  	s24 =	rddreg [dreg:$0xd];
	[sflag:s14] =	ssyncadd.s32 $0xFFFFC000  }
0x1ad: {  	[spmem:s3] =	stream.indirect.scatter.add.f32 [tilespmem:s12], [sflag:$0x3], $0x80, s24, s11, $0xb8;
	[tilespmem:$0x1D800] =	vst v63  }
0x1ae: {  	_ =	swait.ge [sflag:s9], $0x4000  }
0x1af: {  	[sflag:s9] =	ssyncset.done $0x0  }
0x1b0: {  	s7 =	rddreg [dreg:$0xe];
	[sflag:s9] =	ssyncadd.s32 $0xFFFFC000  }
0x1b1: {  	[tilespmem:s12], [sflag:$0x1] =	stream.indirect.gather [hbm4b:s0+s11], $0x80, s7, s11, $0xb8;
	[tilespmem:$0x1D800] =	vst v63  }
0x1b2: {  	_ =	swait.ge [sflag:s15], $0x4000  }
0x1b3: {  	[sflag:s15] =	ssyncset.done $0x0  }
0x1b4: {  	s8 =	rddreg [dreg:$0xf];
	[sflag:s15] =	ssyncadd.s32 $0xFFFFC000  }
0x1b5: {  	[spmem:s3] =	stream.indirect.scatter.add.f32 [tilespmem:s13], [sflag:$0x3], $0x80, s8, s11, $0xb8;
	[tilespmem:$0x1D800] =	vst v63  }
0x1b6: {  	_ =	swait.ge [sflag:s9], $0x4000  }
0x1b7: {  	[sflag:s9] =	ssyncset.done $0x0  }
0x1b8: {  	s24 =	rddreg [dreg:$0x10];
	[sflag:s9] =	ssyncadd.s32 $0xFFFFC000  }
0x1b9: {  	[tilespmem:s13], [sflag:$0x2] =	stream.indirect.gather [hbm4b:s0+s11], $0x80, s24, s11, $0xb8;
	[tilespmem:$0x1D800] =	vst v63  }
0x1ba: {  	_ =	swait.ge [sflag:s14], $0x4000  }
0x1bb: {  	[sflag:s14] =	ssyncset.done $0x0  }
0x1bc: {  	s7 =	rddreg [dreg:$0x11];
	[sflag:s14] =	ssyncadd.s32 $0xFFFFC000  }
0x1bd: {  	[spmem:s3] =	stream.indirect.scatter.add.f32 [tilespmem:s12], [sflag:$0x3], $0x80, s7, s11, $0xb8;
	[tilespmem:$0x1D800] =	vst v63  }
0x1be: {  	_ =	swait.ge [sflag:s9], $0x4000  }
0x1bf: {  	[sflag:s9] =	ssyncset.done $0x0  }
0x1c0: {  	s8 =	rddreg [dreg:$0x12];
	[sflag:s9] =	ssyncadd.s32 $0xFFFFC000  }
0x1c1: {  	[tilespmem:s12], [sflag:$0x1] =	stream.indirect.gather [hbm4b:s0+s11], $0x80, s8, s11, $0xb8;
	[tilespmem:$0x1D800] =	vst v63  }
0x1c2: {  	_ =	swait.ge [sflag:s15], $0x4000  }
0x1c3: {  	[sflag:s15] =	ssyncset.done $0x0  }
0x1c4: {  	s24 =	rddreg [dreg:$0x13];
	[sflag:s15] =	ssyncadd.s32 $0xFFFFC000  }
0x1c5: {  	[spmem:s3] =	stream.indirect.scatter.add.f32 [tilespmem:s13], [sflag:$0x3], $0x80, s24, s11, $0xb8;
	[tilespmem:$0x1D800] =	vst v63  }
0x1c6: {  	_ =	swait.ge [sflag:s9], $0x4000  }
0x1c7: {  	[sflag:s9] =	ssyncset.done $0x0  }
0x1c8: {  	s7 =	rddreg [dreg:$0x14];
	[sflag:s9] =	ssyncadd.s32 $0xFFFFC000  }
0x1c9: {  	[tilespmem:s13], [sflag:$0x2] =	stream.indirect.gather [hbm4b:s0+s11], $0x80, s7, s11, $0xb8;
	[tilespmem:$0x1D800] =	vst v63  }
0x1ca: {  	_ =	swait.ge [sflag:s14], $0x4000  }
0x1cb: {  	[sflag:s14] =	ssyncset.done $0x0  }
0x1cc: {  	s8 =	rddreg [dreg:$0x15];
	[sflag:s14] =	ssyncadd.s32 $0xFFFFC000  }
0x1cd: {  	[spmem:s3] =	stream.indirect.scatter.add.f32 [tilespmem:s12], [sflag:$0x3], $0x80, s8, s11, $0xb8;
	[tilespmem:$0x1D800] =	vst v63  }
0x1ce: {  	_ =	swait.ge [sflag:s9], $0x4000  }
0x1cf: {  	[sflag:s9] =	ssyncset.done $0x0  }
0x1d0: {  	s24 =	rddreg [dreg:$0x16];
	[sflag:s9] =	ssyncadd.s32 $0xFFFFC000  }
0x1d1: {  	[tilespmem:s12], [sflag:$0x1] =	stream.indirect.gather [hbm4b:s0+s11], $0x80, s24, s11, $0xb8;
	[tilespmem:$0x1D800] =	vst v63  }
0x1d2: {  	_ =	swait.ge [sflag:s15], $0x4000  }
0x1d3: {  	[sflag:s15] =	ssyncset.done $0x0  }
0x1d4: {  	s7 =	rddreg [dreg:$0x17];
	[sflag:s15] =	ssyncadd.s32 $0xFFFFC000  }
0x1d5: {  	[spmem:s3] =	stream.indirect.scatter.add.f32 [tilespmem:s13], [sflag:$0x3], $0x80, s7, s11, $0xb8;
	[tilespmem:$0x1D800] =	vst v63  }
0x1d6: {  	_ =	swait.ge [sflag:s9], $0x4000  }
0x1d7: {  	[sflag:s9] =	ssyncset.done $0x0  }
0x1d8: {  	s8 =	rddreg [dreg:$0x18];
	[sflag:s9] =	ssyncadd.s32 $0xFFFFC000  }
0x1d9: {  	[tilespmem:s13], [sflag:$0x2] =	stream.indirect.gather [hbm4b:s0+s11], $0x80, s8, s11, $0xb8;
	[tilespmem:$0x1D800] =	vst v63  }
0x1da: {  	_ =	swait.ge [sflag:s14], $0x4000  }
0x1db: {  	[sflag:s14] =	ssyncset.done $0x0  }
0x1dc: {  	s24 =	rddreg [dreg:$0x19];
	[sflag:s14] =	ssyncadd.s32 $0xFFFFC000  }
0x1dd: {  	[spmem:s3] =	stream.indirect.scatter.add.f32 [tilespmem:s12], [sflag:$0x3], $0x80, s24, s11, $0xb8;
	[tilespmem:$0x1D800] =	vst v63  }
0x1de: {  	_ =	swait.ge [sflag:s9], $0x4000  }
0x1df: {  	[sflag:s9] =	ssyncset.done $0x0  }
0x1e0: {  	[sflag:s9] =	ssyncadd.s32 $0xFFFFC000  }
0x1e1: {  	[tilespmem:s12], [sflag:$0x1] =	stream.indirect.gather [hbm4b:s0+s11], $0x80, s16, s11, $0xb8;
	[tilespmem:$0x1D800] =	vst v63  }
0x1e2: {  	_ =	swait.ge [sflag:s15], $0x4000  }
0x1e3: {  	[sflag:s15] =	ssyncset.done $0x0  }
0x1e4: {  	[sflag:s15] =	ssyncadd.s32 $0xFFFFC000  }
0x1e5: {  	[spmem:s3] =	stream.indirect.scatter.add.f32 [tilespmem:s13], [sflag:$0x3], $0x80, s17, s11, $0xb8;
	[tilespmem:$0x1D800] =	vst v63  }
0x1e6: {  	_ =	swait.ge [sflag:s9], $0x4000  }
0x1e7: {  	[sflag:s9] =	ssyncset.done $0x0  }
0x1e8: {  	[sflag:s9] =	ssyncadd.s32 $0xFFFFC000  }
0x1e9: {  	[tilespmem:s13], [sflag:$0x2] =	stream.indirect.gather [hbm4b:s0+s11], $0x80, s18, s11, $0xb8;
	[tilespmem:$0x1D800] =	vst v63  }
0x1ea: {  	_ =	swait.ge [sflag:s14], $0x4000  }
0x1eb: {  	[sflag:s14] =	ssyncset.done $0x0  }
0x1ec: {  	[sflag:s14] =	ssyncadd.s32 $0xFFFFC000  }
0x1ed: {  	[spmem:s3] =	stream.indirect.scatter.add.f32 [tilespmem:s12], [sflag:$0x3], $0x80, s19, s11, $0xb8;
	[tilespmem:$0x1D800] =	vst v63  }
0x1ee: {  	_ =	swait.ge [sflag:s9], $0x4000  }
0x1ef: {  	[sflag:s9] =	ssyncset.done $0x0  }
0x1f0: {  	[sflag:s9] =	ssyncadd.s32 $0xFFFFC000  }
0x1f1: {  	[tilespmem:s12], [sflag:$0x1] =	stream.indirect.gather [hbm4b:s0+s11], $0x80, s20, s11, $0xb8;
	[tilespmem:$0x1D800] =	vst v63  }
0x1f2: {  	_ =	swait.ge [sflag:s15], $0x4000  }
0x1f3: {  	[sflag:s15] =	ssyncset.done $0x0  }
0x1f4: {  	[sflag:s15] =	ssyncadd.s32 $0xFFFFC000  }
0x1f5: {  	[spmem:s3] =	stream.indirect.scatter.add.f32 [tilespmem:s13], [sflag:$0x3], $0x80, s21, s11, $0xb8;
	[tilespmem:$0x1D800] =	vst v63  }
0x1f6: {  	_ =	swait.ge [sflag:s9], $0x4000  }
0x1f7: {  	[sflag:s9] =	ssyncset.done $0x0  }
0x1f8: {  	[sflag:s9] =	ssyncadd.s32 $0xFFFFC000  }
0x1f9: {  	[tilespmem:s13], [sflag:$0x2] =	stream.indirect.gather [hbm4b:s0+s11], $0x80, s22, s11, $0xb8;
	[tilespmem:$0x1D800] =	vst v63  }
0x1fa: {  	_ =	swait.ge [sflag:s14], $0x4000  }
0x1fb: {  	[sflag:s14] =	ssyncset.done $0x0  }
0x1fc: {  	[sflag:s14] =	ssyncadd.s32 $0xFFFFC000  }
0x1fd: {  	[spmem:s3] =	stream.indirect.scatter.add.f32 [tilespmem:s12], [sflag:$0x3], $0x80, s23, s11, $0xb8;
	[tilespmem:$0x1D800] =	vst v63  }
0x1fe: {  	_ =	swait.ge [sflag:s9], $0x4000  }
0x1ff: {  	[sflag:s9] =	ssyncset.done $0x0  }
0x200: {  	[sflag:s9] =	ssyncadd.s32 $0xFFFFC000  }
0x201: {  	[tilespmem:s12], [sflag:$0x1] =	stream.indirect.gather [hbm4b:s0+s11], $0x80, s25, s11, $0xb8;
	[tilespmem:$0x1D800] =	vst v63  }
0x202: {  	_ =	swait.ge [sflag:s15], $0x4000  }
0x203: {  	[sflag:s15] =	ssyncset.done $0x0  }
0x204: {  	[sflag:s15] =	ssyncadd.s32 $0xFFFFC000  }
0x205: {  	[spmem:s3] =	stream.indirect.scatter.add.f32 [tilespmem:s13], [sflag:$0x3], $0x80, s26, s11, $0xb8;
	[tilespmem:$0x1D800] =	vst v63  }
0x206: {  	_ =	swait.ge [sflag:s9], $0x4000  }
0x207: {  	[sflag:s9] =	ssyncset.done $0x0  }
0x208: {  	[sflag:s9] =	ssyncadd.s32 $0xFFFFC000  }
0x209: {  	[tilespmem:s13], [sflag:$0x2] =	stream.indirect.gather [hbm4b:s0+s11], $0x80, s28, s11, $0xb8;
	[tilespmem:$0x1D800] =	vst v63  }
0x20a: {  	_ =	swait.ge [sflag:s14], $0x4000  }
0x20b: {  	[sflag:s14] =	ssyncset.done $0x0  }
0x20c: {  	[sflag:s14] =	ssyncadd.s32 $0xFFFFC000  }
0x20d: {  	[spmem:s3] =	stream.indirect.scatter.add.f32 [tilespmem:s12], [sflag:$0x3], $0x80, s29, s11, $0xb8;
	[tilespmem:$0x1D800] =	vst v63  }
0x20e: {  	_ =	swait.ge [sflag:s9], $0x4000  }
0x20f: {  	[sflag:s9] =	ssyncset.done $0x0  }
0x210: {  	[sflag:s9] =	ssyncadd.s32 $0xFFFFC000  }
0x211: {  	[tilespmem:s12], [sflag:$0x1] =	stream.indirect.gather [hbm4b:s0+s11], $0x80, s30, s11, $0xb8;
	[tilespmem:$0x1D800] =	vst v63  }
0x212: {  	_ =	swait.ge [sflag:s15], $0x4000  }
0x213: {  	[sflag:s15] =	ssyncset.done $0x0  }
0x214: {  	[sflag:s15] =	ssyncadd.s32 $0xFFFFC000  }
0x215: {  	[spmem:s3] =	stream.indirect.scatter.add.f32 [tilespmem:s13], [sflag:$0x3], $0x80, s31, s11, $0xb8;
	[tilespmem:$0x1D800] =	vst v63  }
0x216: {  	_ =	swait.ge [sflag:s9], $0x4000  }
0x217: {  	[sflag:s9] =	ssyncset.done $0x0  }
0x218: {  	[sflag:s9] =	ssyncadd.s32 $0xFFFFC000  }
0x219: {  	[tilespmem:s13], [sflag:$0x2] =	stream.indirect.gather [hbm4b:s0+s11], $0x80, s2, s11, $0xb8;
	[tilespmem:$0x1D800] =	vst v63  }
0x21a: {  	_ =	swait.ge [sflag:s14], $0x4000  }
0x21b: {  	[sflag:s14] =	ssyncset.done $0x0  }
0x21c: {  	[sflag:s14] =	ssyncadd.s32 $0xFFFFC000  }
0x21d: {  	[spmem:s3] =	stream.indirect.scatter.add.f32 [tilespmem:s12], [sflag:$0x3], $0x80, s1, s11, $0xb8;
	[tilespmem:$0x1D800] =	vst v63  }
0x21e: {  	_ =	swait.ge [sflag:s9], $0x4000  }
0x21f: {  	[sflag:s9] =	ssyncset.done $0x0  }
0x220: {  	[sflag:s9] =	ssyncadd.s32 $0xFFFFC000  }
0x221: {  	_ =	swait.ge [sflag:s15], $0x4000  }
0x222: {  	[sflag:s15] =	ssyncset.done $0x0  }
0x223: {  	[sflag:s15] =	ssyncadd.s32 $0xFFFFC000  }
0x224: {  	[spmem:s3] =	stream.indirect.scatter.add.f32 [tilespmem:s13], [sflag:$0x3], $0x80, s5, s11, $0xb8;
	[tilespmem:$0x1D800] =	vst v63  }
0x225: {  	_ =	swait.ge [sflag:s9], $0x4000  }
0x226: {  	[sflag:s9] =	ssyncset.done $0x0  }
0x227: {  	[sflag:s9] =	ssyncadd.s32 $0xFFFFC000  }
0x228: {  	[bflag:$0x0] =	sbarrier.arrive $0xFFFF  }
0x229: {  	s24 =	rddreg [dreg:$0x1b]  }
0x22a: {  	s8 =	rddreg [dreg:$0x1d]  }
0x22b: {  	s7 =	rddreg [dreg:$0x1e]  }
0x22c: {  	[hbm:s7], [sflag:s24] =	dma.local [spmem:s8], $0x2800  }
0x22d: {  	_ =	swait.ge [sflag:s9], $0x2800  }
0x22e: {  	s7 =	rddreg [dreg:$0x1f]  }
0x22f: {  	s6 =	rddreg [dreg:$0x1c];
	s7 =	sadd.s32 $0x1, s7  }
0x230: {  	p0 =	sne.s32 s7, s6  }
.Ltmp1:
0x231: {  	_ = 	snop;
	(pc) =	sbr.rel @p0 .LBB2_1-.Ltmp1, $3  }
0x232: {  	_ =	sdelay $0x1  }
0x233: {  	[sflag:s9] =	ssyncset.done $0x0  }
0x234: {  	[sflag:s9] =	ssyncadd.s32 $0xFFFFD800  }
0x235: {  	_ =	sfence.sel $0x180000  }
0x236: {  	[bflag:$0x0] =	sbarrier.arrive $0xFFFF  }
0x237: {  	_ =	strace $0x9000004D  }
0x238: {  	s0 =	stileid.u32;
	[bflag:$0x2] =	sbarrier.arrive $0xFFFF  }
0x239: {  	p0 =	sne.s32 s0, $0x0;
	s0 =	rddreg [dreg:$0x3]  }
0x23a: {  	s0 =	sadd.s32 @!p0 $0x100000, s0  }
0x23b: {  	[sflag:s0] =	ssyncadd.tile.s32 @!p0 $0x1;
	_ =	shalt  }
.Lfunc_end2:
_tile_overlayer_lowered:
.L_overlay_start_2:
0x23c: {  	(tag) =	ssettag $0x2  }
0x23d: {  	s0 =	rddreg [dreg:$0x0];
	s2 =	stileid.u32  }
0x23e: {  	s1 =	rddreg [dreg:$0x1];
	p0 =	sne.s32 s2, $0x0  }
0x23f: {  	s3 =	rddreg [dreg:$0x2];
	[bflag:$0x3] =	sbarrier.arrive $0xFFFF;
	s2 =	simm.s32 @!p0 $0x1C03  }
0x240: {  	[timem:s3], [sflag:s2] =	dma.local @!p0 [hbm:s0], s1  }
0x241: {  	s0 =	simm.s32 @!p0 $0x3  }
0x242: {  	_ =	swait.ge @!p0 [sflag:s0], s1  }
0x243: {  	s1 =	ssub.s32 @!p0 $0x0, s1;
	[sflag:s0] =	ssyncset.done @!p0 $0x0  }
0x244: {  	[sflag:s0] =	ssyncadd.s32 @!p0 s1  }
0x245: {  	[bflag:$0x3] =	sbarrier.arrive $0xFFFF  }
0x246: {  	_ =	shalt  }

// kernel: kernel.8.cloned.1.call-start
scs
__scs_entry_jumppad:
0x0: {  	(pc) =	sbr.rel $0x88, $3  }
0x1: {  	(tag) =	ssettag $0x0;
	lr =	simm.s32 $0x1  }
0x2: {  	[smem:$0x3F99] =	sst lr;
	_ =	strace $0xD0000000  }
0x3: {  	_ = 	snop  }
0x4: {  	_ = 	snop  }
0x5: {  	_ = 	snop  }
0x6: {  	_ = 	snop  }
0x7: {  	_ = 	snop  }
__scs_overlays_trampoline_lowered:
0x8: {  	[smem:$0x3FA8] =	sst s0  }
0x9: {  	[smem:$0x3FA9] =	sst s1  }
0xa: {  	[smem:$0x3FAA] =	sst s2  }
0xb: {  	[smem:$0x3FAB] =	sst s3  }
0xc: {  	[smem:$0x3FAC] =	sst s4  }
0xd: {  	[smem:$0x3FAD] =	sst s5  }
0xe: {  	[smem:$0x3FAE] =	sst s6  }
0xf: {  	[smem:$0x3FAF] =	sst s7  }
0x10: {  	[smem:$0x3FB0] =	sst s8  }
0x11: {  	[smem:$0x3FB1] =	sst s9;
	s0 =	simm.s32 @!p0 $0x0  }
0x12: {  	s1 =	sld [smem:$0x3F97];
	s0 =	simm.s32 @p0 $0x1  }
0x13: {  	[smem:$0x3FB2] =	sst s0;
	s0 =	simm.s32 @!p1 $0x0  }
0x14: {  	s2 =	sld [smem:$0x3F96];
	s0 =	simm.s32 @p1 $0x1  }
0x15: {  	[smem:$0x3FB3] =	sst s0;
	s0 =	simm.s32 @!p2 $0x0  }
0x16: {  	s3 =	sld [smem:$0x3FDB];
	s0 =	simm.s32 @p2 $0x1  }
0x17: {  	s4 =	simm.s32 $0x1BF5;
	[smem:$0x3FB5] =	sst s0  }
0x18: {  	s0 =	sld [smem:$0x3F98];
	_ =	swait.ge [sflag:s4], $0x0  }
0x19: {  	s7 =	sld [smem:$0x3F99]  }
0x1a: {  	s8 =	sadd.s32 $0xFFFFE003, lr  }
0x1b: {  	s9 =	sadd.s32 $0xFFFFFEF7, lr;
	s5 =	simm.s32 $0xFFFFFFFF;
	p2 =	slt.u32 s8, $0xFFFFF086  }
0x1c: {  	p1 =	slt.u32 s9, $0xF7A;
	s5 =	simm.s32 @!p2 $0x0  }
0x1d: {  	s5 =	simm.s32 @p1 $0x1;
	p0 =	seq.s32 s7, s2  }
0x1e: {  	s7 =	smul.u32 @!p0 $0xF7A, s2;
	p2 =	seq.s32 @!p0 s5, $0x0  }
0x1f: {  	s9 =	smul.u32 $0xF7A, s1;
	s8 =	simm.s32 @!p0 $0x1BF5;
	p2 =	por !p2, p0  }
0x20: {  	[sflag:s8] =	ssyncset.s32 @!p0 $0xFFFFF086;
	s6 =	sadd.s32 @!p0 s3, s7;
	s7 =	simm.s32 @!p0 $0x108  }
0x21: {  	s3 =	sadd.s32 s3, s9;
	s6 =	sadd.s32 @!p0 $0x88, s6;
	s7 =	simm.s32 @p2 $0x1082  }
0x22: {  	[simem:s7], [sflag:s8] =	dma.local @!p0 [hbm:s6], $0xF7A  }
0x23: {  	s9 =	sor.u32 $0xD0000000, s2;
	s6 =	simm.s32 $0x108;
	_ =	swait.ge @!p0 [sflag:s8], $0x0  }
0x24: {  	s3 =	sadd.s32 $0x88, s3;
	s6 =	simm.s32 @!p1 $0x1082;
	[sflag:s4] =	ssyncset.s32 $0xFFFFF086  }
0x25: {  	[simem:s6], [sflag:s4] =	dma.local [hbm:s3], $0xF7A  }
0x26: {  	[smem:$0x3F99] =	sst s1;
	(tag) =	ssettag s2;
	_ =	strace s9  }
0x27: {  	s1 =	sld [smem:$0x3FA9]  }
0x28: {  	s2 =	sld [smem:$0x3FAA]  }
0x29: {  	s4 =	sld [smem:$0x3FAC]  }
0x2a: {  	p0 =	seq.s32 s5, $0x0;
	s5 =	sld [smem:$0x3FAD]  }
0x2b: {  	s6 =	sld [smem:$0x3FAE]  }
0x2c: {  	s7 =	sld [smem:$0x3FAF]  }
0x2d: {  	s3 =	simm.s32 $0x108;
	s8 =	sld [smem:$0x3FB0]  }
0x2e: {  	s3 =	simm.s32 @!p0 $0x1082;
	s9 =	sld [smem:$0x3FB1]  }
0x2f: {  	lr =	sadd.s32 s0, s3;
	s0 =	sld [smem:$0x3FA8]  }
0x30: {  	s3 =	sld [smem:$0x3FAB]  }
0x31: {  	[smem:$0x3FB4] =	sst s10  }
0x32: {  	s10 =	sld [smem:$0x3FB2];
	_ =	sdelay $0x3  }
0x33: {  	p0 =	seq.s32 s10, $0x1;
	s10 =	sld [smem:$0x3FB4];
	_ =	sdelay $0x3  }
0x34: {  	[smem:$0x3FB4] =	sst s10  }
0x35: {  	s10 =	sld [smem:$0x3FB3];
	_ =	sdelay $0x3  }
0x36: {  	p1 =	seq.s32 s10, $0x1;
	s10 =	sld [smem:$0x3FB4];
	_ =	sdelay $0x3  }
0x37: {  	[smem:$0x3FB4] =	sst s10  }
0x38: {  	s10 =	sld [smem:$0x3FB5]  }
0x39: {  	_ = 	snop;
	(pc) =	sbr.ind lr, $3  }
0x3a: {  	_ = 	snop  }
0x3b: {  	_ = 	snop  }
0x3c: {  	p2 =	seq.s32 s10, $0x1;
	s10 =	sld [smem:$0x3FB4]  }
0x3d: {  	_ =	shalt  }
0x3e: {  	_ =	shalt  }
0x3f: {  	_ =	shalt  }
0x40: {  	_ =	shalt  }
0x41: {  	_ =	shalt  }
0x42: {  	_ =	shalt  }
0x43: {  	_ =	shalt  }
0x44: {  	_ =	shalt  }
0x45: {  	_ =	shalt  }
0x46: {  	_ =	shalt  }
0x47: {  	_ =	shalt  }
0x48: {  	_ =	shalt  }
0x49: {  	_ =	shalt  }
0x4a: {  	_ =	shalt  }
0x4b: {  	_ =	shalt  }
0x4c: {  	_ =	shalt  }
0x4d: {  	_ =	shalt  }
0x4e: {  	_ =	shalt  }
0x4f: {  	_ =	shalt  }
0x50: {  	_ =	shalt  }
0x51: {  	_ =	shalt  }
0x52: {  	_ =	shalt  }
0x53: {  	_ =	shalt  }
0x54: {  	_ =	shalt  }
0x55: {  	_ =	shalt  }
0x56: {  	_ =	shalt  }
0x57: {  	_ =	shalt  }
0x58: {  	_ =	shalt  }
0x59: {  	_ =	shalt  }
0x5a: {  	_ =	shalt  }
0x5b: {  	_ =	shalt  }
0x5c: {  	_ =	shalt  }
0x5d: {  	_ =	shalt  }
0x5e: {  	_ =	shalt  }
0x5f: {  	_ =	shalt  }
0x60: {  	_ =	shalt  }
0x61: {  	_ =	shalt  }
0x62: {  	_ =	shalt  }
0x63: {  	_ =	shalt  }
0x64: {  	_ =	shalt  }
0x65: {  	_ =	shalt  }
0x66: {  	_ =	shalt  }
0x67: {  	_ =	shalt  }
0x68: {  	_ =	shalt  }
0x69: {  	_ =	shalt  }
0x6a: {  	_ =	shalt  }
0x6b: {  	_ =	shalt  }
0x6c: {  	_ =	shalt  }
0x6d: {  	_ =	shalt  }
0x6e: {  	_ =	shalt  }
0x6f: {  	_ =	shalt  }
0x70: {  	_ =	shalt  }
0x71: {  	_ =	shalt  }
0x72: {  	_ =	shalt  }
0x73: {  	_ =	shalt  }
0x74: {  	_ =	shalt  }
0x75: {  	_ =	shalt  }
0x76: {  	_ =	shalt  }
0x77: {  	_ =	shalt  }
0x78: {  	_ =	shalt  }
0x79: {  	_ =	shalt  }
0x7a: {  	_ =	shalt  }
0x7b: {  	_ =	shalt  }
0x7c: {  	_ =	shalt  }
0x7d: {  	_ =	shalt  }
0x7e: {  	_ =	shalt  }
0x7f: {  	_ =	shalt  }
0x80: {  	_ =	shalt  }
0x81: {  	_ =	shalt  }
0x82: {  	_ =	shalt  }
0x83: {  	_ =	shalt  }
0x84: {  	_ =	shalt  }
0x85: {  	_ =	shalt  }
0x86: {  	_ =	shalt  }
0x87: {  	_ =	shalt  }
.Lfunc_end0:
.L_simem_size_0:
called_computation_lowered:
.L_overlay_start_0:
0x88: {  	s2 =	sld [smem:$0x3FD9]  }
0x89: {  	s3 =	sld [smem:$0x3FFE];
	_ =	sdelay $0x1  }
0x8a: {  	s1 =	srdreg.scid  }
0x8b: {  	s0 =	sand.u32 $0x1, s1  }
0x8c: {  	s17 =	sshll.u32 s0, $0xA;
	s2 =	sadd.s32 s3, s2  }
0x8d: {  	s2 =	sadd.s32 s2, s17  }
0x8e: {  	[smem:$0x3FC0] =	sst s2  }
0x8f: {  	_ = 	snop  }
0x90: {  	(tm) =	ssettm $0x1  }
0x91: {  	s18 =	sld [smem:$0x3FFB];
	_ =	sdelay $0x3  }
0x92: {  	_ =	strace s18  }
0x93: {  	s2 =	sld [smem:$0x3FFC];
	_ =	sdelay $0x3  }
0x94: {  	_ =	strace s2  }
0x95: {  	s2 =	sld [smem:$0x3FFD];
	_ =	sdelay $0x3  }
0x96: {  	_ =	strace s2  }
0x97: {  	_ =	strace $0x8FFFFFFF  }
0x98: {  	s19 =	sld [smem:$0x3FDB];
	_ =	sdelay $0x1  }
0x99: {  	s20 =	simm.s32 $_scs_section_size  }
0x9a: {  	s4 =	simm.s32 $_size__tile_overlayer_lowered;
	s5 =	simm.s32 $_tile_overlayer_lowered  }
0x9b: {  	s6 =	simm.s32 $0x1BFF;
	s21 =	sshll.u32 s5, $0x1;
	s3 =	sadd.s32 s20, s19  }
0x9c: {  	s22 =	simm.s32 $0x0;
	s4 =	sshll.u32 s4, $0x1;
	s5 =	sadd.s32 s21, s3  }
0x9d: {  	[timem:s22], [sflag:s6] =	dma.local [hbm:s5], s4  }
0x9e: {  	_ =	swait.ge [sflag:s6], s4  }
0x9f: {  	s4 =	ssub.s32 $0x0, s4;
	[sflag:s6] =	ssyncset.done $0x0  }
0xa0: {  	[sflag:s6] =	ssyncadd.s32 s4;
	_ =	sdelay $0x1  }
0xa1: {  	s23 =	simm.s32 $0x1B8B  }
0xa2: {  	_ =	swait.ge [sflag:s23], $0x1  }
0xa3: {  	[sflag:s23] =	ssyncset.done $0x0  }
0xa4: {  	[sflag:s23] =	ssyncadd.s32 $0xFFFFFFFF  }
0xa5: {  	s4 =	sld [smem:$0x0]  }
0xa6: {  	s5 =	sand.u32 $0xFFFFFFFE, s1  }
0xa7: {  	p0 =	sne.s32 s1, s5  }
0xa8: {  	s5 =	sshll.u32 @p0 s5, $0xE  }
0xa9: {  	s5 =	sadd.s32 @p0 $0x11B8D, s5;
	s6 =	sshll.u32 @p0 s4, $0x11  }
0xaa: {  	s5 =	sor.u32 @p0 s6, s5  }
0xab: {  	[sflag:s5] =	ssyncadd.remote.s32 @p0 $0x1;
	_ =	sdelay $0x1  }
0xac: {  	s5 =	simm.s32 @p0 $0x1B8D  }
0xad: {  	_ =	swait.eq @p0 [sflag:s5], $0x1  }
0xae: {  	[sflag:s5] =	ssyncadd.s32 @p0 $0xFFFFFFFF  }
0xaf: {  	s6 =	sshll.u32 @!p0 s1, $0xE  }
0xb0: {  	s6 =	sor.u32 @!p0 $0x4000, s6;
	s5 =	simm.s32 @!p0 $0x1B8D  }
0xb1: {  	s4 =	sshll.u32 @!p0 s4, $0x11;
	s6 =	sadd.s32 @!p0 $0x11B8D, s6;
	_ =	swait.eq @!p0 [sflag:s5], $0x1  }
0xb2: {  	s4 =	sor.u32 @!p0 s4, s6;
	[sflag:s5] =	ssyncadd.s32 @!p0 $0xFFFFFFFF  }
0xb3: {  	s25 =	simm.s32 $0x1B8E;
	s24 =	sld [smem:$0x3FFE];
	[sflag:s4] =	ssyncadd.remote.s32 @!p0 $0x1  }
0xb4: {  	s26 =	simm.s32 $execute0_lowered;
	[smem:$0x3FD2] =	sst s25  }
0xb5: {  	s5 =	sshll.u32 s26, $0x1;
	_ =	strace $0x80000049;
	[dreg:$0x1] =	wrdreg $0xFFFFFFFF  }
0xb6: {  	s28 =	simm.s32 $_size_execute0_lowered;
	s3 =	sadd.s32 s3, s5;
	[dreg:$0x0] =	wrdreg $0x0  }
0xb7: {  	s5 =	sshll.u32 s28, $0x1;
	[dreg:$0x2] =	wrdreg s3  }
0xb8: {  	[dreg:$0x3] =	wrdreg s5  }
0xb9: {  	[dreg:$0x4] =	wrdreg $0xC0  }
0xba: {  	_ =	task [dreg:s22], $0x5FFFF  }
0xbb: {  	[dreg:$0x1] =	wrdreg $0xFFFFFFFF  }
0xbc: {  	[dreg:$0x0] =	wrdreg $0x60  }
0xbd: {  	[dreg:$0x2] =	wrdreg s24  }
0xbe: {  	[dreg:$0x3] =	wrdreg $0x4C000  }
0xbf: {  	[dreg:$0x4] =	wrdreg $0x9  }
0xc0: {  	_ =	task.clear_ibuf [dreg:s22], $0x5FFFF;
	_ =	strace $0x90000049  }
0xc1: {  	s29 =	simm.s32 $0x9;
	_ =	strace $0x8000004B  }
0xc2: {  	_ =	swait.ge [sflag:s29], $0x1  }
0xc3: {  	[sflag:s29] =	ssyncadd.s32 $0xFFFFFFFF  }
0xc4: {  	_ =	strace $0x9000004B  }
0xc5: {  	_ =	sfence  }
0xc6: {  	s30 =	sld [smem:$0x0];
	_ =	sdelay $0x2  }
0xc7: {  	s31 =	sshll.u32 s1, $0xD;
	s1 =	sshrl.u32 s1, $0x2  }
0xc8: {  	s4 =	sand.u32 $0x4000, s31;
	s1 =	sadd.s32 s1, s30  }
0xc9: {  	s0 =	sor.u32 s4, s0;
	s1 =	sshll.u32 s1, $0x11  }
0xca: {  	s0 =	sor.u32 s1, s0  }
0xcb: {  	s0 =	sadd.s32 $0x8F2B, s0  }
0xcc: {  	[sflag:s0] =	ssyncadd.remote.s32 $0x1  }
0xcd: {  	_ =	sfence.sel $0xFFFF  }
0xce: {  	[dreg:$0x0] =	wrdreg $0xFFFFFFFF;
	(pc) =	sbr.abs _section_cstart, $3  }
0xcf: {  	[dreg:$0x1] =	wrdreg $0xFFFFFFFF  }
0xd0: {  	_ =	task.clear_ibuf [dreg:s22], $0x2FFFF;
	_ =	strace $0x9FFFFFFF  }
0xd1: {  	(tm) =	ssettm $0x7FFFFFFF  }
tec
execute0_lowered:
.L_overlay_start_1:
0x0: {  	(tag) =	ssettag $0x1  }
0x1: {  	s0 =	srdreg.scid;
	s1 =	rddreg [dreg:$0x0]  }
0x2: {  	s8 =	stileid.u32;
	s2 =	rddreg [dreg:$0x1];
	s10 =	simm.s32 $0x1  }
0x3: {  	s11 =	simm.s32 $0xC00;
	s12 =	simm.s32 $0x80;
	s13 =	simm.s32 $0x100  }
0x4: {  	s14 =	simm.s32 $0x180;
	s15 =	simm.s32 $0x200;
	s16 =	simm.s32 $0x280  }
0x5: {  	s17 =	simm.s32 $0x300;
	s18 =	simm.s32 $0x380;
	s19 =	simm.s32 $0x400  }
0x6: {  	s20 =	simm.s32 $0x480;
	s28 =	simm.s32 $0x780;
	s29 =	simm.s32 $0x800  }
0x7: {  	s30 =	simm.s32 $0x880;
	s31 =	simm.s32 $0x900;
	s0 =	sand.u32 $0x1, s0  }
0x8: {  	s6 =	sadd.s32 $0x1A200, s1;
	s21 =	smul.u32 $0x50000, s8;
	s7 =	sadd.s32 $0x78A00, s1  }
0x9: {  	s24 =	sshll.u32 s8, $0x6;
	s25 =	smul.u32 $0x2800, s8;
	s3 =	sshll.u32 s0, $0x4  }
0xa: {  	s5 =	smul.u32 $0x28000, s0;
	s0 =	ssub.s32 $0x2, s0;
	s4 =	sor.u32 s8, s3  }
0xb: {  	s3 =	simm.s32 $0x0;
	s22 =	sshrl.u32 s0, $0x1;
	s23 =	sshrl.u32 s21, $0x2  }
0xc: {  	s21 =	simm.s32 $0x500;
	s4 =	smul.u32 $0x600, s4;
	[smem:$0x7FF] =	sst s3  }
0xd: {  	s0 =	ssub.s32 s0, s22;
	_ =	strace $0x8000004A;
	[dreg:$0x3] =	wrdreg s6  }
0xe: {  	s22 =	simm.s32 $0x580;
	[dreg:$0x4] =	wrdreg s7;
	s6 =	sor.u32 $0x1C01, s24  }
0xf: {  	s0 =	smax.u32 s0, $0x1;
	s4 =	sadd.s32 s4, s1;
	s1 =	sadd.s32 s5, s1  }
0x10: {  	s5 =	sadd.s32 s23, s2;
	[dreg:$0x5] =	wrdreg s0;
	s23 =	simm.s32 $0x600  }
0x11: {  	s0 =	simm.s32 $0x0;
	s7 =	sadd.s32 $0x6CA00, s4;
	s1 =	sadd.s32 $0x79200, s1  }
0x12: {  	s9 =	sshrl.u32 s5, $0x3;
	s26 =	sadd.s32 s25, s1;
	s25 =	simm.s32 $0x680  }
0x13: {  	s1 =	simm.s32 $0x980;
	[dreg:$0x6] =	wrdreg s26;
	s26 =	simm.s32 $0x700  }
.LBB2_1:
0x14: {  	s4 =	rddreg [dreg:$0x3]  }
0x15: {  	[spmem:s9], [sflag:s6] =	dma.local [hbm:s4], $0x2800  }
0x16: {  	_ =	swait.ge [sflag:s10], $0x2800  }
0x17: {  	[sflag:s10] =	ssyncset.done $0x0  }
0x18: {  	s8 =	rddreg [dreg:$0x4];
	[sflag:s10] =	ssyncadd.s32 $0xFFFFD800  }
0x19: {  	[tilespmem:s11], [sflag:$0x1] =	stream.linear.gather [hbm4b:s8+s3], $0x4000, $0x38;
	[tilespmem:$0x18C00] =	vst v63  }
0x1a: {  	_ =	swait.ge [sflag:s10], $0x4000  }
0x1b: {  	[sflag:s10] =	ssyncset.done $0x0  }
0x1c: {  	[sflag:s10] =	ssyncadd.s32 $0xFFFFC000  }
0x1d: {  	s24 =	sadd.s32 $0x0, s7;
	[bflag:$0x0] =	sbarrier.arrive $0xFFFF  }
0x1e: {  	[tilespmem:s3], [sflag:$0x1] =	stream.linear.gather [hbm4b:s24+s3], $0xA00, $0x38;
	[tilespmem:$0x18C00] =	vst v63  }
0x1f: {  	_ =	swait.ge [sflag:s10], $0xA00  }
0x20: {  	[sflag:s10] =	ssyncset.done $0x0  }
0x21: {  	[sflag:s10] =	ssyncadd.s32 $0xFFFFF600  }
0x22: {  	[spmem:s2] =	stream.indirect.scatter.add.f32 [tilespmem:s11], [sflag:$0x1], $0x80, s3, s12, $0xb8;
	[tilespmem:$0x18C00] =	vst v63  }
0x23: {  	_ =	swait.ge [sflag:s10], $0x4000  }
0x24: {  	[sflag:s10] =	ssyncset.done $0x0  }
0x25: {  	[sflag:s10] =	ssyncadd.s32 $0xFFFFC000  }
0x26: {  	[spmem:s2] =	stream.indirect.scatter.add.f32 [tilespmem:s11], [sflag:$0x1], $0x80, s12, s12, $0xb8;
	[tilespmem:$0x18C00] =	vst v63  }
0x27: {  	_ =	swait.ge [sflag:s10], $0x4000  }
0x28: {  	[sflag:s10] =	ssyncset.done $0x0  }
0x29: {  	[sflag:s10] =	ssyncadd.s32 $0xFFFFC000  }
0x2a: {  	[spmem:s2] =	stream.indirect.scatter.add.f32 [tilespmem:s11], [sflag:$0x1], $0x80, s13, s12, $0xb8;
	[tilespmem:$0x18C00] =	vst v63  }
0x2b: {  	_ =	swait.ge [sflag:s10], $0x4000  }
0x2c: {  	[sflag:s10] =	ssyncset.done $0x0  }
0x2d: {  	[sflag:s10] =	ssyncadd.s32 $0xFFFFC000  }
0x2e: {  	[spmem:s2] =	stream.indirect.scatter.add.f32 [tilespmem:s11], [sflag:$0x1], $0x80, s14, s12, $0xb8;
	[tilespmem:$0x18C00] =	vst v63  }
0x2f: {  	_ =	swait.ge [sflag:s10], $0x4000  }
0x30: {  	[sflag:s10] =	ssyncset.done $0x0  }
0x31: {  	[sflag:s10] =	ssyncadd.s32 $0xFFFFC000  }
0x32: {  	[spmem:s2] =	stream.indirect.scatter.add.f32 [tilespmem:s11], [sflag:$0x1], $0x80, s15, s12, $0xb8;
	[tilespmem:$0x18C00] =	vst v63  }
0x33: {  	_ =	swait.ge [sflag:s10], $0x4000  }
0x34: {  	[sflag:s10] =	ssyncset.done $0x0  }
0x35: {  	[sflag:s10] =	ssyncadd.s32 $0xFFFFC000  }
0x36: {  	[spmem:s2] =	stream.indirect.scatter.add.f32 [tilespmem:s11], [sflag:$0x1], $0x80, s16, s12, $0xb8;
	[tilespmem:$0x18C00] =	vst v63  }
0x37: {  	_ =	swait.ge [sflag:s10], $0x4000  }
0x38: {  	[sflag:s10] =	ssyncset.done $0x0  }
0x39: {  	[sflag:s10] =	ssyncadd.s32 $0xFFFFC000  }
0x3a: {  	[spmem:s2] =	stream.indirect.scatter.add.f32 [tilespmem:s11], [sflag:$0x1], $0x80, s17, s12, $0xb8;
	[tilespmem:$0x18C00] =	vst v63  }
0x3b: {  	_ =	swait.ge [sflag:s10], $0x4000  }
0x3c: {  	[sflag:s10] =	ssyncset.done $0x0  }
0x3d: {  	[sflag:s10] =	ssyncadd.s32 $0xFFFFC000  }
0x3e: {  	[spmem:s2] =	stream.indirect.scatter.add.f32 [tilespmem:s11], [sflag:$0x1], $0x80, s18, s12, $0xb8;
	[tilespmem:$0x18C00] =	vst v63  }
0x3f: {  	_ =	swait.ge [sflag:s10], $0x4000  }
0x40: {  	[sflag:s10] =	ssyncset.done $0x0  }
0x41: {  	[sflag:s10] =	ssyncadd.s32 $0xFFFFC000  }
0x42: {  	[spmem:s2] =	stream.indirect.scatter.add.f32 [tilespmem:s11], [sflag:$0x1], $0x80, s19, s12, $0xb8;
	[tilespmem:$0x18C00] =	vst v63  }
0x43: {  	_ =	swait.ge [sflag:s10], $0x4000  }
0x44: {  	[sflag:s10] =	ssyncset.done $0x0  }
0x45: {  	[sflag:s10] =	ssyncadd.s32 $0xFFFFC000  }
0x46: {  	[spmem:s2] =	stream.indirect.scatter.add.f32 [tilespmem:s11], [sflag:$0x1], $0x80, s20, s12, $0xb8;
	[tilespmem:$0x18C00] =	vst v63  }
0x47: {  	_ =	swait.ge [sflag:s10], $0x4000  }
0x48: {  	[sflag:s10] =	ssyncset.done $0x0  }
0x49: {  	[sflag:s10] =	ssyncadd.s32 $0xFFFFC000  }
0x4a: {  	[spmem:s2] =	stream.indirect.scatter.add.f32 [tilespmem:s11], [sflag:$0x1], $0x80, s21, s12, $0xb8;
	[tilespmem:$0x18C00] =	vst v63  }
0x4b: {  	_ =	swait.ge [sflag:s10], $0x4000  }
0x4c: {  	[sflag:s10] =	ssyncset.done $0x0  }
0x4d: {  	[sflag:s10] =	ssyncadd.s32 $0xFFFFC000  }
0x4e: {  	[spmem:s2] =	stream.indirect.scatter.add.f32 [tilespmem:s11], [sflag:$0x1], $0x80, s22, s12, $0xb8;
	[tilespmem:$0x18C00] =	vst v63  }
0x4f: {  	_ =	swait.ge [sflag:s10], $0x4000  }
0x50: {  	[sflag:s10] =	ssyncset.done $0x0  }
0x51: {  	[sflag:s10] =	ssyncadd.s32 $0xFFFFC000  }
0x52: {  	[spmem:s2] =	stream.indirect.scatter.add.f32 [tilespmem:s11], [sflag:$0x1], $0x80, s23, s12, $0xb8;
	[tilespmem:$0x18C00] =	vst v63  }
0x53: {  	_ =	swait.ge [sflag:s10], $0x4000  }
0x54: {  	[sflag:s10] =	ssyncset.done $0x0  }
0x55: {  	[sflag:s10] =	ssyncadd.s32 $0xFFFFC000  }
0x56: {  	[spmem:s2] =	stream.indirect.scatter.add.f32 [tilespmem:s11], [sflag:$0x1], $0x80, s25, s12, $0xb8;
	[tilespmem:$0x18C00] =	vst v63  }
0x57: {  	_ =	swait.ge [sflag:s10], $0x4000  }
0x58: {  	[sflag:s10] =	ssyncset.done $0x0  }
0x59: {  	[sflag:s10] =	ssyncadd.s32 $0xFFFFC000  }
0x5a: {  	[spmem:s2] =	stream.indirect.scatter.add.f32 [tilespmem:s11], [sflag:$0x1], $0x80, s26, s12, $0xb8;
	[tilespmem:$0x18C00] =	vst v63  }
0x5b: {  	_ =	swait.ge [sflag:s10], $0x4000  }
0x5c: {  	[sflag:s10] =	ssyncset.done $0x0  }
0x5d: {  	[sflag:s10] =	ssyncadd.s32 $0xFFFFC000  }
0x5e: {  	[spmem:s2] =	stream.indirect.scatter.add.f32 [tilespmem:s11], [sflag:$0x1], $0x80, s28, s12, $0xb8;
	[tilespmem:$0x18C00] =	vst v63  }
0x5f: {  	_ =	swait.ge [sflag:s10], $0x4000  }
0x60: {  	[sflag:s10] =	ssyncset.done $0x0  }
0x61: {  	[sflag:s10] =	ssyncadd.s32 $0xFFFFC000  }
0x62: {  	[spmem:s2] =	stream.indirect.scatter.add.f32 [tilespmem:s11], [sflag:$0x1], $0x80, s29, s12, $0xb8;
	[tilespmem:$0x18C00] =	vst v63  }
0x63: {  	_ =	swait.ge [sflag:s10], $0x4000  }
0x64: {  	[sflag:s10] =	ssyncset.done $0x0  }
0x65: {  	[sflag:s10] =	ssyncadd.s32 $0xFFFFC000  }
0x66: {  	[spmem:s2] =	stream.indirect.scatter.add.f32 [tilespmem:s11], [sflag:$0x1], $0x80, s30, s12, $0xb8;
	[tilespmem:$0x18C00] =	vst v63  }
0x67: {  	_ =	swait.ge [sflag:s10], $0x4000  }
0x68: {  	[sflag:s10] =	ssyncset.done $0x0  }
0x69: {  	[sflag:s10] =	ssyncadd.s32 $0xFFFFC000  }
0x6a: {  	[spmem:s2] =	stream.indirect.scatter.add.f32 [tilespmem:s11], [sflag:$0x1], $0x80, s31, s12, $0xb8;
	[tilespmem:$0x18C00] =	vst v63  }
0x6b: {  	_ =	swait.ge [sflag:s10], $0x4000  }
0x6c: {  	[sflag:s10] =	ssyncset.done $0x0  }
0x6d: {  	[sflag:s10] =	ssyncadd.s32 $0xFFFFC000  }
0x6e: {  	[spmem:s2] =	stream.indirect.scatter.add.f32 [tilespmem:s11], [sflag:$0x1], $0x80, s1, s12, $0xb8;
	[tilespmem:$0x18C00] =	vst v63  }
0x6f: {  	_ =	swait.ge [sflag:s10], $0x4000  }
0x70: {  	s5 =	simm.s32 $0x300;
	s4 =	simm.s32 $0x180;
	[sflag:s10] =	ssyncset.done $0x0  }
.LBB2_2:
0x71: {  	s24 =	sadd.s32 s4, s7  }
0x72: {  	[sflag:s10] =	ssyncadd.s32 $0xFFFFC000;
	s4 =	smov.u32 s5;
	s8 =	sadd.s32 $0x180, s5  }
0x73: {  	[tilespmem:s3], [sflag:$0x1] =	stream.linear.gather [hbm4b:s24+s3], $0xA00, $0x38;
	[tilespmem:$0x18C00] =	vst v63  }
0x74: {  	p0 =	sne.s32 s5, $0x480;
	_ =	swait.ge [sflag:s10], $0xA00  }
0x75: {  	[sflag:s10] =	ssyncset.done $0x0  }
0x76: {  	[sflag:s10] =	ssyncadd.s32 $0xFFFFF600  }
0x77: {  	[spmem:s2] =	stream.indirect.scatter.add.f32 [tilespmem:s11], [sflag:$0x1], $0x80, s3, s12, $0xb8;
	[tilespmem:$0x18C00] =	vst v63  }
0x78: {  	_ =	swait.ge [sflag:s10], $0x4000  }
0x79: {  	[sflag:s10] =	ssyncset.done $0x0  }
0x7a: {  	[sflag:s10] =	ssyncadd.s32 $0xFFFFC000  }
0x7b: {  	[spmem:s2] =	stream.indirect.scatter.add.f32 [tilespmem:s11], [sflag:$0x1], $0x80, s12, s12, $0xb8;
	[tilespmem:$0x18C00] =	vst v63  }
0x7c: {  	_ =	swait.ge [sflag:s10], $0x4000  }
0x7d: {  	[sflag:s10] =	ssyncset.done $0x0  }
0x7e: {  	[sflag:s10] =	ssyncadd.s32 $0xFFFFC000  }
0x7f: {  	[spmem:s2] =	stream.indirect.scatter.add.f32 [tilespmem:s11], [sflag:$0x1], $0x80, s13, s12, $0xb8;
	[tilespmem:$0x18C00] =	vst v63  }
0x80: {  	_ =	swait.ge [sflag:s10], $0x4000  }
0x81: {  	[sflag:s10] =	ssyncset.done $0x0  }
0x82: {  	[sflag:s10] =	ssyncadd.s32 $0xFFFFC000  }
0x83: {  	[spmem:s2] =	stream.indirect.scatter.add.f32 [tilespmem:s11], [sflag:$0x1], $0x80, s14, s12, $0xb8;
	[tilespmem:$0x18C00] =	vst v63  }
0x84: {  	_ =	swait.ge [sflag:s10], $0x4000  }
0x85: {  	[sflag:s10] =	ssyncset.done $0x0  }
0x86: {  	[sflag:s10] =	ssyncadd.s32 $0xFFFFC000  }
0x87: {  	[spmem:s2] =	stream.indirect.scatter.add.f32 [tilespmem:s11], [sflag:$0x1], $0x80, s15, s12, $0xb8;
	[tilespmem:$0x18C00] =	vst v63  }
0x88: {  	_ =	swait.ge [sflag:s10], $0x4000  }
0x89: {  	[sflag:s10] =	ssyncset.done $0x0  }
0x8a: {  	[sflag:s10] =	ssyncadd.s32 $0xFFFFC000  }
0x8b: {  	[spmem:s2] =	stream.indirect.scatter.add.f32 [tilespmem:s11], [sflag:$0x1], $0x80, s16, s12, $0xb8;
	[tilespmem:$0x18C00] =	vst v63  }
0x8c: {  	_ =	swait.ge [sflag:s10], $0x4000  }
0x8d: {  	[sflag:s10] =	ssyncset.done $0x0  }
0x8e: {  	[sflag:s10] =	ssyncadd.s32 $0xFFFFC000  }
0x8f: {  	[spmem:s2] =	stream.indirect.scatter.add.f32 [tilespmem:s11], [sflag:$0x1], $0x80, s17, s12, $0xb8;
	[tilespmem:$0x18C00] =	vst v63  }
0x90: {  	_ =	swait.ge [sflag:s10], $0x4000  }
0x91: {  	[sflag:s10] =	ssyncset.done $0x0  }
0x92: {  	[sflag:s10] =	ssyncadd.s32 $0xFFFFC000  }
0x93: {  	[spmem:s2] =	stream.indirect.scatter.add.f32 [tilespmem:s11], [sflag:$0x1], $0x80, s18, s12, $0xb8;
	[tilespmem:$0x18C00] =	vst v63  }
0x94: {  	_ =	swait.ge [sflag:s10], $0x4000  }
0x95: {  	[sflag:s10] =	ssyncset.done $0x0  }
0x96: {  	[sflag:s10] =	ssyncadd.s32 $0xFFFFC000  }
0x97: {  	[spmem:s2] =	stream.indirect.scatter.add.f32 [tilespmem:s11], [sflag:$0x1], $0x80, s19, s12, $0xb8;
	[tilespmem:$0x18C00] =	vst v63  }
0x98: {  	_ =	swait.ge [sflag:s10], $0x4000  }
0x99: {  	[sflag:s10] =	ssyncset.done $0x0  }
0x9a: {  	[sflag:s10] =	ssyncadd.s32 $0xFFFFC000  }
0x9b: {  	[spmem:s2] =	stream.indirect.scatter.add.f32 [tilespmem:s11], [sflag:$0x1], $0x80, s20, s12, $0xb8;
	[tilespmem:$0x18C00] =	vst v63  }
0x9c: {  	_ =	swait.ge [sflag:s10], $0x4000  }
0x9d: {  	[sflag:s10] =	ssyncset.done $0x0  }
0x9e: {  	[sflag:s10] =	ssyncadd.s32 $0xFFFFC000  }
0x9f: {  	[spmem:s2] =	stream.indirect.scatter.add.f32 [tilespmem:s11], [sflag:$0x1], $0x80, s21, s12, $0xb8;
	[tilespmem:$0x18C00] =	vst v63  }
0xa0: {  	_ =	swait.ge [sflag:s10], $0x4000  }
0xa1: {  	[sflag:s10] =	ssyncset.done $0x0  }
0xa2: {  	[sflag:s10] =	ssyncadd.s32 $0xFFFFC000  }
0xa3: {  	[spmem:s2] =	stream.indirect.scatter.add.f32 [tilespmem:s11], [sflag:$0x1], $0x80, s22, s12, $0xb8;
	[tilespmem:$0x18C00] =	vst v63  }
0xa4: {  	_ =	swait.ge [sflag:s10], $0x4000  }
0xa5: {  	[sflag:s10] =	ssyncset.done $0x0  }
0xa6: {  	[sflag:s10] =	ssyncadd.s32 $0xFFFFC000  }
0xa7: {  	[spmem:s2] =	stream.indirect.scatter.add.f32 [tilespmem:s11], [sflag:$0x1], $0x80, s23, s12, $0xb8;
	[tilespmem:$0x18C00] =	vst v63  }
0xa8: {  	_ =	swait.ge [sflag:s10], $0x4000  }
0xa9: {  	[sflag:s10] =	ssyncset.done $0x0  }
0xaa: {  	[sflag:s10] =	ssyncadd.s32 $0xFFFFC000  }
0xab: {  	[spmem:s2] =	stream.indirect.scatter.add.f32 [tilespmem:s11], [sflag:$0x1], $0x80, s25, s12, $0xb8;
	[tilespmem:$0x18C00] =	vst v63  }
0xac: {  	_ =	swait.ge [sflag:s10], $0x4000  }
0xad: {  	[sflag:s10] =	ssyncset.done $0x0  }
0xae: {  	[sflag:s10] =	ssyncadd.s32 $0xFFFFC000  }
0xaf: {  	[spmem:s2] =	stream.indirect.scatter.add.f32 [tilespmem:s11], [sflag:$0x1], $0x80, s26, s12, $0xb8;
	[tilespmem:$0x18C00] =	vst v63  }
0xb0: {  	_ =	swait.ge [sflag:s10], $0x4000  }
0xb1: {  	[sflag:s10] =	ssyncset.done $0x0  }
0xb2: {  	[sflag:s10] =	ssyncadd.s32 $0xFFFFC000  }
0xb3: {  	[spmem:s2] =	stream.indirect.scatter.add.f32 [tilespmem:s11], [sflag:$0x1], $0x80, s28, s12, $0xb8;
	[tilespmem:$0x18C00] =	vst v63  }
0xb4: {  	_ =	swait.ge [sflag:s10], $0x4000  }
0xb5: {  	[sflag:s10] =	ssyncset.done $0x0  }
0xb6: {  	[sflag:s10] =	ssyncadd.s32 $0xFFFFC000  }
0xb7: {  	[spmem:s2] =	stream.indirect.scatter.add.f32 [tilespmem:s11], [sflag:$0x1], $0x80, s29, s12, $0xb8;
	[tilespmem:$0x18C00] =	vst v63  }
0xb8: {  	_ =	swait.ge [sflag:s10], $0x4000  }
0xb9: {  	[sflag:s10] =	ssyncset.done $0x0  }
0xba: {  	[sflag:s10] =	ssyncadd.s32 $0xFFFFC000  }
0xbb: {  	[spmem:s2] =	stream.indirect.scatter.add.f32 [tilespmem:s11], [sflag:$0x1], $0x80, s30, s12, $0xb8;
	[tilespmem:$0x18C00] =	vst v63  }
0xbc: {  	_ =	swait.ge [sflag:s10], $0x4000  }
0xbd: {  	[sflag:s10] =	ssyncset.done $0x0  }
0xbe: {  	[sflag:s10] =	ssyncadd.s32 $0xFFFFC000  }
0xbf: {  	[spmem:s2] =	stream.indirect.scatter.add.f32 [tilespmem:s11], [sflag:$0x1], $0x80, s31, s12, $0xb8;
	[tilespmem:$0x18C00] =	vst v63  }
0xc0: {  	_ =	swait.ge [sflag:s10], $0x4000  }
.Ltmp0:
0xc1: {  	[sflag:s10] =	ssyncset.done $0x0;
	(pc) =	sbr.rel @p0 .LBB2_2-.Ltmp0, $4  }
0xc2: {  	[sflag:s10] =	ssyncadd.s32 $0xFFFFC000  }
0xc3: {  	[spmem:s2] =	stream.indirect.scatter.add.f32 [tilespmem:s11], [sflag:$0x1], $0x80, s1, s12, $0xb8;
	[tilespmem:$0x18C00] =	vst v63  }
0xc4: {  	_ =	swait.ge [sflag:s10], $0x4000  }
0xc5: {  	s5 =	smov.u32 s8;
	[sflag:s10] =	ssyncset.done $0x0  }
0xc6: {  	s4 =	sadd.s32 s4, s7;
	[sflag:s10] =	ssyncadd.s32 $0xFFFFC000  }
0xc7: {  	[tilespmem:s3], [sflag:$0x1] =	stream.linear.gather [hbm4b:s4+s3], $0xA00, $0x38;
	[tilespmem:$0x18C00] =	vst v63  }
0xc8: {  	_ =	swait.ge [sflag:s10], $0xA00  }
0xc9: {  	[sflag:s10] =	ssyncset.done $0x0  }
0xca: {  	[sflag:s10] =	ssyncadd.s32 $0xFFFFF600  }
0xcb: {  	[spmem:s2] =	stream.indirect.scatter.add.f32 [tilespmem:s11], [sflag:$0x1], $0x80, s3, s12, $0xb8;
	[tilespmem:$0x18C00] =	vst v63  }
0xcc: {  	_ =	swait.ge [sflag:s10], $0x4000  }
0xcd: {  	[sflag:s10] =	ssyncset.done $0x0  }
0xce: {  	[sflag:s10] =	ssyncadd.s32 $0xFFFFC000  }
0xcf: {  	[spmem:s2] =	stream.indirect.scatter.add.f32 [tilespmem:s11], [sflag:$0x1], $0x80, s12, s12, $0xb8;
	[tilespmem:$0x18C00] =	vst v63  }
0xd0: {  	_ =	swait.ge [sflag:s10], $0x4000  }
0xd1: {  	[sflag:s10] =	ssyncset.done $0x0  }
0xd2: {  	[sflag:s10] =	ssyncadd.s32 $0xFFFFC000  }
0xd3: {  	[spmem:s2] =	stream.indirect.scatter.add.f32 [tilespmem:s11], [sflag:$0x1], $0x80, s13, s12, $0xb8;
	[tilespmem:$0x18C00] =	vst v63  }
0xd4: {  	_ =	swait.ge [sflag:s10], $0x4000  }
0xd5: {  	[sflag:s10] =	ssyncset.done $0x0  }
0xd6: {  	[sflag:s10] =	ssyncadd.s32 $0xFFFFC000  }
0xd7: {  	[spmem:s2] =	stream.indirect.scatter.add.f32 [tilespmem:s11], [sflag:$0x1], $0x80, s14, s12, $0xb8;
	[tilespmem:$0x18C00] =	vst v63  }
0xd8: {  	_ =	swait.ge [sflag:s10], $0x4000  }
0xd9: {  	[sflag:s10] =	ssyncset.done $0x0  }
0xda: {  	[sflag:s10] =	ssyncadd.s32 $0xFFFFC000  }
0xdb: {  	[spmem:s2] =	stream.indirect.scatter.add.f32 [tilespmem:s11], [sflag:$0x1], $0x80, s15, s12, $0xb8;
	[tilespmem:$0x18C00] =	vst v63  }
0xdc: {  	_ =	swait.ge [sflag:s10], $0x4000  }
0xdd: {  	[sflag:s10] =	ssyncset.done $0x0  }
0xde: {  	[sflag:s10] =	ssyncadd.s32 $0xFFFFC000  }
0xdf: {  	[spmem:s2] =	stream.indirect.scatter.add.f32 [tilespmem:s11], [sflag:$0x1], $0x80, s16, s12, $0xb8;
	[tilespmem:$0x18C00] =	vst v63  }
0xe0: {  	_ =	swait.ge [sflag:s10], $0x4000  }
0xe1: {  	[sflag:s10] =	ssyncset.done $0x0  }
0xe2: {  	[sflag:s10] =	ssyncadd.s32 $0xFFFFC000  }
0xe3: {  	[spmem:s2] =	stream.indirect.scatter.add.f32 [tilespmem:s11], [sflag:$0x1], $0x80, s17, s12, $0xb8;
	[tilespmem:$0x18C00] =	vst v63  }
0xe4: {  	_ =	swait.ge [sflag:s10], $0x4000  }
0xe5: {  	[sflag:s10] =	ssyncset.done $0x0  }
0xe6: {  	[sflag:s10] =	ssyncadd.s32 $0xFFFFC000  }
0xe7: {  	[spmem:s2] =	stream.indirect.scatter.add.f32 [tilespmem:s11], [sflag:$0x1], $0x80, s18, s12, $0xb8;
	[tilespmem:$0x18C00] =	vst v63  }
0xe8: {  	_ =	swait.ge [sflag:s10], $0x4000  }
0xe9: {  	[sflag:s10] =	ssyncset.done $0x0  }
0xea: {  	[sflag:s10] =	ssyncadd.s32 $0xFFFFC000  }
0xeb: {  	[spmem:s2] =	stream.indirect.scatter.add.f32 [tilespmem:s11], [sflag:$0x1], $0x80, s19, s12, $0xb8;
	[tilespmem:$0x18C00] =	vst v63  }
0xec: {  	_ =	swait.ge [sflag:s10], $0x4000  }
0xed: {  	[sflag:s10] =	ssyncset.done $0x0  }
0xee: {  	[sflag:s10] =	ssyncadd.s32 $0xFFFFC000  }
0xef: {  	[spmem:s2] =	stream.indirect.scatter.add.f32 [tilespmem:s11], [sflag:$0x1], $0x80, s20, s12, $0xb8;
	[tilespmem:$0x18C00] =	vst v63  }
0xf0: {  	_ =	swait.ge [sflag:s10], $0x4000  }
0xf1: {  	[sflag:s10] =	ssyncset.done $0x0  }
0xf2: {  	[sflag:s10] =	ssyncadd.s32 $0xFFFFC000  }
0xf3: {  	[spmem:s2] =	stream.indirect.scatter.add.f32 [tilespmem:s11], [sflag:$0x1], $0x80, s21, s12, $0xb8;
	[tilespmem:$0x18C00] =	vst v63  }
0xf4: {  	_ =	swait.ge [sflag:s10], $0x4000  }
0xf5: {  	[sflag:s10] =	ssyncset.done $0x0  }
0xf6: {  	[sflag:s10] =	ssyncadd.s32 $0xFFFFC000  }
0xf7: {  	[spmem:s2] =	stream.indirect.scatter.add.f32 [tilespmem:s11], [sflag:$0x1], $0x80, s22, s12, $0xb8;
	[tilespmem:$0x18C00] =	vst v63  }
0xf8: {  	_ =	swait.ge [sflag:s10], $0x4000  }
0xf9: {  	[sflag:s10] =	ssyncset.done $0x0  }
0xfa: {  	[sflag:s10] =	ssyncadd.s32 $0xFFFFC000  }
0xfb: {  	[spmem:s2] =	stream.indirect.scatter.add.f32 [tilespmem:s11], [sflag:$0x1], $0x80, s23, s12, $0xb8;
	[tilespmem:$0x18C00] =	vst v63  }
0xfc: {  	_ =	swait.ge [sflag:s10], $0x4000  }
0xfd: {  	[sflag:s10] =	ssyncset.done $0x0  }
0xfe: {  	[sflag:s10] =	ssyncadd.s32 $0xFFFFC000  }
0xff: {  	[spmem:s2] =	stream.indirect.scatter.add.f32 [tilespmem:s11], [sflag:$0x1], $0x80, s25, s12, $0xb8;
	[tilespmem:$0x18C00] =	vst v63  }
0x100: {  	_ =	swait.ge [sflag:s10], $0x4000  }
0x101: {  	[sflag:s10] =	ssyncset.done $0x0  }
0x102: {  	[sflag:s10] =	ssyncadd.s32 $0xFFFFC000  }
0x103: {  	[spmem:s2] =	stream.indirect.scatter.add.f32 [tilespmem:s11], [sflag:$0x1], $0x80, s26, s12, $0xb8;
	[tilespmem:$0x18C00] =	vst v63  }
0x104: {  	_ =	swait.ge [sflag:s10], $0x4000  }
0x105: {  	[sflag:s10] =	ssyncset.done $0x0  }
0x106: {  	[sflag:s10] =	ssyncadd.s32 $0xFFFFC000  }
0x107: {  	[spmem:s2] =	stream.indirect.scatter.add.f32 [tilespmem:s11], [sflag:$0x1], $0x80, s28, s12, $0xb8;
	[tilespmem:$0x18C00] =	vst v63  }
0x108: {  	_ =	swait.ge [sflag:s10], $0x4000  }
0x109: {  	[sflag:s10] =	ssyncset.done $0x0  }
0x10a: {  	[sflag:s10] =	ssyncadd.s32 $0xFFFFC000  }
0x10b: {  	[spmem:s2] =	stream.indirect.scatter.add.f32 [tilespmem:s11], [sflag:$0x1], $0x80, s29, s12, $0xb8;
	[tilespmem:$0x18C00] =	vst v63  }
0x10c: {  	_ =	swait.ge [sflag:s10], $0x4000  }
0x10d: {  	[sflag:s10] =	ssyncset.done $0x0  }
0x10e: {  	[sflag:s10] =	ssyncadd.s32 $0xFFFFC000  }
0x10f: {  	[spmem:s2] =	stream.indirect.scatter.add.f32 [tilespmem:s11], [sflag:$0x1], $0x80, s30, s12, $0xb8;
	[tilespmem:$0x18C00] =	vst v63  }
0x110: {  	_ =	swait.ge [sflag:s10], $0x4000  }
0x111: {  	[sflag:s10] =	ssyncset.done $0x0  }
0x112: {  	[sflag:s10] =	ssyncadd.s32 $0xFFFFC000  }
0x113: {  	[spmem:s2] =	stream.indirect.scatter.add.f32 [tilespmem:s11], [sflag:$0x1], $0x80, s31, s12, $0xb8;
	[tilespmem:$0x18C00] =	vst v63  }
0x114: {  	_ =	swait.ge [sflag:s10], $0x4000  }
0x115: {  	[sflag:s10] =	ssyncset.done $0x0  }
0x116: {  	[sflag:s10] =	ssyncadd.s32 $0xFFFFC000  }
0x117: {  	[spmem:s2] =	stream.indirect.scatter.add.f32 [tilespmem:s11], [sflag:$0x1], $0x80, s1, s12, $0xb8;
	[tilespmem:$0x18C00] =	vst v63  }
0x118: {  	_ =	swait.ge [sflag:s10], $0x4000  }
0x119: {  	[sflag:s10] =	ssyncset.done $0x0  }
0x11a: {  	[sflag:s10] =	ssyncadd.s32 $0xFFFFC000  }
0x11b: {  	[bflag:$0x0] =	sbarrier.arrive $0xFFFF  }
0x11c: {  	s8 =	rddreg [dreg:$0x6]  }
0x11d: {  	[hbm:s8], [sflag:s6] =	dma.local [spmem:s9], $0x2800  }
0x11e: {  	_ =	swait.ge [sflag:s10], $0x2800  }
0x11f: {  	s0 =	sadd.s32 $0x1, s0;
	s24 =	rddreg [dreg:$0x5]  }
0x120: {  	p0 =	sne.s32 s0, s24  }
.Ltmp1:
0x121: {  	_ = 	snop;
	(pc) =	sbr.rel @p0 .LBB2_1-.Ltmp1, $3  }
0x122: {  	_ =	sdelay $0x1  }
0x123: {  	[sflag:s10] =	ssyncset.done $0x0  }
0x124: {  	[sflag:s10] =	ssyncadd.s32 $0xFFFFD800  }
0x125: {  	_ =	sfence.sel $0x180000  }
0x126: {  	[bflag:$0x0] =	sbarrier.arrive $0xFFFF  }
0x127: {  	_ =	strace $0x9000004A  }
0x128: {  	s0 =	stileid.u32;
	[bflag:$0x2] =	sbarrier.arrive $0xFFFF  }
0x129: {  	p0 =	sne.s32 s0, $0x0;
	s0 =	rddreg [dreg:$0x2]  }
0x12a: {  	s0 =	sadd.s32 @!p0 $0x100000, s0  }
0x12b: {  	[sflag:s0] =	ssyncadd.tile.s32 @!p0 $0x1;
	_ =	shalt  }
.Lfunc_end2:
_tile_overlayer_lowered:
.L_overlay_start_2:
0x12c: {  	(tag) =	ssettag $0x2  }
0x12d: {  	s0 =	rddreg [dreg:$0x0];
	s2 =	stileid.u32  }
0x12e: {  	s1 =	rddreg [dreg:$0x1];
	p0 =	sne.s32 s2, $0x0  }
0x12f: {  	s3 =	rddreg [dreg:$0x2];
	[bflag:$0x3] =	sbarrier.arrive $0xFFFF;
	s2 =	simm.s32 @!p0 $0x1C01  }
0x130: {  	[timem:s3], [sflag:s2] =	dma.local @!p0 [hbm:s0], s1  }
0x131: {  	s0 =	simm.s32 @!p0 $0x1  }
0x132: {  	_ =	swait.ge @!p0 [sflag:s0], s1  }
0x133: {  	s1 =	ssub.s32 @!p0 $0x0, s1;
	[sflag:s0] =	ssyncset.done @!p0 $0x0  }
0x134: {  	[sflag:s0] =	ssyncadd.s32 @!p0 s1  }
0x135: {  	[bflag:$0x3] =	sbarrier.arrive $0xFFFF  }
0x136: {  	_ =	shalt  }

</sc_bundles>
